<compile_context>
chip_gen: v7x
topology: tpu7x:2x2x1
jax: 0.10.2.dev20260603
libtpu: 0.0.44.dev20260713+nightly
codegen_flags: <defaults>
</compile_context>

<pallas_src>
import functools

import jax
import jax.numpy as jnp
from jax import lax
from jax.experimental import pallas as pl
from jax.experimental.pallas import tpu as pltpu
from jax.experimental.pallas import tpu_sc as plsc

_B = 16384
_D = 64
_NC, _NS = 2, 16
_NW = _NC * _NS
_PW = _B // _NW
_C = 128
_NCHUNK = _PW // _C
_G = _C // 16
_MARGIN = 1.0


def _rsqrt(x):
    i = lax.bitcast_convert_type(x, jnp.int32)
    i = jnp.int32(0x5F3759DF) - lax.shift_right_arithmetic(i, 1)
    y = lax.bitcast_convert_type(i, jnp.float32)
    for _ in range(3):
        y = y * (1.5 - 0.5 * x * y * y)
    return y


def _score16(hh, tt, rr, hr, ht, rt):
    one = jnp.float32(1.0)
    sh = jnp.where(hh > 1.0, _rsqrt(hh), one)
    st = jnp.where(tt > 1.0, _rsqrt(tt), one)
    s2 = sh * sh * hh + rr + st * st * tt + 2.0 * (sh * hr - sh * st * ht - st * rt)
    s2 = jnp.maximum(s2, 0.0)
    return jnp.where(s2 > 0.0, s2 * _rsqrt(s2), jnp.float32(0.0))


_mesh = plsc.VectorSubcoreMesh(core_axis_name="c", subcore_axis_name="s")


@functools.partial(
    pl.kernel,
    mesh=_mesh,
    out_type=jax.ShapeDtypeStruct((_NW, 16), jnp.float32),
    scratch_types=[
        pltpu.VMEM((6, _C), jnp.int32),
        pltpu.VMEM((_C, _D), jnp.float32),
        pltpu.VMEM((_C, _D), jnp.float32),
        pltpu.VMEM((_C, _D), jnp.float32),
        pltpu.VMEM((_C, _D), jnp.float32),
        pltpu.VMEM((_C, _D), jnp.float32),
        pltpu.VMEM((_C, _D), jnp.float32),
        pltpu.VMEM((16,), jnp.float32),
        pltpu.SemaphoreType.DMA,
    ],
    compiler_params=pltpu.CompilerParams(
        needs_layout_passes=False, use_tc_tiling_on_sc=False),
)
def _sc_transe(idx_hbm, ent_hbm, rel_hbm, out_hbm,
               idx_v, hp_v, rp_v, tp_v, hn_v, rn_v, tn_v, acc_v, sem):
    wid = lax.axis_index("c") * _NS + lax.axis_index("s")
    lanes = lax.iota(jnp.int32, 16)
    tables = (ent_hbm, rel_hbm, ent_hbm, ent_hbm, rel_hbm, ent_hbm)
    dsts = (hp_v, rp_v, tp_v, hn_v, rn_v, tn_v)

    acc = jnp.zeros((16,), jnp.float32)
    for chunk in range(_NCHUNK):
        base = wid * _PW + chunk * _C
        pltpu.sync_copy(idx_hbm.at[:, pl.ds(base, _C)], idx_v)
        copies = [pltpu.async_copy(tables[j].at[idx_v.at[j]], dsts[j], sem)
                  for j in range(6)]
        for cp in copies:
            cp.wait()

        def group_body(g, acc):
            rowv = g * 16 + lanes
            zeros = jnp.zeros((16,), jnp.float32)

            def d_body(d, carry):
                (hh_p, tt_p, rr_p, hr_p, ht_p, rt_p,
                 hh_n, tt_n, rr_n, hr_n, ht_n, rt_n) = carry
                dv = jnp.full((16,), d, jnp.int32)
                hp = plsc.load_gather(hp_v, [rowv, dv])
                rp = plsc.load_gather(rp_v, [rowv, dv])
                tp = plsc.load_gather(tp_v, [rowv, dv])
                hn = plsc.load_gather(hn_v, [rowv, dv])
                rn = plsc.load_gather(rn_v, [rowv, dv])
                tn = plsc.load_gather(tn_v, [rowv, dv])
                return (hh_p + hp * hp, tt_p + tp * tp, rr_p + rp * rp,
                        hr_p + hp * rp, ht_p + hp * tp, rt_p + rp * tp,
                        hh_n + hn * hn, tt_n + tn * tn, rr_n + rn * rn,
                        hr_n + hn * rn, ht_n + hn * tn, rt_n + rn * tn)

            carry = lax.fori_loop(0, _D, d_body, (zeros,) * 12)
            sp = _score16(*carry[:6])
            sn = _score16(*carry[6:])
            return acc + jnp.maximum(sp - sn + _MARGIN, 0.0)

        acc = lax.fori_loop(0, _G, group_body, acc)

    acc_v[...] = acc
    pltpu.sync_copy(acc_v, out_hbm.at[wid])


def kernel(pos_triples, neg_triples, entity_emb, relation_emb):
    idx = jnp.concatenate([pos_triples.T, neg_triples.T], axis=0).astype(jnp.int32)
    partials = _sc_transe(idx, entity_emb, relation_emb)
    return jnp.sum(partials) / jnp.float32(_B)

# --- scband reference (transcript-rebuilt; emitter-appended) ---
"""Pipeline reference for scband-trans-e-90632399880414 (READ-ONLY COPY).

The authoritative reference and input builder live on the scoring server;
editing this copy changes nothing except your own understanding.
"""

import jax, jax.numpy as jnp
import numpy as np

NUM_ENTITIES = 1000000
NUM_RELATIONS = 1000000
EMBED_DIM = 64
BATCH = 16384
MARGIN = 1.0


def setup_inputs(seed: int = 0) -> dict:
    key = jax.random.key(seed)
    k1, k2, k3, k4 = jax.random.split(key, 4)
    pos_triples = jax.random.randint(k1, (BATCH, 3), 0, NUM_ENTITIES, dtype=jnp.int64 if jax.config.jax_enable_x64 else jnp.int32).astype(jnp.int32)
    neg_triples = jax.random.randint(k2, (BATCH, 3), 0, NUM_ENTITIES, dtype=jnp.int64 if jax.config.jax_enable_x64 else jnp.int32).astype(jnp.int32)
    entity_emb = jax.random.normal(k3, (NUM_ENTITIES, EMBED_DIM), dtype=jnp.float32)
    relation_emb = jax.random.normal(k4, (NUM_RELATIONS, EMBED_DIM), dtype=jnp.float32)
    return {"pos_triples": pos_triples, "neg_triples": neg_triples, "entity_emb": entity_emb, "relation_emb": relation_emb}


def _entity_lookup(table, idx):
    # nn.Embedding(max_norm=1.0): rows are renormalized to L2 norm <= 1.0 at lookup time
    e = jnp.take(table, idx, axis=0)
    n = jnp.sqrt(jnp.sum(e * e, axis=-1, keepdims=True))
    scale = jnp.where(n > 1.0, 1.0 / (n + 1e-7), 1.0)
    return e * scale


def _score(entity_emb, relation_emb, h, r, t):
    h_emb = _entity_lookup(entity_emb, h)
    r_emb = jnp.take(relation_emb, r, axis=0)
    t_emb = _entity_lookup(entity_emb, t)
    d = h_emb + r_emb - t_emb
    return jnp.sqrt(jnp.sum(d * d, axis=1))  # p_norm=2


def reference(pos_triples, neg_triples, entity_emb, relation_emb):
    pos_scores = _score(entity_emb, relation_emb, pos_triples[:, 0], pos_triples[:, 1], pos_triples[:, 2])
    neg_scores = _score(entity_emb, relation_emb, neg_triples[:, 0], neg_triples[:, 1], neg_triples[:, 2])
    # MarginRankingLoss with target=-1: mean(max(0, -target*(x1-x2) + margin)) = mean(max(0, pos - neg + margin))
    loss = jnp.mean(jnp.maximum(0.0, pos_scores - neg_scores + MARGIN))
    return loss

if __name__ == "__main__":
    import jax
    _d = setup_inputs()
    print(jax.jit(kernel)(*tuple(_d.values())))

</pallas_src>

<mosaic_0001>
#map = affine_map<(d0, d1) -> (0, 0)>
module attributes {stable_mosaic.version = 14 : i64} {
  func.func @_sc_transe(%arg0: i32, %arg1: i32, %arg2: memref<6x16384xi32, #tpu.memory_space<hbm>>, %arg3: memref<1000000x64xf32, #tpu.memory_space<hbm>>, %arg4: memref<1000000x64xf32, #tpu.memory_space<hbm>>, %arg5: memref<32x16xf32, #tpu.memory_space<hbm>>, %arg6: memref<6x128xi32, #tpu.memory_space<vmem>>, %arg7: memref<128x64xf32, #tpu.memory_space<vmem>>, %arg8: memref<128x64xf32, #tpu.memory_space<vmem>>, %arg9: memref<128x64xf32, #tpu.memory_space<vmem>>, %arg10: memref<128x64xf32, #tpu.memory_space<vmem>>, %arg11: memref<128x64xf32, #tpu.memory_space<vmem>>, %arg12: memref<128x64xf32, #tpu.memory_space<vmem>>, %arg13: memref<16xf32, #tpu.memory_space<vmem>>, %arg14: memref<!tpu.dma_semaphore, #tpu.memory_space<semaphore_mem>>) attributes {dimension_semantics = [#tpu.dimension_semantics<core_parallel>, #tpu.dimension_semantics<subcore_parallel>], iteration_bounds = array<i64: 2, 16>, scalar_prefetch = 0 : i64, scratch_operands = 9 : i64, tpu.core_type = #tpu.core_type<sc_vector_subcore>, window_params = [{transform_indices = #map}, {transform_indices = #map}, {transform_indices = #map}, {transform_indices = #map}]} {
    %mul3A = arith.constant 16 : i32
    %mul3A_0 = arith.muli %arg0, %mul3A : i32
    %add3A = arith.addi %mul3A_0, %arg1 : i32
    %iota3A = tpu.iota {dimensions = array<i32: 0>} : vector<16xi32>
    %broadcast_in_dim3A = arith.constant 0.000000e+00 : f32
    %broadcast_in_dim3A_1 = vector.broadcast %broadcast_in_dim3A : f32 to vector<16xf32>
    %mul3A_2 = arith.constant 512 : i32
    %mul3A_3 = arith.muli %add3A, %mul3A_2 : i32
    %add3A_4 = arith.constant 0 : i32
    %add3A_5 = arith.addi %mul3A_3, %add3A_4 : i32
    "tpu.region"() ({
      %run_scoped3A = tpu.sem_alloc : memref<!tpu.dma_semaphore, #tpu.memory_space<semaphore_mem>>
      %dma_start3A_376 = arith.constant 0 : i32
      %dma_start3A_377 = tpu.memref_slice %arg2[%dma_start3A_376, %add3A_5] : memref<6x16384xi32, #tpu.memory_space<hbm>> -> memref<6x128xi32, #tpu.memory_space<hbm>>
      %dma_start3A_378 = arith.constant 0 : i32
      %dma_start3A_379 = tpu.memref_slice %arg2[%dma_start3A_378, %add3A_5] : memref<6x16384xi32, #tpu.memory_space<hbm>> -> memref<6x128xi32, #tpu.memory_space<hbm>>
      tpu.enqueue_dma source(%dma_start3A_379 : memref<6x128xi32, #tpu.memory_space<hbm>>) target(%arg6 : memref<6x128xi32, #tpu.memory_space<vmem>>) target_semaphore(%run_scoped3A : memref<!tpu.dma_semaphore, #tpu.memory_space<semaphore_mem>>)
      %dma_wait3A_380 = arith.constant 0 : i32
      %dma_wait3A_381 = tpu.memref_slice %arg2[%dma_wait3A_380, %add3A_5] : memref<6x16384xi32, #tpu.memory_space<hbm>> -> memref<6x128xi32, #tpu.memory_space<hbm>>
      %dma_wait3A_382 = arith.constant 0 : i32
      %dma_wait3A_383 = tpu.memref_slice %arg2[%dma_wait3A_382, %add3A_5] : memref<6x16384xi32, #tpu.memory_space<hbm>> -> memref<6x128xi32, #tpu.memory_space<hbm>>
      tpu.wait_dma2 semaphore(%run_scoped3A : memref<!tpu.dma_semaphore, #tpu.memory_space<semaphore_mem>>) src(%dma_wait3A_383 : memref<6x128xi32, #tpu.memory_space<hbm>>) dst(%arg6 : memref<6x128xi32, #tpu.memory_space<vmem>>)
      tpu.yield
    }) : () -> ()
    %dma_start3A = arith.constant 0 : i32
    %dma_start3A_6 = arith.constant 0 : i32
    %dma_start3A_7 = tpu.memref_slice %arg6[%dma_start3A, %dma_start3A_6] : memref<6x128xi32, #tpu.memory_space<vmem>> -> memref<1x128xi32, #tpu.memory_space<vmem>>
    %dma_start3A_8 = tpu.memref_squeeze %dma_start3A_7 : memref<1x128xi32, #tpu.memory_space<vmem>> -> memref<128xi32, #tpu.memory_space<vmem>>
    %dma_start3A_9 = arith.constant 0 : i32
    %dma_start3A_10 = arith.constant 0 : i32
    %dma_start3A_11 = tpu.memref_slice %arg3[%dma_start3A_9, %dma_start3A_10] : memref<1000000x64xf32, #tpu.memory_space<hbm>> -> memref<1000000x64xf32, #tpu.memory_space<hbm>>
    tpu.enqueue_indirect_dma source(%dma_start3A_11 : memref<1000000x64xf32, #tpu.memory_space<hbm>>) target(%arg7 : memref<128x64xf32, #tpu.memory_space<vmem>>) offsets(%dma_start3A_8 : memref<128xi32, #tpu.memory_space<vmem>>) semaphore(%arg14 : memref<!tpu.dma_semaphore, #tpu.memory_space<semaphore_mem>>)
    %dma_start3A_12 = arith.constant 1 : i32
    %dma_start3A_13 = arith.constant 0 : i32
    %dma_start3A_14 = tpu.memref_slice %arg6[%dma_start3A_12, %dma_start3A_13] : memref<6x128xi32, #tpu.memory_space<vmem>> -> memref<1x128xi32, #tpu.memory_space<vmem>>
    %dma_start3A_15 = tpu.memref_squeeze %dma_start3A_14 : memref<1x128xi32, #tpu.memory_space<vmem>> -> memref<128xi32, #tpu.memory_space<vmem>>
    %dma_start3A_16 = arith.constant 0 : i32
    %dma_start3A_17 = arith.constant 0 : i32
    %dma_start3A_18 = tpu.memref_slice %arg4[%dma_start3A_16, %dma_start3A_17] : memref<1000000x64xf32, #tpu.memory_space<hbm>> -> memref<1000000x64xf32, #tpu.memory_space<hbm>>
    tpu.enqueue_indirect_dma source(%dma_start3A_18 : memref<1000000x64xf32, #tpu.memory_space<hbm>>) target(%arg8 : memref<128x64xf32, #tpu.memory_space<vmem>>) offsets(%dma_start3A_15 : memref<128xi32, #tpu.memory_space<vmem>>) semaphore(%arg14 : memref<!tpu.dma_semaphore, #tpu.memory_space<semaphore_mem>>)
    %dma_start3A_19 = arith.constant 2 : i32
    %dma_start3A_20 = arith.constant 0 : i32
    %dma_start3A_21 = tpu.memref_slice %arg6[%dma_start3A_19, %dma_start3A_20] : memref<6x128xi32, #tpu.memory_space<vmem>> -> memref<1x128xi32, #tpu.memory_space<vmem>>
    %dma_start3A_22 = tpu.memref_squeeze %dma_start3A_21 : memref<1x128xi32, #tpu.memory_space<vmem>> -> memref<128xi32, #tpu.memory_space<vmem>>
    %dma_start3A_23 = arith.constant 0 : i32
    %dma_start3A_24 = arith.constant 0 : i32
    %dma_start3A_25 = tpu.memref_slice %arg3[%dma_start3A_23, %dma_start3A_24] : memref<1000000x64xf32, #tpu.memory_space<hbm>> -> memref<1000000x64xf32, #tpu.memory_space<hbm>>
    tpu.enqueue_indirect_dma source(%dma_start3A_25 : memref<1000000x64xf32, #tpu.memory_space<hbm>>) target(%arg9 : memref<128x64xf32, #tpu.memory_space<vmem>>) offsets(%dma_start3A_22 : memref<128xi32, #tpu.memory_space<vmem>>) semaphore(%arg14 : memref<!tpu.dma_semaphore, #tpu.memory_space<semaphore_mem>>)
    %dma_start3A_26 = arith.constant 3 : i32
    %dma_start3A_27 = arith.constant 0 : i32
    %dma_start3A_28 = tpu.memref_slice %arg6[%dma_start3A_26, %dma_start3A_27] : memref<6x128xi32, #tpu.memory_space<vmem>> -> memref<1x128xi32, #tpu.memory_space<vmem>>
    %dma_start3A_29 = tpu.memref_squeeze %dma_start3A_28 : memref<1x128xi32, #tpu.memory_space<vmem>> -> memref<128xi32, #tpu.memory_space<vmem>>
    %dma_start3A_30 = arith.constant 0 : i32
    %dma_start3A_31 = arith.constant 0 : i32
    %dma_start3A_32 = tpu.memref_slice %arg3[%dma_start3A_30, %dma_start3A_31] : memref<1000000x64xf32, #tpu.memory_space<hbm>> -> memref<1000000x64xf32, #tpu.memory_space<hbm>>
    tpu.enqueue_indirect_dma source(%dma_start3A_32 : memref<1000000x64xf32, #tpu.memory_space<hbm>>) target(%arg10 : memref<128x64xf32, #tpu.memory_space<vmem>>) offsets(%dma_start3A_29 : memref<128xi32, #tpu.memory_space<vmem>>) semaphore(%arg14 : memref<!tpu.dma_semaphore, #tpu.memory_space<semaphore_mem>>)
    %dma_start3A_33 = arith.constant 4 : i32
    %dma_start3A_34 = arith.constant 0 : i32
    %dma_start3A_35 = tpu.memref_slice %arg6[%dma_start3A_33, %dma_start3A_34] : memref<6x128xi32, #tpu.memory_space<vmem>> -> memref<1x128xi32, #tpu.memory_space<vmem>>
    %dma_start3A_36 = tpu.memref_squeeze %dma_start3A_35 : memref<1x128xi32, #tpu.memory_space<vmem>> -> memref<128xi32, #tpu.memory_space<vmem>>
    %dma_start3A_37 = arith.constant 0 : i32
    %dma_start3A_38 = arith.constant 0 : i32
    %dma_start3A_39 = tpu.memref_slice %arg4[%dma_start3A_37, %dma_start3A_38] : memref<1000000x64xf32, #tpu.memory_space<hbm>> -> memref<1000000x64xf32, #tpu.memory_space<hbm>>
    tpu.enqueue_indirect_dma source(%dma_start3A_39 : memref<1000000x64xf32, #tpu.memory_space<hbm>>) target(%arg11 : memref<128x64xf32, #tpu.memory_space<vmem>>) offsets(%dma_start3A_36 : memref<128xi32, #tpu.memory_space<vmem>>) semaphore(%arg14 : memref<!tpu.dma_semaphore, #tpu.memory_space<semaphore_mem>>)
    %dma_start3A_40 = arith.constant 5 : i32
    %dma_start3A_41 = arith.constant 0 : i32
    %dma_start3A_42 = tpu.memref_slice %arg6[%dma_start3A_40, %dma_start3A_41] : memref<6x128xi32, #tpu.memory_space<vmem>> -> memref<1x128xi32, #tpu.memory_space<vmem>>
    %dma_start3A_43 = tpu.memref_squeeze %dma_start3A_42 : memref<1x128xi32, #tpu.memory_space<vmem>> -> memref<128xi32, #tpu.memory_space<vmem>>
    %dma_start3A_44 = arith.constant 0 : i32
    %dma_start3A_45 = arith.constant 0 : i32
    %dma_start3A_46 = tpu.memref_slice %arg3[%dma_start3A_44, %dma_start3A_45] : memref<1000000x64xf32, #tpu.memory_space<hbm>> -> memref<1000000x64xf32, #tpu.memory_space<hbm>>
    tpu.enqueue_indirect_dma source(%dma_start3A_46 : memref<1000000x64xf32, #tpu.memory_space<hbm>>) target(%arg12 : memref<128x64xf32, #tpu.memory_space<vmem>>) offsets(%dma_start3A_43 : memref<128xi32, #tpu.memory_space<vmem>>) semaphore(%arg14 : memref<!tpu.dma_semaphore, #tpu.memory_space<semaphore_mem>>)
    %dma_wait3A = arith.constant 0 : i32
    %dma_wait3A_47 = arith.constant 0 : i32
    %dma_wait3A_48 = tpu.memref_slice %arg6[%dma_wait3A, %dma_wait3A_47] : memref<6x128xi32, #tpu.memory_space<vmem>> -> memref<1x128xi32, #tpu.memory_space<vmem>>
    %dma_wait3A_49 = tpu.memref_squeeze %dma_wait3A_48 : memref<1x128xi32, #tpu.memory_space<vmem>> -> memref<128xi32, #tpu.memory_space<vmem>>
    %dma_wait3A_50 = arith.constant 0 : i32
    %dma_wait3A_51 = arith.constant 0 : i32
    %dma_wait3A_52 = tpu.memref_slice %arg3[%dma_wait3A_50, %dma_wait3A_51] : memref<1000000x64xf32, #tpu.memory_space<hbm>> -> memref<1000000x64xf32, #tpu.memory_space<hbm>>
    tpu.wait_indirect_dma semaphore(%arg14 : memref<!tpu.dma_semaphore, #tpu.memory_space<semaphore_mem>>) src(%dma_wait3A_52 : memref<1000000x64xf32, #tpu.memory_space<hbm>>) dst(%arg7 : memref<128x64xf32, #tpu.memory_space<vmem>>)
    %dma_wait3A_53 = arith.constant 1 : i32
    %dma_wait3A_54 = arith.constant 0 : i32
    %dma_wait3A_55 = tpu.memref_slice %arg6[%dma_wait3A_53, %dma_wait3A_54] : memref<6x128xi32, #tpu.memory_space<vmem>> -> memref<1x128xi32, #tpu.memory_space<vmem>>
    %dma_wait3A_56 = tpu.memref_squeeze %dma_wait3A_55 : memref<1x128xi32, #tpu.memory_space<vmem>> -> memref<128xi32, #tpu.memory_space<vmem>>
    %dma_wait3A_57 = arith.constant 0 : i32
    %dma_wait3A_58 = arith.constant 0 : i32
    %dma_wait3A_59 = tpu.memref_slice %arg4[%dma_wait3A_57, %dma_wait3A_58] : memref<1000000x64xf32, #tpu.memory_space<hbm>> -> memref<1000000x64xf32, #tpu.memory_space<hbm>>
    tpu.wait_indirect_dma semaphore(%arg14 : memref<!tpu.dma_semaphore, #tpu.memory_space<semaphore_mem>>) src(%dma_wait3A_59 : memref<1000000x64xf32, #tpu.memory_space<hbm>>) dst(%arg8 : memref<128x64xf32, #tpu.memory_space<vmem>>)
    %dma_wait3A_60 = arith.constant 2 : i32
    %dma_wait3A_61 = arith.constant 0 : i32
    %dma_wait3A_62 = tpu.memref_slice %arg6[%dma_wait3A_60, %dma_wait3A_61] : memref<6x128xi32, #tpu.memory_space<vmem>> -> memref<1x128xi32, #tpu.memory_space<vmem>>
    %dma_wait3A_63 = tpu.memref_squeeze %dma_wait3A_62 : memref<1x128xi32, #tpu.memory_space<vmem>> -> memref<128xi32, #tpu.memory_space<vmem>>
    %dma_wait3A_64 = arith.constant 0 : i32
    %dma_wait3A_65 = arith.constant 0 : i32
    %dma_wait3A_66 = tpu.memref_slice %arg3[%dma_wait3A_64, %dma_wait3A_65] : memref<1000000x64xf32, #tpu.memory_space<hbm>> -> memref<1000000x64xf32, #tpu.memory_space<hbm>>
    tpu.wait_indirect_dma semaphore(%arg14 : memref<!tpu.dma_semaphore, #tpu.memory_space<semaphore_mem>>) src(%dma_wait3A_66 : memref<1000000x64xf32, #tpu.memory_space<hbm>>) dst(%arg9 : memref<128x64xf32, #tpu.memory_space<vmem>>)
    %dma_wait3A_67 = arith.constant 3 : i32
    %dma_wait3A_68 = arith.constant 0 : i32
    %dma_wait3A_69 = tpu.memref_slice %arg6[%dma_wait3A_67, %dma_wait3A_68] : memref<6x128xi32, #tpu.memory_space<vmem>> -> memref<1x128xi32, #tpu.memory_space<vmem>>
    %dma_wait3A_70 = tpu.memref_squeeze %dma_wait3A_69 : memref<1x128xi32, #tpu.memory_space<vmem>> -> memref<128xi32, #tpu.memory_space<vmem>>
    %dma_wait3A_71 = arith.constant 0 : i32
    %dma_wait3A_72 = arith.constant 0 : i32
    %dma_wait3A_73 = tpu.memref_slice %arg3[%dma_wait3A_71, %dma_wait3A_72] : memref<1000000x64xf32, #tpu.memory_space<hbm>> -> memref<1000000x64xf32, #tpu.memory_space<hbm>>
    tpu.wait_indirect_dma semaphore(%arg14 : memref<!tpu.dma_semaphore, #tpu.memory_space<semaphore_mem>>) src(%dma_wait3A_73 : memref<1000000x64xf32, #tpu.memory_space<hbm>>) dst(%arg10 : memref<128x64xf32, #tpu.memory_space<vmem>>)
    %dma_wait3A_74 = arith.constant 4 : i32
    %dma_wait3A_75 = arith.constant 0 : i32
    %dma_wait3A_76 = tpu.memref_slice %arg6[%dma_wait3A_74, %dma_wait3A_75] : memref<6x128xi32, #tpu.memory_space<vmem>> -> memref<1x128xi32, #tpu.memory_space<vmem>>
    %dma_wait3A_77 = tpu.memref_squeeze %dma_wait3A_76 : memref<1x128xi32, #tpu.memory_space<vmem>> -> memref<128xi32, #tpu.memory_space<vmem>>
    %dma_wait3A_78 = arith.constant 0 : i32
    %dma_wait3A_79 = arith.constant 0 : i32
    %dma_wait3A_80 = tpu.memref_slice %arg4[%dma_wait3A_78, %dma_wait3A_79] : memref<1000000x64xf32, #tpu.memory_space<hbm>> -> memref<1000000x64xf32, #tpu.memory_space<hbm>>
    tpu.wait_indirect_dma semaphore(%arg14 : memref<!tpu.dma_semaphore, #tpu.memory_space<semaphore_mem>>) src(%dma_wait3A_80 : memref<1000000x64xf32, #tpu.memory_space<hbm>>) dst(%arg11 : memref<128x64xf32, #tpu.memory_space<vmem>>)
    %dma_wait3A_81 = arith.constant 5 : i32
    %dma_wait3A_82 = arith.constant 0 : i32
    %dma_wait3A_83 = tpu.memref_slice %arg6[%dma_wait3A_81, %dma_wait3A_82] : memref<6x128xi32, #tpu.memory_space<vmem>> -> memref<1x128xi32, #tpu.memory_space<vmem>>
    %dma_wait3A_84 = tpu.memref_squeeze %dma_wait3A_83 : memref<1x128xi32, #tpu.memory_space<vmem>> -> memref<128xi32, #tpu.memory_space<vmem>>
    %dma_wait3A_85 = arith.constant 0 : i32
    %dma_wait3A_86 = arith.constant 0 : i32
    %dma_wait3A_87 = tpu.memref_slice %arg3[%dma_wait3A_85, %dma_wait3A_86] : memref<1000000x64xf32, #tpu.memory_space<hbm>> -> memref<1000000x64xf32, #tpu.memory_space<hbm>>
    tpu.wait_indirect_dma semaphore(%arg14 : memref<!tpu.dma_semaphore, #tpu.memory_space<semaphore_mem>>) src(%dma_wait3A_87 : memref<1000000x64xf32, #tpu.memory_space<hbm>>) dst(%arg12 : memref<128x64xf32, #tpu.memory_space<vmem>>)
    %scan3A = arith.constant 0 : i32
    %scan3A_88 = arith.constant 8 : i32
    %scan3A_89 = arith.addi %scan3A, %scan3A_88 : i32
    %scan3A_90 = arith.constant 1 : i32
    %scan3A_91 = scf.for %scan3A_376 = %scan3A to %scan3A_89 step %scan3A_90 iter_args(%scan3A_377 = %broadcast_in_dim3A_1) -> (vector<16xf32>)  : i32 {
      %mul3A_378 = arith.constant 16 : i32
      %mul3A_379 = arith.muli %scan3A_376, %mul3A_378 : i32
      %add3A_380 = vector.broadcast %mul3A_379 : i32 to vector<16xi32>
      %add3A_381 = arith.addi %add3A_380, %iota3A : vector<16xi32>
      %broadcast_in_dim3A_382 = arith.constant 0.000000e+00 : f32
      %broadcast_in_dim3A_383 = vector.broadcast %broadcast_in_dim3A_382 : f32 to vector<16xf32>
      %scan3A_384 = arith.constant 0 : i32
      %scan3A_385 = arith.constant 64 : i32
      %scan3A_386 = arith.addi %scan3A_384, %scan3A_385 : i32
      %scan3A_387 = arith.constant 1 : i32
      %scan3A_388:12 = scf.for %scan3A_677 = %scan3A_384 to %scan3A_386 step %scan3A_387 iter_args(%scan3A_678 = %broadcast_in_dim3A_383, %scan3A_679 = %broadcast_in_dim3A_383, %scan3A_680 = %broadcast_in_dim3A_383, %scan3A_681 = %broadcast_in_dim3A_383, %scan3A_682 = %broadcast_in_dim3A_383, %scan3A_683 = %broadcast_in_dim3A_383, %scan3A_684 = %broadcast_in_dim3A_383, %scan3A_685 = %broadcast_in_dim3A_383, %scan3A_686 = %broadcast_in_dim3A_383, %scan3A_687 = %broadcast_in_dim3A_383, %scan3A_688 = %broadcast_in_dim3A_383, %scan3A_689 = %broadcast_in_dim3A_383) -> (vector<16xf32>, vector<16xf32>, vector<16xf32>, vector<16xf32>, vector<16xf32>, vector<16xf32>, vector<16xf32>, vector<16xf32>, vector<16xf32>, vector<16xf32>, vector<16xf32>, vector<16xf32>)  : i32 {
        %broadcast_in_dim3A_690 = vector.broadcast %scan3A_677 : i32 to vector<16xi32>
        %gather3A = tpu.vector_load_idx %arg7[%add3A_381, %broadcast_in_dim3A_690] : memref<128x64xf32, #tpu.memory_space<vmem>>[vector<16xi32>, vector<16xi32>], vector<16xf32>,
        %gather3A_691 = tpu.vector_load_idx %arg8[%add3A_381, %broadcast_in_dim3A_690] : memref<128x64xf32, #tpu.memory_space<vmem>>[vector<16xi32>, vector<16xi32>], vector<16xf32>,
        %gather3A_692 = tpu.vector_load_idx %arg9[%add3A_381, %broadcast_in_dim3A_690] : memref<128x64xf32, #tpu.memory_space<vmem>>[vector<16xi32>, vector<16xi32>], vector<16xf32>,
        %gather3A_693 = tpu.vector_load_idx %arg10[%add3A_381, %broadcast_in_dim3A_690] : memref<128x64xf32, #tpu.memory_space<vmem>>[vector<16xi32>, vector<16xi32>], vector<16xf32>,
        %gather3A_694 = tpu.vector_load_idx %arg11[%add3A_381, %broadcast_in_dim3A_690] : memref<128x64xf32, #tpu.memory_space<vmem>>[vector<16xi32>, vector<16xi32>], vector<16xf32>,
        %gather3A_695 = tpu.vector_load_idx %arg12[%add3A_381, %broadcast_in_dim3A_690] : memref<128x64xf32, #tpu.memory_space<vmem>>[vector<16xi32>, vector<16xi32>], vector<16xf32>,
        %mul3A_696 = arith.mulf %gather3A, %gather3A : vector<16xf32>
        %add3A_697 = arith.addf %scan3A_678, %mul3A_696 : vector<16xf32>
        %mul3A_698 = arith.mulf %gather3A_692, %gather3A_692 : vector<16xf32>
        %add3A_699 = arith.addf %scan3A_679, %mul3A_698 : vector<16xf32>
        %mul3A_700 = arith.mulf %gather3A_691, %gather3A_691 : vector<16xf32>
        %add3A_701 = arith.addf %scan3A_680, %mul3A_700 : vector<16xf32>
        %mul3A_702 = arith.mulf %gather3A, %gather3A_691 : vector<16xf32>
        %add3A_703 = arith.addf %scan3A_681, %mul3A_702 : vector<16xf32>
        %mul3A_704 = arith.mulf %gather3A, %gather3A_692 : vector<16xf32>
        %add3A_705 = arith.addf %scan3A_682, %mul3A_704 : vector<16xf32>
        %mul3A_706 = arith.mulf %gather3A_691, %gather3A_692 : vector<16xf32>
        %add3A_707 = arith.addf %scan3A_683, %mul3A_706 : vector<16xf32>
        %mul3A_708 = arith.mulf %gather3A_693, %gather3A_693 : vector<16xf32>
        %add3A_709 = arith.addf %scan3A_684, %mul3A_708 : vector<16xf32>
        %mul3A_710 = arith.mulf %gather3A_695, %gather3A_695 : vector<16xf32>
        %add3A_711 = arith.addf %scan3A_685, %mul3A_710 : vector<16xf32>
        %mul3A_712 = arith.mulf %gather3A_694, %gather3A_694 : vector<16xf32>
        %add3A_713 = arith.addf %scan3A_686, %mul3A_712 : vector<16xf32>
        %mul3A_714 = arith.mulf %gather3A_693, %gather3A_694 : vector<16xf32>
        %add3A_715 = arith.addf %scan3A_687, %mul3A_714 : vector<16xf32>
        %mul3A_716 = arith.mulf %gather3A_693, %gather3A_695 : vector<16xf32>
        %add3A_717 = arith.addf %scan3A_688, %mul3A_716 : vector<16xf32>
        %mul3A_718 = arith.mulf %gather3A_694, %gather3A_695 : vector<16xf32>
        %add3A_719 = arith.addf %scan3A_689, %mul3A_718 : vector<16xf32>
        scf.yield %add3A_697, %add3A_699, %add3A_701, %add3A_703, %add3A_705, %add3A_707, %add3A_709, %add3A_711, %add3A_713, %add3A_715, %add3A_717, %add3A_719 : vector<16xf32>, vector<16xf32>, vector<16xf32>, vector<16xf32>, vector<16xf32>, vector<16xf32>, vector<16xf32>, vector<16xf32>, vector<16xf32>, vector<16xf32>, vector<16xf32>, vector<16xf32>
      }
      %scan3A_389 = arith.constant 64 : i32
      %gt3A = arith.constant 1.000000e+00 : f32
      %gt3A_390 = vector.broadcast %gt3A : f32 to vector<16xf32>
      %gt3A_391 = arith.cmpf ogt, %scan3A_388#0, %gt3A_390 : vector<16xf32>
      %bitcast_convert_type3A = tpu.bitcast %scan3A_388#0 : vector<16xf32> -> vector<16xi32>
      %shift_right_arithmetic3A = arith.constant 1 : i32
      %shift_right_arithmetic3A_392 = vector.broadcast %shift_right_arithmetic3A : i32 to vector<16xi32>
      %shift_right_arithmetic3A_393 = arith.shrsi %bitcast_convert_type3A, %shift_right_arithmetic3A_392 : vector<16xi32>
      %sub3A = arith.constant 1597463007 : i32
      %sub3A_394 = vector.broadcast %sub3A : i32 to vector<16xi32>
      %sub3A_395 = arith.subi %sub3A_394, %shift_right_arithmetic3A_393 : vector<16xi32>
      %bitcast_convert_type3A_396 = tpu.bitcast %sub3A_395 : vector<16xi32> -> vector<16xf32>
      %mul3A_397 = arith.constant 5.000000e-01 : f32
      %mul3A_398 = vector.broadcast %mul3A_397 : f32 to vector<16xf32>
      %mul3A_399 = arith.mulf %mul3A_398, %scan3A_388#0 : vector<16xf32>
      %mul3A_400 = arith.mulf %mul3A_399, %bitcast_convert_type3A_396 : vector<16xf32>
      %mul3A_401 = arith.mulf %mul3A_400, %bitcast_convert_type3A_396 : vector<16xf32>
      %sub3A_402 = arith.constant 1.500000e+00 : f32
      %sub3A_403 = vector.broadcast %sub3A_402 : f32 to vector<16xf32>
      %sub3A_404 = arith.subf %sub3A_403, %mul3A_401 : vector<16xf32>
      %mul3A_405 = arith.mulf %bitcast_convert_type3A_396, %sub3A_404 : vector<16xf32>
      %mul3A_406 = arith.constant 5.000000e-01 : f32
      %mul3A_407 = vector.broadcast %mul3A_406 : f32 to vector<16xf32>
      %mul3A_408 = arith.mulf %mul3A_407, %scan3A_388#0 : vector<16xf32>
      %mul3A_409 = arith.mulf %mul3A_408, %mul3A_405 : vector<16xf32>
      %mul3A_410 = arith.mulf %mul3A_409, %mul3A_405 : vector<16xf32>
      %sub3A_411 = arith.constant 1.500000e+00 : f32
      %sub3A_412 = vector.broadcast %sub3A_411 : f32 to vector<16xf32>
      %sub3A_413 = arith.subf %sub3A_412, %mul3A_410 : vector<16xf32>
      %mul3A_414 = arith.mulf %mul3A_405, %sub3A_413 : vector<16xf32>
      %mul3A_415 = arith.constant 5.000000e-01 : f32
      %mul3A_416 = vector.broadcast %mul3A_415 : f32 to vector<16xf32>
      %mul3A_417 = arith.mulf %mul3A_416, %scan3A_388#0 : vector<16xf32>
      %mul3A_418 = arith.mulf %mul3A_417, %mul3A_414 : vector<16xf32>
      %mul3A_419 = arith.mulf %mul3A_418, %mul3A_414 : vector<16xf32>
      %sub3A_420 = arith.constant 1.500000e+00 : f32
      %sub3A_421 = vector.broadcast %sub3A_420 : f32 to vector<16xf32>
      %sub3A_422 = arith.subf %sub3A_421, %mul3A_419 : vector<16xf32>
      %mul3A_423 = arith.mulf %mul3A_414, %sub3A_422 : vector<16xf32>
      %jit3A = arith.constant 1.000000e+00 : f32
      %broadcast_in_dim3A_424 = vector.broadcast %jit3A : f32 to vector<16xf32>
      %select_n3A = arith.select %gt3A_391, %mul3A_423, %broadcast_in_dim3A_424 : vector<16xi1>, vector<16xf32>
      %gt3A_425 = arith.constant 1.000000e+00 : f32
      %gt3A_426 = vector.broadcast %gt3A_425 : f32 to vector<16xf32>
      %gt3A_427 = arith.cmpf ogt, %scan3A_388#1, %gt3A_426 : vector<16xf32>
      %bitcast_convert_type3A_428 = tpu.bitcast %scan3A_388#1 : vector<16xf32> -> vector<16xi32>
      %shift_right_arithmetic3A_429 = arith.constant 1 : i32
      %shift_right_arithmetic3A_430 = vector.broadcast %shift_right_arithmetic3A_429 : i32 to vector<16xi32>
      %shift_right_arithmetic3A_431 = arith.shrsi %bitcast_convert_type3A_428, %shift_right_arithmetic3A_430 : vector<16xi32>
      %sub3A_432 = arith.constant 1597463007 : i32
      %sub3A_433 = vector.broadcast %sub3A_432 : i32 to vector<16xi32>
      %sub3A_434 = arith.subi %sub3A_433, %shift_right_arithmetic3A_431 : vector<16xi32>
      %bitcast_convert_type3A_435 = tpu.bitcast %sub3A_434 : vector<16xi32> -> vector<16xf32>
      %mul3A_436 = arith.constant 5.000000e-01 : f32
      %mul3A_437 = vector.broadcast %mul3A_436 : f32 to vector<16xf32>
      %mul3A_438 = arith.mulf %mul3A_437, %scan3A_388#1 : vector<16xf32>
      %mul3A_439 = arith.mulf %mul3A_438, %bitcast_convert_type3A_435 : vector<16xf32>
      %mul3A_440 = arith.mulf %mul3A_439, %bitcast_convert_type3A_435 : vector<16xf32>
      %sub3A_441 = arith.constant 1.500000e+00 : f32
      %sub3A_442 = vector.broadcast %sub3A_441 : f32 to vector<16xf32>
      %sub3A_443 = arith.subf %sub3A_442, %mul3A_440 : vector<16xf32>
      %mul3A_444 = arith.mulf %bitcast_convert_type3A_435, %sub3A_443 : vector<16xf32>
      %mul3A_445 = arith.constant 5.000000e-01 : f32
      %mul3A_446 = vector.broadcast %mul3A_445 : f32 to vector<16xf32>
      %mul3A_447 = arith.mulf %mul3A_446, %scan3A_388#1 : vector<16xf32>
      %mul3A_448 = arith.mulf %mul3A_447, %mul3A_444 : vector<16xf32>
      %mul3A_449 = arith.mulf %mul3A_448, %mul3A_444 : vector<16xf32>
      %sub3A_450 = arith.constant 1.500000e+00 : f32
      %sub3A_451 = vector.broadcast %sub3A_450 : f32 to vector<16xf32>
      %sub3A_452 = arith.subf %sub3A_451, %mul3A_449 : vector<16xf32>
      %mul3A_453 = arith.mulf %mul3A_444, %sub3A_452 : vector<16xf32>
      %mul3A_454 = arith.constant 5.000000e-01 : f32
      %mul3A_455 = vector.broadcast %mul3A_454 : f32 to vector<16xf32>
      %mul3A_456 = arith.mulf %mul3A_455, %scan3A_388#1 : vector<16xf32>
      %mul3A_457 = arith.mulf %mul3A_456, %mul3A_453 : vector<16xf32>
      %mul3A_458 = arith.mulf %mul3A_457, %mul3A_453 : vector<16xf32>
      %sub3A_459 = arith.constant 1.500000e+00 : f32
      %sub3A_460 = vector.broadcast %sub3A_459 : f32 to vector<16xf32>
      %sub3A_461 = arith.subf %sub3A_460, %mul3A_458 : vector<16xf32>
      %mul3A_462 = arith.mulf %mul3A_453, %sub3A_461 : vector<16xf32>
      %jit3A_463 = arith.constant 1.000000e+00 : f32
      %broadcast_in_dim3A_464 = vector.broadcast %jit3A_463 : f32 to vector<16xf32>
      %select_n3A_465 = arith.select %gt3A_427, %mul3A_462, %broadcast_in_dim3A_464 : vector<16xi1>, vector<16xf32>
      %mul3A_466 = arith.mulf %select_n3A, %select_n3A : vector<16xf32>
      %mul3A_467 = arith.mulf %mul3A_466, %scan3A_388#0 : vector<16xf32>
      %add3A_468 = arith.addf %mul3A_467, %scan3A_388#2 : vector<16xf32>
      %mul3A_469 = arith.mulf %select_n3A_465, %select_n3A_465 : vector<16xf32>
      %mul3A_470 = arith.mulf %mul3A_469, %scan3A_388#1 : vector<16xf32>
      %add3A_471 = arith.addf %add3A_468, %mul3A_470 : vector<16xf32>
      %mul3A_472 = arith.mulf %select_n3A, %scan3A_388#3 : vector<16xf32>
      %mul3A_473 = arith.mulf %select_n3A, %select_n3A_465 : vector<16xf32>
      %mul3A_474 = arith.mulf %mul3A_473, %scan3A_388#4 : vector<16xf32>
      %sub3A_475 = arith.subf %mul3A_472, %mul3A_474 : vector<16xf32>
      %mul3A_476 = arith.mulf %select_n3A_465, %scan3A_388#5 : vector<16xf32>
      %sub3A_477 = arith.subf %sub3A_475, %mul3A_476 : vector<16xf32>
      %mul3A_478 = arith.constant 2.000000e+00 : f32
      %mul3A_479 = vector.broadcast %mul3A_478 : f32 to vector<16xf32>
      %mul3A_480 = arith.mulf %mul3A_479, %sub3A_477 : vector<16xf32>
      %add3A_481 = arith.addf %add3A_471, %mul3A_480 : vector<16xf32>
      %max3A = arith.constant 0.000000e+00 : f32
      %max3A_482 = vector.broadcast %max3A : f32 to vector<16xf32>
      %max3A_483 = arith.maximumf %add3A_481, %max3A_482 : vector<16xf32>
      %gt3A_484 = arith.constant 0.000000e+00 : f32
      %gt3A_485 = vector.broadcast %gt3A_484 : f32 to vector<16xf32>
      %gt3A_486 = arith.cmpf ogt, %max3A_483, %gt3A_485 : vector<16xf32>
      %bitcast_convert_type3A_487 = tpu.bitcast %max3A_483 : vector<16xf32> -> vector<16xi32>
      %shift_right_arithmetic3A_488 = arith.constant 1 : i32
      %shift_right_arithmetic3A_489 = vector.broadcast %shift_right_arithmetic3A_488 : i32 to vector<16xi32>
      %shift_right_arithmetic3A_490 = arith.shrsi %bitcast_convert_type3A_487, %shift_right_arithmetic3A_489 : vector<16xi32>
      %sub3A_491 = arith.constant 1597463007 : i32
      %sub3A_492 = vector.broadcast %sub3A_491 : i32 to vector<16xi32>
      %sub3A_493 = arith.subi %sub3A_492, %shift_right_arithmetic3A_490 : vector<16xi32>
      %bitcast_convert_type3A_494 = tpu.bitcast %sub3A_493 : vector<16xi32> -> vector<16xf32>
      %mul3A_495 = arith.constant 5.000000e-01 : f32
      %mul3A_496 = vector.broadcast %mul3A_495 : f32 to vector<16xf32>
      %mul3A_497 = arith.mulf %mul3A_496, %max3A_483 : vector<16xf32>
      %mul3A_498 = arith.mulf %mul3A_497, %bitcast_convert_type3A_494 : vector<16xf32>
      %mul3A_499 = arith.mulf %mul3A_498, %bitcast_convert_type3A_494 : vector<16xf32>
      %sub3A_500 = arith.constant 1.500000e+00 : f32
      %sub3A_501 = vector.broadcast %sub3A_500 : f32 to vector<16xf32>
      %sub3A_502 = arith.subf %sub3A_501, %mul3A_499 : vector<16xf32>
      %mul3A_503 = arith.mulf %bitcast_convert_type3A_494, %sub3A_502 : vector<16xf32>
      %mul3A_504 = arith.constant 5.000000e-01 : f32
      %mul3A_505 = vector.broadcast %mul3A_504 : f32 to vector<16xf32>
      %mul3A_506 = arith.mulf %mul3A_505, %max3A_483 : vector<16xf32>
      %mul3A_507 = arith.mulf %mul3A_506, %mul3A_503 : vector<16xf32>
      %mul3A_508 = arith.mulf %mul3A_507, %mul3A_503 : vector<16xf32>
      %sub3A_509 = arith.constant 1.500000e+00 : f32
      %sub3A_510 = vector.broadcast %sub3A_509 : f32 to vector<16xf32>
      %sub3A_511 = arith.subf %sub3A_510, %mul3A_508 : vector<16xf32>
      %mul3A_512 = arith.mulf %mul3A_503, %sub3A_511 : vector<16xf32>
      %mul3A_513 = arith.constant 5.000000e-01 : f32
      %mul3A_514 = vector.broadcast %mul3A_513 : f32 to vector<16xf32>
      %mul3A_515 = arith.mulf %mul3A_514, %max3A_483 : vector<16xf32>
      %mul3A_516 = arith.mulf %mul3A_515, %mul3A_512 : vector<16xf32>
      %mul3A_517 = arith.mulf %mul3A_516, %mul3A_512 : vector<16xf32>
      %sub3A_518 = arith.constant 1.500000e+00 : f32
      %sub3A_519 = vector.broadcast %sub3A_518 : f32 to vector<16xf32>
      %sub3A_520 = arith.subf %sub3A_519, %mul3A_517 : vector<16xf32>
      %mul3A_521 = arith.mulf %mul3A_512, %sub3A_520 : vector<16xf32>
      %mul3A_522 = arith.mulf %max3A_483, %mul3A_521 : vector<16xf32>
      %jit3A_523 = arith.constant 0.000000e+00 : f32
      %broadcast_in_dim3A_524 = vector.broadcast %jit3A_523 : f32 to vector<16xf32>
      %select_n3A_525 = arith.select %gt3A_486, %mul3A_522, %broadcast_in_dim3A_524 : vector<16xi1>, vector<16xf32>
      %gt3A_526 = arith.constant 1.000000e+00 : f32
      %gt3A_527 = vector.broadcast %gt3A_526 : f32 to vector<16xf32>
      %gt3A_528 = arith.cmpf ogt, %scan3A_388#6, %gt3A_527 : vector<16xf32>
      %bitcast_convert_type3A_529 = tpu.bitcast %scan3A_388#6 : vector<16xf32> -> vector<16xi32>
      %shift_right_arithmetic3A_530 = arith.constant 1 : i32
      %shift_right_arithmetic3A_531 = vector.broadcast %shift_right_arithmetic3A_530 : i32 to vector<16xi32>
      %shift_right_arithmetic3A_532 = arith.shrsi %bitcast_convert_type3A_529, %shift_right_arithmetic3A_531 : vector<16xi32>
      %sub3A_533 = arith.constant 1597463007 : i32
      %sub3A_534 = vector.broadcast %sub3A_533 : i32 to vector<16xi32>
      %sub3A_535 = arith.subi %sub3A_534, %shift_right_arithmetic3A_532 : vector<16xi32>
      %bitcast_convert_type3A_536 = tpu.bitcast %sub3A_535 : vector<16xi32> -> vector<16xf32>
      %mul3A_537 = arith.constant 5.000000e-01 : f32
      %mul3A_538 = vector.broadcast %mul3A_537 : f32 to vector<16xf32>
      %mul3A_539 = arith.mulf %mul3A_538, %scan3A_388#6 : vector<16xf32>
      %mul3A_540 = arith.mulf %mul3A_539, %bitcast_convert_type3A_536 : vector<16xf32>
      %mul3A_541 = arith.mulf %mul3A_540, %bitcast_convert_type3A_536 : vector<16xf32>
      %sub3A_542 = arith.constant 1.500000e+00 : f32
      %sub3A_543 = vector.broadcast %sub3A_542 : f32 to vector<16xf32>
      %sub3A_544 = arith.subf %sub3A_543, %mul3A_541 : vector<16xf32>
      %mul3A_545 = arith.mulf %bitcast_convert_type3A_536, %sub3A_544 : vector<16xf32>
      %mul3A_546 = arith.constant 5.000000e-01 : f32
      %mul3A_547 = vector.broadcast %mul3A_546 : f32 to vector<16xf32>
      %mul3A_548 = arith.mulf %mul3A_547, %scan3A_388#6 : vector<16xf32>
      %mul3A_549 = arith.mulf %mul3A_548, %mul3A_545 : vector<16xf32>
      %mul3A_550 = arith.mulf %mul3A_549, %mul3A_545 : vector<16xf32>
      %sub3A_551 = arith.constant 1.500000e+00 : f32
      %sub3A_552 = vector.broadcast %sub3A_551 : f32 to vector<16xf32>
      %sub3A_553 = arith.subf %sub3A_552, %mul3A_550 : vector<16xf32>
      %mul3A_554 = arith.mulf %mul3A_545, %sub3A_553 : vector<16xf32>
      %mul3A_555 = arith.constant 5.000000e-01 : f32
      %mul3A_556 = vector.broadcast %mul3A_555 : f32 to vector<16xf32>
      %mul3A_557 = arith.mulf %mul3A_556, %scan3A_388#6 : vector<16xf32>
      %mul3A_558 = arith.mulf %mul3A_557, %mul3A_554 : vector<16xf32>
      %mul3A_559 = arith.mulf %mul3A_558, %mul3A_554 : vector<16xf32>
      %sub3A_560 = arith.constant 1.500000e+00 : f32
      %sub3A_561 = vector.broadcast %sub3A_560 : f32 to vector<16xf32>
      %sub3A_562 = arith.subf %sub3A_561, %mul3A_559 : vector<16xf32>
      %mul3A_563 = arith.mulf %mul3A_554, %sub3A_562 : vector<16xf32>
      %jit3A_564 = arith.constant 1.000000e+00 : f32
      %broadcast_in_dim3A_565 = vector.broadcast %jit3A_564 : f32 to vector<16xf32>
      %select_n3A_566 = arith.select %gt3A_528, %mul3A_563, %broadcast_in_dim3A_565 : vector<16xi1>, vector<16xf32>
      %gt3A_567 = arith.constant 1.000000e+00 : f32
      %gt3A_568 = vector.broadcast %gt3A_567 : f32 to vector<16xf32>
      %gt3A_569 = arith.cmpf ogt, %scan3A_388#7, %gt3A_568 : vector<16xf32>
      %bitcast_convert_type3A_570 = tpu.bitcast %scan3A_388#7 : vector<16xf32> -> vector<16xi32>
      %shift_right_arithmetic3A_571 = arith.constant 1 : i32
      %shift_right_arithmetic3A_572 = vector.broadcast %shift_right_arithmetic3A_571 : i32 to vector<16xi32>
      %shift_right_arithmetic3A_573 = arith.shrsi %bitcast_convert_type3A_570, %shift_right_arithmetic3A_572 : vector<16xi32>
      %sub3A_574 = arith.constant 1597463007 : i32
      %sub3A_575 = vector.broadcast %sub3A_574 : i32 to vector<16xi32>
      %sub3A_576 = arith.subi %sub3A_575, %shift_right_arithmetic3A_573 : vector<16xi32>
      %bitcast_convert_type3A_577 = tpu.bitcast %sub3A_576 : vector<16xi32> -> vector<16xf32>
      %mul3A_578 = arith.constant 5.000000e-01 : f32
      %mul3A_579 = vector.broadcast %mul3A_578 : f32 to vector<16xf32>
      %mul3A_580 = arith.mulf %mul3A_579, %scan3A_388#7 : vector<16xf32>
      %mul3A_581 = arith.mulf %mul3A_580, %bitcast_convert_type3A_577 : vector<16xf32>
      %mul3A_582 = arith.mulf %mul3A_581, %bitcast_convert_type3A_577 : vector<16xf32>
      %sub3A_583 = arith.constant 1.500000e+00 : f32
      %sub3A_584 = vector.broadcast %sub3A_583 : f32 to vector<16xf32>
      %sub3A_585 = arith.subf %sub3A_584, %mul3A_582 : vector<16xf32>
      %mul3A_586 = arith.mulf %bitcast_convert_type3A_577, %sub3A_585 : vector<16xf32>
      %mul3A_587 = arith.constant 5.000000e-01 : f32
      %mul3A_588 = vector.broadcast %mul3A_587 : f32 to vector<16xf32>
      %mul3A_589 = arith.mulf %mul3A_588, %scan3A_388#7 : vector<16xf32>
      %mul3A_590 = arith.mulf %mul3A_589, %mul3A_586 : vector<16xf32>
      %mul3A_591 = arith.mulf %mul3A_590, %mul3A_586 : vector<16xf32>
      %sub3A_592 = arith.constant 1.500000e+00 : f32
      %sub3A_593 = vector.broadcast %sub3A_592 : f32 to vector<16xf32>
      %sub3A_594 = arith.subf %sub3A_593, %mul3A_591 : vector<16xf32>
      %mul3A_595 = arith.mulf %mul3A_586, %sub3A_594 : vector<16xf32>
      %mul3A_596 = arith.constant 5.000000e-01 : f32
      %mul3A_597 = vector.broadcast %mul3A_596 : f32 to vector<16xf32>
      %mul3A_598 = arith.mulf %mul3A_597, %scan3A_388#7 : vector<16xf32>
      %mul3A_599 = arith.mulf %mul3A_598, %mul3A_595 : vector<16xf32>
      %mul3A_600 = arith.mulf %mul3A_599, %mul3A_595 : vector<16xf32>
      %sub3A_601 = arith.constant 1.500000e+00 : f32
      %sub3A_602 = vector.broadcast %sub3A_601 : f32 to vector<16xf32>
      %sub3A_603 = arith.subf %sub3A_602, %mul3A_600 : vector<16xf32>
      %mul3A_604 = arith.mulf %mul3A_595, %sub3A_603 : vector<16xf32>
      %jit3A_605 = arith.constant 1.000000e+00 : f32
      %broadcast_in_dim3A_606 = vector.broadcast %jit3A_605 : f32 to vector<16xf32>
      %select_n3A_607 = arith.select %gt3A_569, %mul3A_604, %broadcast_in_dim3A_606 : vector<16xi1>, vector<16xf32>
      %mul3A_608 = arith.mulf %select_n3A_566, %select_n3A_566 : vector<16xf32>
      %mul3A_609 = arith.mulf %mul3A_608, %scan3A_388#6 : vector<16xf32>
      %add3A_610 = arith.addf %mul3A_609, %scan3A_388#8 : vector<16xf32>
      %mul3A_611 = arith.mulf %select_n3A_607, %select_n3A_607 : vector<16xf32>
      %mul3A_612 = arith.mulf %mul3A_611, %scan3A_388#7 : vector<16xf32>
      %add3A_613 = arith.addf %add3A_610, %mul3A_612 : vector<16xf32>
      %mul3A_614 = arith.mulf %select_n3A_566, %scan3A_388#9 : vector<16xf32>
      %mul3A_615 = arith.mulf %select_n3A_566, %select_n3A_607 : vector<16xf32>
      %mul3A_616 = arith.mulf %mul3A_615, %scan3A_388#10 : vector<16xf32>
      %sub3A_617 = arith.subf %mul3A_614, %mul3A_616 : vector<16xf32>
      %mul3A_618 = arith.mulf %select_n3A_607, %scan3A_388#11 : vector<16xf32>
      %sub3A_619 = arith.subf %sub3A_617, %mul3A_618 : vector<16xf32>
      %mul3A_620 = arith.constant 2.000000e+00 : f32
      %mul3A_621 = vector.broadcast %mul3A_620 : f32 to vector<16xf32>
      %mul3A_622 = arith.mulf %mul3A_621, %sub3A_619 : vector<16xf32>
      %add3A_623 = arith.addf %add3A_613, %mul3A_622 : vector<16xf32>
      %max3A_624 = arith.constant 0.000000e+00 : f32
      %max3A_625 = vector.broadcast %max3A_624 : f32 to vector<16xf32>
      %max3A_626 = arith.maximumf %add3A_623, %max3A_625 : vector<16xf32>
      %gt3A_627 = arith.constant 0.000000e+00 : f32
      %gt3A_628 = vector.broadcast %gt3A_627 : f32 to vector<16xf32>
      %gt3A_629 = arith.cmpf ogt, %max3A_626, %gt3A_628 : vector<16xf32>
      %bitcast_convert_type3A_630 = tpu.bitcast %max3A_626 : vector<16xf32> -> vector<16xi32>
      %shift_right_arithmetic3A_631 = arith.constant 1 : i32
      %shift_right_arithmetic3A_632 = vector.broadcast %shift_right_arithmetic3A_631 : i32 to vector<16xi32>
      %shift_right_arithmetic3A_633 = arith.shrsi %bitcast_convert_type3A_630, %shift_right_arithmetic3A_632 : vector<16xi32>
      %sub3A_634 = arith.constant 1597463007 : i32
      %sub3A_635 = vector.broadcast %sub3A_634 : i32 to vector<16xi32>
      %sub3A_636 = arith.subi %sub3A_635, %shift_right_arithmetic3A_633 : vector<16xi32>
      %bitcast_convert_type3A_637 = tpu.bitcast %sub3A_636 : vector<16xi32> -> vector<16xf32>
      %mul3A_638 = arith.constant 5.000000e-01 : f32
      %mul3A_639 = vector.broadcast %mul3A_638 : f32 to vector<16xf32>
      %mul3A_640 = arith.mulf %mul3A_639, %max3A_626 : vector<16xf32>
      %mul3A_641 = arith.mulf %mul3A_640, %bitcast_convert_type3A_637 : vector<16xf32>
      %mul3A_642 = arith.mulf %mul3A_641, %bitcast_convert_type3A_637 : vector<16xf32>
      %sub3A_643 = arith.constant 1.500000e+00 : f32
      %sub3A_644 = vector.broadcast %sub3A_643 : f32 to vector<16xf32>
      %sub3A_645 = arith.subf %sub3A_644, %mul3A_642 : vector<16xf32>
      %mul3A_646 = arith.mulf %bitcast_convert_type3A_637, %sub3A_645 : vector<16xf32>
      %mul3A_647 = arith.constant 5.000000e-01 : f32
      %mul3A_648 = vector.broadcast %mul3A_647 : f32 to vector<16xf32>
      %mul3A_649 = arith.mulf %mul3A_648, %max3A_626 : vector<16xf32>
      %mul3A_650 = arith.mulf %mul3A_649, %mul3A_646 : vector<16xf32>
      %mul3A_651 = arith.mulf %mul3A_650, %mul3A_646 : vector<16xf32>
      %sub3A_652 = arith.constant 1.500000e+00 : f32
      %sub3A_653 = vector.broadcast %sub3A_652 : f32 to vector<16xf32>
      %sub3A_654 = arith.subf %sub3A_653, %mul3A_651 : vector<16xf32>
      %mul3A_655 = arith.mulf %mul3A_646, %sub3A_654 : vector<16xf32>
      %mul3A_656 = arith.constant 5.000000e-01 : f32
      %mul3A_657 = vector.broadcast %mul3A_656 : f32 to vector<16xf32>
      %mul3A_658 = arith.mulf %mul3A_657, %max3A_626 : vector<16xf32>
      %mul3A_659 = arith.mulf %mul3A_658, %mul3A_655 : vector<16xf32>
      %mul3A_660 = arith.mulf %mul3A_659, %mul3A_655 : vector<16xf32>
      %sub3A_661 = arith.constant 1.500000e+00 : f32
      %sub3A_662 = vector.broadcast %sub3A_661 : f32 to vector<16xf32>
      %sub3A_663 = arith.subf %sub3A_662, %mul3A_660 : vector<16xf32>
      %mul3A_664 = arith.mulf %mul3A_655, %sub3A_663 : vector<16xf32>
      %mul3A_665 = arith.mulf %max3A_626, %mul3A_664 : vector<16xf32>
      %jit3A_666 = arith.constant 0.000000e+00 : f32
      %broadcast_in_dim3A_667 = vector.broadcast %jit3A_666 : f32 to vector<16xf32>
      %select_n3A_668 = arith.select %gt3A_629, %mul3A_665, %broadcast_in_dim3A_667 : vector<16xi1>, vector<16xf32>
      %sub3A_669 = arith.subf %select_n3A_525, %select_n3A_668 : vector<16xf32>
      %add3A_670 = arith.constant 1.000000e+00 : f32
      %add3A_671 = vector.broadcast %add3A_670 : f32 to vector<16xf32>
      %add3A_672 = arith.addf %sub3A_669, %add3A_671 : vector<16xf32>
      %max3A_673 = arith.constant 0.000000e+00 : f32
      %max3A_674 = vector.broadcast %max3A_673 : f32 to vector<16xf32>
      %max3A_675 = arith.maximumf %add3A_672, %max3A_674 : vector<16xf32>
      %add3A_676 = arith.addf %scan3A_377, %max3A_675 : vector<16xf32>
      scf.yield %add3A_676 : vector<16xf32>
    }
    %scan3A_92 = arith.constant 8 : i32
    %mul3A_93 = arith.constant 512 : i32
    %mul3A_94 = arith.muli %add3A, %mul3A_93 : i32
    %add3A_95 = arith.constant 128 : i32
    %add3A_96 = arith.addi %mul3A_94, %add3A_95 : i32
    "tpu.region"() ({
      %run_scoped3A = tpu.sem_alloc : memref<!tpu.dma_semaphore, #tpu.memory_space<semaphore_mem>>
      %dma_start3A_376 = arith.constant 0 : i32
      %dma_start3A_377 = tpu.memref_slice %arg2[%dma_start3A_376, %add3A_96] : memref<6x16384xi32, #tpu.memory_space<hbm>> -> memref<6x128xi32, #tpu.memory_space<hbm>>
      %dma_start3A_378 = arith.constant 0 : i32
      %dma_start3A_379 = tpu.memref_slice %arg2[%dma_start3A_378, %add3A_96] : memref<6x16384xi32, #tpu.memory_space<hbm>> -> memref<6x128xi32, #tpu.memory_space<hbm>>
      tpu.enqueue_dma source(%dma_start3A_379 : memref<6x128xi32, #tpu.memory_space<hbm>>) target(%arg6 : memref<6x128xi32, #tpu.memory_space<vmem>>) target_semaphore(%run_scoped3A : memref<!tpu.dma_semaphore, #tpu.memory_space<semaphore_mem>>)
      %dma_wait3A_380 = arith.constant 0 : i32
      %dma_wait3A_381 = tpu.memref_slice %arg2[%dma_wait3A_380, %add3A_96] : memref<6x16384xi32, #tpu.memory_space<hbm>> -> memref<6x128xi32, #tpu.memory_space<hbm>>
      %dma_wait3A_382 = arith.constant 0 : i32
      %dma_wait3A_383 = tpu.memref_slice %arg2[%dma_wait3A_382, %add3A_96] : memref<6x16384xi32, #tpu.memory_space<hbm>> -> memref<6x128xi32, #tpu.memory_space<hbm>>
      tpu.wait_dma2 semaphore(%run_scoped3A : memref<!tpu.dma_semaphore, #tpu.memory_space<semaphore_mem>>) src(%dma_wait3A_383 : memref<6x128xi32, #tpu.memory_space<hbm>>) dst(%arg6 : memref<6x128xi32, #tpu.memory_space<vmem>>)
      tpu.yield
    }) : () -> ()
    %dma_start3A_97 = arith.constant 0 : i32
    %dma_start3A_98 = arith.constant 0 : i32
    %dma_start3A_99 = tpu.memref_slice %arg6[%dma_start3A_97, %dma_start3A_98] : memref<6x128xi32, #tpu.memory_space<vmem>> -> memref<1x128xi32, #tpu.memory_space<vmem>>
    %dma_start3A_100 = tpu.memref_squeeze %dma_start3A_99 : memref<1x128xi32, #tpu.memory_space<vmem>> -> memref<128xi32, #tpu.memory_space<vmem>>
    %dma_start3A_101 = arith.constant 0 : i32
    %dma_start3A_102 = arith.constant 0 : i32
    %dma_start3A_103 = tpu.memref_slice %arg3[%dma_start3A_101, %dma_start3A_102] : memref<1000000x64xf32, #tpu.memory_space<hbm>> -> memref<1000000x64xf32, #tpu.memory_space<hbm>>
    tpu.enqueue_indirect_dma source(%dma_start3A_103 : memref<1000000x64xf32, #tpu.memory_space<hbm>>) target(%arg7 : memref<128x64xf32, #tpu.memory_space<vmem>>) offsets(%dma_start3A_100 : memref<128xi32, #tpu.memory_space<vmem>>) semaphore(%arg14 : memref<!tpu.dma_semaphore, #tpu.memory_space<semaphore_mem>>)
    %dma_start3A_104 = arith.constant 1 : i32
    %dma_start3A_105 = arith.constant 0 : i32
    %dma_start3A_106 = tpu.memref_slice %arg6[%dma_start3A_104, %dma_start3A_105] : memref<6x128xi32, #tpu.memory_space<vmem>> -> memref<1x128xi32, #tpu.memory_space<vmem>>
    %dma_start3A_107 = tpu.memref_squeeze %dma_start3A_106 : memref<1x128xi32, #tpu.memory_space<vmem>> -> memref<128xi32, #tpu.memory_space<vmem>>
    %dma_start3A_108 = arith.constant 0 : i32
    %dma_start3A_109 = arith.constant 0 : i32
    %dma_start3A_110 = tpu.memref_slice %arg4[%dma_start3A_108, %dma_start3A_109] : memref<1000000x64xf32, #tpu.memory_space<hbm>> -> memref<1000000x64xf32, #tpu.memory_space<hbm>>
    tpu.enqueue_indirect_dma source(%dma_start3A_110 : memref<1000000x64xf32, #tpu.memory_space<hbm>>) target(%arg8 : memref<128x64xf32, #tpu.memory_space<vmem>>) offsets(%dma_start3A_107 : memref<128xi32, #tpu.memory_space<vmem>>) semaphore(%arg14 : memref<!tpu.dma_semaphore, #tpu.memory_space<semaphore_mem>>)
    %dma_start3A_111 = arith.constant 2 : i32
    %dma_start3A_112 = arith.constant 0 : i32
    %dma_start3A_113 = tpu.memref_slice %arg6[%dma_start3A_111, %dma_start3A_112] : memref<6x128xi32, #tpu.memory_space<vmem>> -> memref<1x128xi32, #tpu.memory_space<vmem>>
    %dma_start3A_114 = tpu.memref_squeeze %dma_start3A_113 : memref<1x128xi32, #tpu.memory_space<vmem>> -> memref<128xi32, #tpu.memory_space<vmem>>
    %dma_start3A_115 = arith.constant 0 : i32
    %dma_start3A_116 = arith.constant 0 : i32
    %dma_start3A_117 = tpu.memref_slice %arg3[%dma_start3A_115, %dma_start3A_116] : memref<1000000x64xf32, #tpu.memory_space<hbm>> -> memref<1000000x64xf32, #tpu.memory_space<hbm>>
    tpu.enqueue_indirect_dma source(%dma_start3A_117 : memref<1000000x64xf32, #tpu.memory_space<hbm>>) target(%arg9 : memref<128x64xf32, #tpu.memory_space<vmem>>) offsets(%dma_start3A_114 : memref<128xi32, #tpu.memory_space<vmem>>) semaphore(%arg14 : memref<!tpu.dma_semaphore, #tpu.memory_space<semaphore_mem>>)
    %dma_start3A_118 = arith.constant 3 : i32
    %dma_start3A_119 = arith.constant 0 : i32
    %dma_start3A_120 = tpu.memref_slice %arg6[%dma_start3A_118, %dma_start3A_119] : memref<6x128xi32, #tpu.memory_space<vmem>> -> memref<1x128xi32, #tpu.memory_space<vmem>>
    %dma_start3A_121 = tpu.memref_squeeze %dma_start3A_120 : memref<1x128xi32, #tpu.memory_space<vmem>> -> memref<128xi32, #tpu.memory_space<vmem>>
    %dma_start3A_122 = arith.constant 0 : i32
    %dma_start3A_123 = arith.constant 0 : i32
    %dma_start3A_124 = tpu.memref_slice %arg3[%dma_start3A_122, %dma_start3A_123] : memref<1000000x64xf32, #tpu.memory_space<hbm>> -> memref<1000000x64xf32, #tpu.memory_space<hbm>>
    tpu.enqueue_indirect_dma source(%dma_start3A_124 : memref<1000000x64xf32, #tpu.memory_space<hbm>>) target(%arg10 : memref<128x64xf32, #tpu.memory_space<vmem>>) offsets(%dma_start3A_121 : memref<128xi32, #tpu.memory_space<vmem>>) semaphore(%arg14 : memref<!tpu.dma_semaphore, #tpu.memory_space<semaphore_mem>>)
    %dma_start3A_125 = arith.constant 4 : i32
    %dma_start3A_126 = arith.constant 0 : i32
    %dma_start3A_127 = tpu.memref_slice %arg6[%dma_start3A_125, %dma_start3A_126] : memref<6x128xi32, #tpu.memory_space<vmem>> -> memref<1x128xi32, #tpu.memory_space<vmem>>
    %dma_start3A_128 = tpu.memref_squeeze %dma_start3A_127 : memref<1x128xi32, #tpu.memory_space<vmem>> -> memref<128xi32, #tpu.memory_space<vmem>>
    %dma_start3A_129 = arith.constant 0 : i32
    %dma_start3A_130 = arith.constant 0 : i32
    %dma_start3A_131 = tpu.memref_slice %arg4[%dma_start3A_129, %dma_start3A_130] : memref<1000000x64xf32, #tpu.memory_space<hbm>> -> memref<1000000x64xf32, #tpu.memory_space<hbm>>
    tpu.enqueue_indirect_dma source(%dma_start3A_131 : memref<1000000x64xf32, #tpu.memory_space<hbm>>) target(%arg11 : memref<128x64xf32, #tpu.memory_space<vmem>>) offsets(%dma_start3A_128 : memref<128xi32, #tpu.memory_space<vmem>>) semaphore(%arg14 : memref<!tpu.dma_semaphore, #tpu.memory_space<semaphore_mem>>)
    %dma_start3A_132 = arith.constant 5 : i32
    %dma_start3A_133 = arith.constant 0 : i32
    %dma_start3A_134 = tpu.memref_slice %arg6[%dma_start3A_132, %dma_start3A_133] : memref<6x128xi32, #tpu.memory_space<vmem>> -> memref<1x128xi32, #tpu.memory_space<vmem>>
    %dma_start3A_135 = tpu.memref_squeeze %dma_start3A_134 : memref<1x128xi32, #tpu.memory_space<vmem>> -> memref<128xi32, #tpu.memory_space<vmem>>
    %dma_start3A_136 = arith.constant 0 : i32
    %dma_start3A_137 = arith.constant 0 : i32
    %dma_start3A_138 = tpu.memref_slice %arg3[%dma_start3A_136, %dma_start3A_137] : memref<1000000x64xf32, #tpu.memory_space<hbm>> -> memref<1000000x64xf32, #tpu.memory_space<hbm>>
    tpu.enqueue_indirect_dma source(%dma_start3A_138 : memref<1000000x64xf32, #tpu.memory_space<hbm>>) target(%arg12 : memref<128x64xf32, #tpu.memory_space<vmem>>) offsets(%dma_start3A_135 : memref<128xi32, #tpu.memory_space<vmem>>) semaphore(%arg14 : memref<!tpu.dma_semaphore, #tpu.memory_space<semaphore_mem>>)
    %dma_wait3A_139 = arith.constant 0 : i32
    %dma_wait3A_140 = arith.constant 0 : i32
    %dma_wait3A_141 = tpu.memref_slice %arg6[%dma_wait3A_139, %dma_wait3A_140] : memref<6x128xi32, #tpu.memory_space<vmem>> -> memref<1x128xi32, #tpu.memory_space<vmem>>
    %dma_wait3A_142 = tpu.memref_squeeze %dma_wait3A_141 : memref<1x128xi32, #tpu.memory_space<vmem>> -> memref<128xi32, #tpu.memory_space<vmem>>
    %dma_wait3A_143 = arith.constant 0 : i32
    %dma_wait3A_144 = arith.constant 0 : i32
    %dma_wait3A_145 = tpu.memref_slice %arg3[%dma_wait3A_143, %dma_wait3A_144] : memref<1000000x64xf32, #tpu.memory_space<hbm>> -> memref<1000000x64xf32, #tpu.memory_space<hbm>>
    tpu.wait_indirect_dma semaphore(%arg14 : memref<!tpu.dma_semaphore, #tpu.memory_space<semaphore_mem>>) src(%dma_wait3A_145 : memref<1000000x64xf32, #tpu.memory_space<hbm>>) dst(%arg7 : memref<128x64xf32, #tpu.memory_space<vmem>>)
    %dma_wait3A_146 = arith.constant 1 : i32
    %dma_wait3A_147 = arith.constant 0 : i32
    %dma_wait3A_148 = tpu.memref_slice %arg6[%dma_wait3A_146, %dma_wait3A_147] : memref<6x128xi32, #tpu.memory_space<vmem>> -> memref<1x128xi32, #tpu.memory_space<vmem>>
    %dma_wait3A_149 = tpu.memref_squeeze %dma_wait3A_148 : memref<1x128xi32, #tpu.memory_space<vmem>> -> memref<128xi32, #tpu.memory_space<vmem>>
    %dma_wait3A_150 = arith.constant 0 : i32
    %dma_wait3A_151 = arith.constant 0 : i32
    %dma_wait3A_152 = tpu.memref_slice %arg4[%dma_wait3A_150, %dma_wait3A_151] : memref<1000000x64xf32, #tpu.memory_space<hbm>> -> memref<1000000x64xf32, #tpu.memory_space<hbm>>
    tpu.wait_indirect_dma semaphore(%arg14 : memref<!tpu.dma_semaphore, #tpu.memory_space<semaphore_mem>>) src(%dma_wait3A_152 : memref<1000000x64xf32, #tpu.memory_space<hbm>>) dst(%arg8 : memref<128x64xf32, #tpu.memory_space<vmem>>)
    %dma_wait3A_153 = arith.constant 2 : i32
    %dma_wait3A_154 = arith.constant 0 : i32
    %dma_wait3A_155 = tpu.memref_slice %arg6[%dma_wait3A_153, %dma_wait3A_154] : memref<6x128xi32, #tpu.memory_space<vmem>> -> memref<1x128xi32, #tpu.memory_space<vmem>>
    %dma_wait3A_156 = tpu.memref_squeeze %dma_wait3A_155 : memref<1x128xi32, #tpu.memory_space<vmem>> -> memref<128xi32, #tpu.memory_space<vmem>>
    %dma_wait3A_157 = arith.constant 0 : i32
    %dma_wait3A_158 = arith.constant 0 : i32
    %dma_wait3A_159 = tpu.memref_slice %arg3[%dma_wait3A_157, %dma_wait3A_158] : memref<1000000x64xf32, #tpu.memory_space<hbm>> -> memref<1000000x64xf32, #tpu.memory_space<hbm>>
    tpu.wait_indirect_dma semaphore(%arg14 : memref<!tpu.dma_semaphore, #tpu.memory_space<semaphore_mem>>) src(%dma_wait3A_159 : memref<1000000x64xf32, #tpu.memory_space<hbm>>) dst(%arg9 : memref<128x64xf32, #tpu.memory_space<vmem>>)
    %dma_wait3A_160 = arith.constant 3 : i32
    %dma_wait3A_161 = arith.constant 0 : i32
    %dma_wait3A_162 = tpu.memref_slice %arg6[%dma_wait3A_160, %dma_wait3A_161] : memref<6x128xi32, #tpu.memory_space<vmem>> -> memref<1x128xi32, #tpu.memory_space<vmem>>
    %dma_wait3A_163 = tpu.memref_squeeze %dma_wait3A_162 : memref<1x128xi32, #tpu.memory_space<vmem>> -> memref<128xi32, #tpu.memory_space<vmem>>
    %dma_wait3A_164 = arith.constant 0 : i32
    %dma_wait3A_165 = arith.constant 0 : i32
    %dma_wait3A_166 = tpu.memref_slice %arg3[%dma_wait3A_164, %dma_wait3A_165] : memref<1000000x64xf32, #tpu.memory_space<hbm>> -> memref<1000000x64xf32, #tpu.memory_space<hbm>>
    tpu.wait_indirect_dma semaphore(%arg14 : memref<!tpu.dma_semaphore, #tpu.memory_space<semaphore_mem>>) src(%dma_wait3A_166 : memref<1000000x64xf32, #tpu.memory_space<hbm>>) dst(%arg10 : memref<128x64xf32, #tpu.memory_space<vmem>>)
    %dma_wait3A_167 = arith.constant 4 : i32
    %dma_wait3A_168 = arith.constant 0 : i32
    %dma_wait3A_169 = tpu.memref_slice %arg6[%dma_wait3A_167, %dma_wait3A_168] : memref<6x128xi32, #tpu.memory_space<vmem>> -> memref<1x128xi32, #tpu.memory_space<vmem>>
    %dma_wait3A_170 = tpu.memref_squeeze %dma_wait3A_169 : memref<1x128xi32, #tpu.memory_space<vmem>> -> memref<128xi32, #tpu.memory_space<vmem>>
    %dma_wait3A_171 = arith.constant 0 : i32
    %dma_wait3A_172 = arith.constant 0 : i32
    %dma_wait3A_173 = tpu.memref_slice %arg4[%dma_wait3A_171, %dma_wait3A_172] : memref<1000000x64xf32, #tpu.memory_space<hbm>> -> memref<1000000x64xf32, #tpu.memory_space<hbm>>
    tpu.wait_indirect_dma semaphore(%arg14 : memref<!tpu.dma_semaphore, #tpu.memory_space<semaphore_mem>>) src(%dma_wait3A_173 : memref<1000000x64xf32, #tpu.memory_space<hbm>>) dst(%arg11 : memref<128x64xf32, #tpu.memory_space<vmem>>)
    %dma_wait3A_174 = arith.constant 5 : i32
    %dma_wait3A_175 = arith.constant 0 : i32
    %dma_wait3A_176 = tpu.memref_slice %arg6[%dma_wait3A_174, %dma_wait3A_175] : memref<6x128xi32, #tpu.memory_space<vmem>> -> memref<1x128xi32, #tpu.memory_space<vmem>>
    %dma_wait3A_177 = tpu.memref_squeeze %dma_wait3A_176 : memref<1x128xi32, #tpu.memory_space<vmem>> -> memref<128xi32, #tpu.memory_space<vmem>>
    %dma_wait3A_178 = arith.constant 0 : i32
    %dma_wait3A_179 = arith.constant 0 : i32
    %dma_wait3A_180 = tpu.memref_slice %arg3[%dma_wait3A_178, %dma_wait3A_179] : memref<1000000x64xf32, #tpu.memory_space<hbm>> -> memref<1000000x64xf32, #tpu.memory_space<hbm>>
    tpu.wait_indirect_dma semaphore(%arg14 : memref<!tpu.dma_semaphore, #tpu.memory_space<semaphore_mem>>) src(%dma_wait3A_180 : memref<1000000x64xf32, #tpu.memory_space<hbm>>) dst(%arg12 : memref<128x64xf32, #tpu.memory_space<vmem>>)
    %scan3A_181 = arith.constant 0 : i32
    %scan3A_182 = arith.constant 8 : i32
    %scan3A_183 = arith.addi %scan3A_181, %scan3A_182 : i32
    %scan3A_184 = arith.constant 1 : i32
    %scan3A_185 = scf.for %scan3A_376 = %scan3A_181 to %scan3A_183 step %scan3A_184 iter_args(%scan3A_377 = %scan3A_91) -> (vector<16xf32>)  : i32 {
      %mul3A_378 = arith.constant 16 : i32
      %mul3A_379 = arith.muli %scan3A_376, %mul3A_378 : i32
      %add3A_380 = vector.broadcast %mul3A_379 : i32 to vector<16xi32>
      %add3A_381 = arith.addi %add3A_380, %iota3A : vector<16xi32>
      %broadcast_in_dim3A_382 = arith.constant 0.000000e+00 : f32
      %broadcast_in_dim3A_383 = vector.broadcast %broadcast_in_dim3A_382 : f32 to vector<16xf32>
      %scan3A_384 = arith.constant 0 : i32
      %scan3A_385 = arith.constant 64 : i32
      %scan3A_386 = arith.addi %scan3A_384, %scan3A_385 : i32
      %scan3A_387 = arith.constant 1 : i32
      %scan3A_388:12 = scf.for %scan3A_677 = %scan3A_384 to %scan3A_386 step %scan3A_387 iter_args(%scan3A_678 = %broadcast_in_dim3A_383, %scan3A_679 = %broadcast_in_dim3A_383, %scan3A_680 = %broadcast_in_dim3A_383, %scan3A_681 = %broadcast_in_dim3A_383, %scan3A_682 = %broadcast_in_dim3A_383, %scan3A_683 = %broadcast_in_dim3A_383, %scan3A_684 = %broadcast_in_dim3A_383, %scan3A_685 = %broadcast_in_dim3A_383, %scan3A_686 = %broadcast_in_dim3A_383, %scan3A_687 = %broadcast_in_dim3A_383, %scan3A_688 = %broadcast_in_dim3A_383, %scan3A_689 = %broadcast_in_dim3A_383) -> (vector<16xf32>, vector<16xf32>, vector<16xf32>, vector<16xf32>, vector<16xf32>, vector<16xf32>, vector<16xf32>, vector<16xf32>, vector<16xf32>, vector<16xf32>, vector<16xf32>, vector<16xf32>)  : i32 {
        %broadcast_in_dim3A_690 = vector.broadcast %scan3A_677 : i32 to vector<16xi32>
        %gather3A = tpu.vector_load_idx %arg7[%add3A_381, %broadcast_in_dim3A_690] : memref<128x64xf32, #tpu.memory_space<vmem>>[vector<16xi32>, vector<16xi32>], vector<16xf32>,
        %gather3A_691 = tpu.vector_load_idx %arg8[%add3A_381, %broadcast_in_dim3A_690] : memref<128x64xf32, #tpu.memory_space<vmem>>[vector<16xi32>, vector<16xi32>], vector<16xf32>,
        %gather3A_692 = tpu.vector_load_idx %arg9[%add3A_381, %broadcast_in_dim3A_690] : memref<128x64xf32, #tpu.memory_space<vmem>>[vector<16xi32>, vector<16xi32>], vector<16xf32>,
        %gather3A_693 = tpu.vector_load_idx %arg10[%add3A_381, %broadcast_in_dim3A_690] : memref<128x64xf32, #tpu.memory_space<vmem>>[vector<16xi32>, vector<16xi32>], vector<16xf32>,
        %gather3A_694 = tpu.vector_load_idx %arg11[%add3A_381, %broadcast_in_dim3A_690] : memref<128x64xf32, #tpu.memory_space<vmem>>[vector<16xi32>, vector<16xi32>], vector<16xf32>,
        %gather3A_695 = tpu.vector_load_idx %arg12[%add3A_381, %broadcast_in_dim3A_690] : memref<128x64xf32, #tpu.memory_space<vmem>>[vector<16xi32>, vector<16xi32>], vector<16xf32>,
        %mul3A_696 = arith.mulf %gather3A, %gather3A : vector<16xf32>
        %add3A_697 = arith.addf %scan3A_678, %mul3A_696 : vector<16xf32>
        %mul3A_698 = arith.mulf %gather3A_692, %gather3A_692 : vector<16xf32>
        %add3A_699 = arith.addf %scan3A_679, %mul3A_698 : vector<16xf32>
        %mul3A_700 = arith.mulf %gather3A_691, %gather3A_691 : vector<16xf32>
        %add3A_701 = arith.addf %scan3A_680, %mul3A_700 : vector<16xf32>
        %mul3A_702 = arith.mulf %gather3A, %gather3A_691 : vector<16xf32>
        %add3A_703 = arith.addf %scan3A_681, %mul3A_702 : vector<16xf32>
        %mul3A_704 = arith.mulf %gather3A, %gather3A_692 : vector<16xf32>
        %add3A_705 = arith.addf %scan3A_682, %mul3A_704 : vector<16xf32>
        %mul3A_706 = arith.mulf %gather3A_691, %gather3A_692 : vector<16xf32>
        %add3A_707 = arith.addf %scan3A_683, %mul3A_706 : vector<16xf32>
        %mul3A_708 = arith.mulf %gather3A_693, %gather3A_693 : vector<16xf32>
        %add3A_709 = arith.addf %scan3A_684, %mul3A_708 : vector<16xf32>
        %mul3A_710 = arith.mulf %gather3A_695, %gather3A_695 : vector<16xf32>
        %add3A_711 = arith.addf %scan3A_685, %mul3A_710 : vector<16xf32>
        %mul3A_712 = arith.mulf %gather3A_694, %gather3A_694 : vector<16xf32>
        %add3A_713 = arith.addf %scan3A_686, %mul3A_712 : vector<16xf32>
        %mul3A_714 = arith.mulf %gather3A_693, %gather3A_694 : vector<16xf32>
        %add3A_715 = arith.addf %scan3A_687, %mul3A_714 : vector<16xf32>
        %mul3A_716 = arith.mulf %gather3A_693, %gather3A_695 : vector<16xf32>
        %add3A_717 = arith.addf %scan3A_688, %mul3A_716 : vector<16xf32>
        %mul3A_718 = arith.mulf %gather3A_694, %gather3A_695 : vector<16xf32>
        %add3A_719 = arith.addf %scan3A_689, %mul3A_718 : vector<16xf32>
        scf.yield %add3A_697, %add3A_699, %add3A_701, %add3A_703, %add3A_705, %add3A_707, %add3A_709, %add3A_711, %add3A_713, %add3A_715, %add3A_717, %add3A_719 : vector<16xf32>, vector<16xf32>, vector<16xf32>, vector<16xf32>, vector<16xf32>, vector<16xf32>, vector<16xf32>, vector<16xf32>, vector<16xf32>, vector<16xf32>, vector<16xf32>, vector<16xf32>
      }
      %scan3A_389 = arith.constant 64 : i32
      %gt3A = arith.constant 1.000000e+00 : f32
      %gt3A_390 = vector.broadcast %gt3A : f32 to vector<16xf32>
      %gt3A_391 = arith.cmpf ogt, %scan3A_388#0, %gt3A_390 : vector<16xf32>
      %bitcast_convert_type3A = tpu.bitcast %scan3A_388#0 : vector<16xf32> -> vector<16xi32>
      %shift_right_arithmetic3A = arith.constant 1 : i32
      %shift_right_arithmetic3A_392 = vector.broadcast %shift_right_arithmetic3A : i32 to vector<16xi32>
      %shift_right_arithmetic3A_393 = arith.shrsi %bitcast_convert_type3A, %shift_right_arithmetic3A_392 : vector<16xi32>
      %sub3A = arith.constant 1597463007 : i32
      %sub3A_394 = vector.broadcast %sub3A : i32 to vector<16xi32>
      %sub3A_395 = arith.subi %sub3A_394, %shift_right_arithmetic3A_393 : vector<16xi32>
      %bitcast_convert_type3A_396 = tpu.bitcast %sub3A_395 : vector<16xi32> -> vector<16xf32>
      %mul3A_397 = arith.constant 5.000000e-01 : f32
      %mul3A_398 = vector.broadcast %mul3A_397 : f32 to vector<16xf32>
      %mul3A_399 = arith.mulf %mul3A_398, %scan3A_388#0 : vector<16xf32>
      %mul3A_400 = arith.mulf %mul3A_399, %bitcast_convert_type3A_396 : vector<16xf32>
      %mul3A_401 = arith.mulf %mul3A_400, %bitcast_convert_type3A_396 : vector<16xf32>
      %sub3A_402 = arith.constant 1.500000e+00 : f32
      %sub3A_403 = vector.broadcast %sub3A_402 : f32 to vector<16xf32>
      %sub3A_404 = arith.subf %sub3A_403, %mul3A_401 : vector<16xf32>
      %mul3A_405 = arith.mulf %bitcast_convert_type3A_396, %sub3A_404 : vector<16xf32>
      %mul3A_406 = arith.constant 5.000000e-01 : f32
      %mul3A_407 = vector.broadcast %mul3A_406 : f32 to vector<16xf32>
      %mul3A_408 = arith.mulf %mul3A_407, %scan3A_388#0 : vector<16xf32>
      %mul3A_409 = arith.mulf %mul3A_408, %mul3A_405 : vector<16xf32>
      %mul3A_410 = arith.mulf %mul3A_409, %mul3A_405 : vector<16xf32>
      %sub3A_411 = arith.constant 1.500000e+00 : f32
      %sub3A_412 = vector.broadcast %sub3A_411 : f32 to vector<16xf32>
      %sub3A_413 = arith.subf %sub3A_412, %mul3A_410 : vector<16xf32>
      %mul3A_414 = arith.mulf %mul3A_405, %sub3A_413 : vector<16xf32>
      %mul3A_415 = arith.constant 5.000000e-01 : f32
      %mul3A_416 = vector.broadcast %mul3A_415 : f32 to vector<16xf32>
      %mul3A_417 = arith.mulf %mul3A_416, %scan3A_388#0 : vector<16xf32>
      %mul3A_418 = arith.mulf %mul3A_417, %mul3A_414 : vector<16xf32>
      %mul3A_419 = arith.mulf %mul3A_418, %mul3A_414 : vector<16xf32>
      %sub3A_420 = arith.constant 1.500000e+00 : f32
      %sub3A_421 = vector.broadcast %sub3A_420 : f32 to vector<16xf32>
      %sub3A_422 = arith.subf %sub3A_421, %mul3A_419 : vector<16xf32>
      %mul3A_423 = arith.mulf %mul3A_414, %sub3A_422 : vector<16xf32>
      %jit3A = arith.constant 1.000000e+00 : f32
      %broadcast_in_dim3A_424 = vector.broadcast %jit3A : f32 to vector<16xf32>
      %select_n3A = arith.select %gt3A_391, %mul3A_423, %broadcast_in_dim3A_424 : vector<16xi1>, vector<16xf32>
      %gt3A_425 = arith.constant 1.000000e+00 : f32
      %gt3A_426 = vector.broadcast %gt3A_425 : f32 to vector<16xf32>
      %gt3A_427 = arith.cmpf ogt, %scan3A_388#1, %gt3A_426 : vector<16xf32>
      %bitcast_convert_type3A_428 = tpu.bitcast %scan3A_388#1 : vector<16xf32> -> vector<16xi32>
      %shift_right_arithmetic3A_429 = arith.constant 1 : i32
      %shift_right_arithmetic3A_430 = vector.broadcast %shift_right_arithmetic3A_429 : i32 to vector<16xi32>
      %shift_right_arithmetic3A_431 = arith.shrsi %bitcast_convert_type3A_428, %shift_right_arithmetic3A_430 : vector<16xi32>
      %sub3A_432 = arith.constant 1597463007 : i32
      %sub3A_433 = vector.broadcast %sub3A_432 : i32 to vector<16xi32>
      %sub3A_434 = arith.subi %sub3A_433, %shift_right_arithmetic3A_431 : vector<16xi32>
      %bitcast_convert_type3A_435 = tpu.bitcast %sub3A_434 : vector<16xi32> -> vector<16xf32>
      %mul3A_436 = arith.constant 5.000000e-01 : f32
      %mul3A_437 = vector.broadcast %mul3A_436 : f32 to vector<16xf32>
      %mul3A_438 = arith.mulf %mul3A_437, %scan3A_388#1 : vector<16xf32>
      %mul3A_439 = arith.mulf %mul3A_438, %bitcast_convert_type3A_435 : vector<16xf32>
      %mul3A_440 = arith.mulf %mul3A_439, %bitcast_convert_type3A_435 : vector<16xf32>
      %sub3A_441 = arith.constant 1.500000e+00 : f32
      %sub3A_442 = vector.broadcast %sub3A_441 : f32 to vector<16xf32>
      %sub3A_443 = arith.subf %sub3A_442, %mul3A_440 : vector<16xf32>
      %mul3A_444 = arith.mulf %bitcast_convert_type3A_435, %sub3A_443 : vector<16xf32>
      %mul3A_445 = arith.constant 5.000000e-01 : f32
      %mul3A_446 = vector.broadcast %mul3A_445 : f32 to vector<16xf32>
      %mul3A_447 = arith.mulf %mul3A_446, %scan3A_388#1 : vector<16xf32>
      %mul3A_448 = arith.mulf %mul3A_447, %mul3A_444 : vector<16xf32>
      %mul3A_449 = arith.mulf %mul3A_448, %mul3A_444 : vector<16xf32>
      %sub3A_450 = arith.constant 1.500000e+00 : f32
      %sub3A_451 = vector.broadcast %sub3A_450 : f32 to vector<16xf32>
      %sub3A_452 = arith.subf %sub3A_451, %mul3A_449 : vector<16xf32>
      %mul3A_453 = arith.mulf %mul3A_444, %sub3A_452 : vector<16xf32>
      %mul3A_454 = arith.constant 5.000000e-01 : f32
      %mul3A_455 = vector.broadcast %mul3A_454 : f32 to vector<16xf32>
      %mul3A_456 = arith.mulf %mul3A_455, %scan3A_388#1 : vector<16xf32>
      %mul3A_457 = arith.mulf %mul3A_456, %mul3A_453 : vector<16xf32>
      %mul3A_458 = arith.mulf %mul3A_457, %mul3A_453 : vector<16xf32>
      %sub3A_459 = arith.constant 1.500000e+00 : f32
      %sub3A_460 = vector.broadcast %sub3A_459 : f32 to vector<16xf32>
      %sub3A_461 = arith.subf %sub3A_460, %mul3A_458 : vector<16xf32>
      %mul3A_462 = arith.mulf %mul3A_453, %sub3A_461 : vector<16xf32>
      %jit3A_463 = arith.constant 1.000000e+00 : f32
      %broadcast_in_dim3A_464 = vector.broadcast %jit3A_463 : f32 to vector<16xf32>
      %select_n3A_465 = arith.select %gt3A_427, %mul3A_462, %broadcast_in_dim3A_464 : vector<16xi1>, vector<16xf32>
      %mul3A_466 = arith.mulf %select_n3A, %select_n3A : vector<16xf32>
      %mul3A_467 = arith.mulf %mul3A_466, %scan3A_388#0 : vector<16xf32>
      %add3A_468 = arith.addf %mul3A_467, %scan3A_388#2 : vector<16xf32>
      %mul3A_469 = arith.mulf %select_n3A_465, %select_n3A_465 : vector<16xf32>
      %mul3A_470 = arith.mulf %mul3A_469, %scan3A_388#1 : vector<16xf32>
      %add3A_471 = arith.addf %add3A_468, %mul3A_470 : vector<16xf32>
      %mul3A_472 = arith.mulf %select_n3A, %scan3A_388#3 : vector<16xf32>
      %mul3A_473 = arith.mulf %select_n3A, %select_n3A_465 : vector<16xf32>
      %mul3A_474 = arith.mulf %mul3A_473, %scan3A_388#4 : vector<16xf32>
      %sub3A_475 = arith.subf %mul3A_472, %mul3A_474 : vector<16xf32>
      %mul3A_476 = arith.mulf %select_n3A_465, %scan3A_388#5 : vector<16xf32>
      %sub3A_477 = arith.subf %sub3A_475, %mul3A_476 : vector<16xf32>
      %mul3A_478 = arith.constant 2.000000e+00 : f32
      %mul3A_479 = vector.broadcast %mul3A_478 : f32 to vector<16xf32>
      %mul3A_480 = arith.mulf %mul3A_479, %sub3A_477 : vector<16xf32>
      %add3A_481 = arith.addf %add3A_471, %mul3A_480 : vector<16xf32>
      %max3A = arith.constant 0.000000e+00 : f32
      %max3A_482 = vector.broadcast %max3A : f32 to vector<16xf32>
      %max3A_483 = arith.maximumf %add3A_481, %max3A_482 : vector<16xf32>
      %gt3A_484 = arith.constant 0.000000e+00 : f32
      %gt3A_485 = vector.broadcast %gt3A_484 : f32 to vector<16xf32>
      %gt3A_486 = arith.cmpf ogt, %max3A_483, %gt3A_485 : vector<16xf32>
      %bitcast_convert_type3A_487 = tpu.bitcast %max3A_483 : vector<16xf32> -> vector<16xi32>
      %shift_right_arithmetic3A_488 = arith.constant 1 : i32
      %shift_right_arithmetic3A_489 = vector.broadcast %shift_right_arithmetic3A_488 : i32 to vector<16xi32>
      %shift_right_arithmetic3A_490 = arith.shrsi %bitcast_convert_type3A_487, %shift_right_arithmetic3A_489 : vector<16xi32>
      %sub3A_491 = arith.constant 1597463007 : i32
      %sub3A_492 = vector.broadcast %sub3A_491 : i32 to vector<16xi32>
      %sub3A_493 = arith.subi %sub3A_492, %shift_right_arithmetic3A_490 : vector<16xi32>
      %bitcast_convert_type3A_494 = tpu.bitcast %sub3A_493 : vector<16xi32> -> vector<16xf32>
      %mul3A_495 = arith.constant 5.000000e-01 : f32
      %mul3A_496 = vector.broadcast %mul3A_495 : f32 to vector<16xf32>
      %mul3A_497 = arith.mulf %mul3A_496, %max3A_483 : vector<16xf32>
      %mul3A_498 = arith.mulf %mul3A_497, %bitcast_convert_type3A_494 : vector<16xf32>
      %mul3A_499 = arith.mulf %mul3A_498, %bitcast_convert_type3A_494 : vector<16xf32>
      %sub3A_500 = arith.constant 1.500000e+00 : f32
      %sub3A_501 = vector.broadcast %sub3A_500 : f32 to vector<16xf32>
      %sub3A_502 = arith.subf %sub3A_501, %mul3A_499 : vector<16xf32>
      %mul3A_503 = arith.mulf %bitcast_convert_type3A_494, %sub3A_502 : vector<16xf32>
      %mul3A_504 = arith.constant 5.000000e-01 : f32
      %mul3A_505 = vector.broadcast %mul3A_504 : f32 to vector<16xf32>
      %mul3A_506 = arith.mulf %mul3A_505, %max3A_483 : vector<16xf32>
      %mul3A_507 = arith.mulf %mul3A_506, %mul3A_503 : vector<16xf32>
      %mul3A_508 = arith.mulf %mul3A_507, %mul3A_503 : vector<16xf32>
      %sub3A_509 = arith.constant 1.500000e+00 : f32
      %sub3A_510 = vector.broadcast %sub3A_509 : f32 to vector<16xf32>
      %sub3A_511 = arith.subf %sub3A_510, %mul3A_508 : vector<16xf32>
      %mul3A_512 = arith.mulf %mul3A_503, %sub3A_511 : vector<16xf32>
      %mul3A_513 = arith.constant 5.000000e-01 : f32
      %mul3A_514 = vector.broadcast %mul3A_513 : f32 to vector<16xf32>
      %mul3A_515 = arith.mulf %mul3A_514, %max3A_483 : vector<16xf32>
      %mul3A_516 = arith.mulf %mul3A_515, %mul3A_512 : vector<16xf32>
      %mul3A_517 = arith.mulf %mul3A_516, %mul3A_512 : vector<16xf32>
      %sub3A_518 = arith.constant 1.500000e+00 : f32
      %sub3A_519 = vector.broadcast %sub3A_518 : f32 to vector<16xf32>
      %sub3A_520 = arith.subf %sub3A_519, %mul3A_517 : vector<16xf32>
      %mul3A_521 = arith.mulf %mul3A_512, %sub3A_520 : vector<16xf32>
      %mul3A_522 = arith.mulf %max3A_483, %mul3A_521 : vector<16xf32>
      %jit3A_523 = arith.constant 0.000000e+00 : f32
      %broadcast_in_dim3A_524 = vector.broadcast %jit3A_523 : f32 to vector<16xf32>
      %select_n3A_525 = arith.select %gt3A_486, %mul3A_522, %broadcast_in_dim3A_524 : vector<16xi1>, vector<16xf32>
      %gt3A_526 = arith.constant 1.000000e+00 : f32
      %gt3A_527 = vector.broadcast %gt3A_526 : f32 to vector<16xf32>
      %gt3A_528 = arith.cmpf ogt, %scan3A_388#6, %gt3A_527 : vector<16xf32>
      %bitcast_convert_type3A_529 = tpu.bitcast %scan3A_388#6 : vector<16xf32> -> vector<16xi32>
      %shift_right_arithmetic3A_530 = arith.constant 1 : i32
      %shift_right_arithmetic3A_531 = vector.broadcast %shift_right_arithmetic3A_530 : i32 to vector<16xi32>
      %shift_right_arithmetic3A_532 = arith.shrsi %bitcast_convert_type3A_529, %shift_right_arithmetic3A_531 : vector<16xi32>
      %sub3A_533 = arith.constant 1597463007 : i32
      %sub3A_534 = vector.broadcast %sub3A_533 : i32 to vector<16xi32>
      %sub3A_535 = arith.subi %sub3A_534, %shift_right_arithmetic3A_532 : vector<16xi32>
      %bitcast_convert_type3A_536 = tpu.bitcast %sub3A_535 : vector<16xi32> -> vector<16xf32>
      %mul3A_537 = arith.constant 5.000000e-01 : f32
      %mul3A_538 = vector.broadcast %mul3A_537 : f32 to vector<16xf32>
      %mul3A_539 = arith.mulf %mul3A_538, %scan3A_388#6 : vector<16xf32>
      %mul3A_540 = arith.mulf %mul3A_539, %bitcast_convert_type3A_536 : vector<16xf32>
      %mul3A_541 = arith.mulf %mul3A_540, %bitcast_convert_type3A_536 : vector<16xf32>
      %sub3A_542 = arith.constant 1.500000e+00 : f32
      %sub3A_543 = vector.broadcast %sub3A_542 : f32 to vector<16xf32>
      %sub3A_544 = arith.subf %sub3A_543, %mul3A_541 : vector<16xf32>
      %mul3A_545 = arith.mulf %bitcast_convert_type3A_536, %sub3A_544 : vector<16xf32>
      %mul3A_546 = arith.constant 5.000000e-01 : f32
      %mul3A_547 = vector.broadcast %mul3A_546 : f32 to vector<16xf32>
      %mul3A_548 = arith.mulf %mul3A_547, %scan3A_388#6 : vector<16xf32>
      %mul3A_549 = arith.mulf %mul3A_548, %mul3A_545 : vector<16xf32>
      %mul3A_550 = arith.mulf %mul3A_549, %mul3A_545 : vector<16xf32>
      %sub3A_551 = arith.constant 1.500000e+00 : f32
      %sub3A_552 = vector.broadcast %sub3A_551 : f32 to vector<16xf32>
      %sub3A_553 = arith.subf %sub3A_552, %mul3A_550 : vector<16xf32>
      %mul3A_554 = arith.mulf %mul3A_545, %sub3A_553 : vector<16xf32>
      %mul3A_555 = arith.constant 5.000000e-01 : f32
      %mul3A_556 = vector.broadcast %mul3A_555 : f32 to vector<16xf32>
      %mul3A_557 = arith.mulf %mul3A_556, %scan3A_388#6 : vector<16xf32>
      %mul3A_558 = arith.mulf %mul3A_557, %mul3A_554 : vector<16xf32>
      %mul3A_559 = arith.mulf %mul3A_558, %mul3A_554 : vector<16xf32>
      %sub3A_560 = arith.constant 1.500000e+00 : f32
      %sub3A_561 = vector.broadcast %sub3A_560 : f32 to vector<16xf32>
      %sub3A_562 = arith.subf %sub3A_561, %mul3A_559 : vector<16xf32>
      %mul3A_563 = arith.mulf %mul3A_554, %sub3A_562 : vector<16xf32>
      %jit3A_564 = arith.constant 1.000000e+00 : f32
      %broadcast_in_dim3A_565 = vector.broadcast %jit3A_564 : f32 to vector<16xf32>
      %select_n3A_566 = arith.select %gt3A_528, %mul3A_563, %broadcast_in_dim3A_565 : vector<16xi1>, vector<16xf32>
      %gt3A_567 = arith.constant 1.000000e+00 : f32
      %gt3A_568 = vector.broadcast %gt3A_567 : f32 to vector<16xf32>
      %gt3A_569 = arith.cmpf ogt, %scan3A_388#7, %gt3A_568 : vector<16xf32>
      %bitcast_convert_type3A_570 = tpu.bitcast %scan3A_388#7 : vector<16xf32> -> vector<16xi32>
      %shift_right_arithmetic3A_571 = arith.constant 1 : i32
      %shift_right_arithmetic3A_572 = vector.broadcast %shift_right_arithmetic3A_571 : i32 to vector<16xi32>
      %shift_right_arithmetic3A_573 = arith.shrsi %bitcast_convert_type3A_570, %shift_right_arithmetic3A_572 : vector<16xi32>
      %sub3A_574 = arith.constant 1597463007 : i32
      %sub3A_575 = vector.broadcast %sub3A_574 : i32 to vector<16xi32>
      %sub3A_576 = arith.subi %sub3A_575, %shift_right_arithmetic3A_573 : vector<16xi32>
      %bitcast_convert_type3A_577 = tpu.bitcast %sub3A_576 : vector<16xi32> -> vector<16xf32>
      %mul3A_578 = arith.constant 5.000000e-01 : f32
      %mul3A_579 = vector.broadcast %mul3A_578 : f32 to vector<16xf32>
      %mul3A_580 = arith.mulf %mul3A_579, %scan3A_388#7 : vector<16xf32>
      %mul3A_581 = arith.mulf %mul3A_580, %bitcast_convert_type3A_577 : vector<16xf32>
      %mul3A_582 = arith.mulf %mul3A_581, %bitcast_convert_type3A_577 : vector<16xf32>
      %sub3A_583 = arith.constant 1.500000e+00 : f32
      %sub3A_584 = vector.broadcast %sub3A_583 : f32 to vector<16xf32>
      %sub3A_585 = arith.subf %sub3A_584, %mul3A_582 : vector<16xf32>
      %mul3A_586 = arith.mulf %bitcast_convert_type3A_577, %sub3A_585 : vector<16xf32>
      %mul3A_587 = arith.constant 5.000000e-01 : f32
      %mul3A_588 = vector.broadcast %mul3A_587 : f32 to vector<16xf32>
      %mul3A_589 = arith.mulf %mul3A_588, %scan3A_388#7 : vector<16xf32>
      %mul3A_590 = arith.mulf %mul3A_589, %mul3A_586 : vector<16xf32>
      %mul3A_591 = arith.mulf %mul3A_590, %mul3A_586 : vector<16xf32>
      %sub3A_592 = arith.constant 1.500000e+00 : f32
      %sub3A_593 = vector.broadcast %sub3A_592 : f32 to vector<16xf32>
      %sub3A_594 = arith.subf %sub3A_593, %mul3A_591 : vector<16xf32>
      %mul3A_595 = arith.mulf %mul3A_586, %sub3A_594 : vector<16xf32>
      %mul3A_596 = arith.constant 5.000000e-01 : f32
      %mul3A_597 = vector.broadcast %mul3A_596 : f32 to vector<16xf32>
      %mul3A_598 = arith.mulf %mul3A_597, %scan3A_388#7 : vector<16xf32>
      %mul3A_599 = arith.mulf %mul3A_598, %mul3A_595 : vector<16xf32>
      %mul3A_600 = arith.mulf %mul3A_599, %mul3A_595 : vector<16xf32>
      %sub3A_601 = arith.constant 1.500000e+00 : f32
      %sub3A_602 = vector.broadcast %sub3A_601 : f32 to vector<16xf32>
      %sub3A_603 = arith.subf %sub3A_602, %mul3A_600 : vector<16xf32>
      %mul3A_604 = arith.mulf %mul3A_595, %sub3A_603 : vector<16xf32>
      %jit3A_605 = arith.constant 1.000000e+00 : f32
      %broadcast_in_dim3A_606 = vector.broadcast %jit3A_605 : f32 to vector<16xf32>
      %select_n3A_607 = arith.select %gt3A_569, %mul3A_604, %broadcast_in_dim3A_606 : vector<16xi1>, vector<16xf32>
      %mul3A_608 = arith.mulf %select_n3A_566, %select_n3A_566 : vector<16xf32>
      %mul3A_609 = arith.mulf %mul3A_608, %scan3A_388#6 : vector<16xf32>
      %add3A_610 = arith.addf %mul3A_609, %scan3A_388#8 : vector<16xf32>
      %mul3A_611 = arith.mulf %select_n3A_607, %select_n3A_607 : vector<16xf32>
      %mul3A_612 = arith.mulf %mul3A_611, %scan3A_388#7 : vector<16xf32>
      %add3A_613 = arith.addf %add3A_610, %mul3A_612 : vector<16xf32>
      %mul3A_614 = arith.mulf %select_n3A_566, %scan3A_388#9 : vector<16xf32>
      %mul3A_615 = arith.mulf %select_n3A_566, %select_n3A_607 : vector<16xf32>
      %mul3A_616 = arith.mulf %mul3A_615, %scan3A_388#10 : vector<16xf32>
      %sub3A_617 = arith.subf %mul3A_614, %mul3A_616 : vector<16xf32>
      %mul3A_618 = arith.mulf %select_n3A_607, %scan3A_388#11 : vector<16xf32>
      %sub3A_619 = arith.subf %sub3A_617, %mul3A_618 : vector<16xf32>
      %mul3A_620 = arith.constant 2.000000e+00 : f32
      %mul3A_621 = vector.broadcast %mul3A_620 : f32 to vector<16xf32>
      %mul3A_622 = arith.mulf %mul3A_621, %sub3A_619 : vector<16xf32>
      %add3A_623 = arith.addf %add3A_613, %mul3A_622 : vector<16xf32>
      %max3A_624 = arith.constant 0.000000e+00 : f32
      %max3A_625 = vector.broadcast %max3A_624 : f32 to vector<16xf32>
      %max3A_626 = arith.maximumf %add3A_623, %max3A_625 : vector<16xf32>
      %gt3A_627 = arith.constant 0.000000e+00 : f32
      %gt3A_628 = vector.broadcast %gt3A_627 : f32 to vector<16xf32>
      %gt3A_629 = arith.cmpf ogt, %max3A_626, %gt3A_628 : vector<16xf32>
      %bitcast_convert_type3A_630 = tpu.bitcast %max3A_626 : vector<16xf32> -> vector<16xi32>
      %shift_right_arithmetic3A_631 = arith.constant 1 : i32
      %shift_right_arithmetic3A_632 = vector.broadcast %shift_right_arithmetic3A_631 : i32 to vector<16xi32>
      %shift_right_arithmetic3A_633 = arith.shrsi %bitcast_convert_type3A_630, %shift_right_arithmetic3A_632 : vector<16xi32>
      %sub3A_634 = arith.constant 1597463007 : i32
      %sub3A_635 = vector.broadcast %sub3A_634 : i32 to vector<16xi32>
      %sub3A_636 = arith.subi %sub3A_635, %shift_right_arithmetic3A_633 : vector<16xi32>
      %bitcast_convert_type3A_637 = tpu.bitcast %sub3A_636 : vector<16xi32> -> vector<16xf32>
      %mul3A_638 = arith.constant 5.000000e-01 : f32
      %mul3A_639 = vector.broadcast %mul3A_638 : f32 to vector<16xf32>
      %mul3A_640 = arith.mulf %mul3A_639, %max3A_626 : vector<16xf32>
      %mul3A_641 = arith.mulf %mul3A_640, %bitcast_convert_type3A_637 : vector<16xf32>
      %mul3A_642 = arith.mulf %mul3A_641, %bitcast_convert_type3A_637 : vector<16xf32>
      %sub3A_643 = arith.constant 1.500000e+00 : f32
      %sub3A_644 = vector.broadcast %sub3A_643 : f32 to vector<16xf32>
      %sub3A_645 = arith.subf %sub3A_644, %mul3A_642 : vector<16xf32>
      %mul3A_646 = arith.mulf %bitcast_convert_type3A_637, %sub3A_645 : vector<16xf32>
      %mul3A_647 = arith.constant 5.000000e-01 : f32
      %mul3A_648 = vector.broadcast %mul3A_647 : f32 to vector<16xf32>
      %mul3A_649 = arith.mulf %mul3A_648, %max3A_626 : vector<16xf32>
      %mul3A_650 = arith.mulf %mul3A_649, %mul3A_646 : vector<16xf32>
      %mul3A_651 = arith.mulf %mul3A_650, %mul3A_646 : vector<16xf32>
      %sub3A_652 = arith.constant 1.500000e+00 : f32
      %sub3A_653 = vector.broadcast %sub3A_652 : f32 to vector<16xf32>
      %sub3A_654 = arith.subf %sub3A_653, %mul3A_651 : vector<16xf32>
      %mul3A_655 = arith.mulf %mul3A_646, %sub3A_654 : vector<16xf32>
      %mul3A_656 = arith.constant 5.000000e-01 : f32
      %mul3A_657 = vector.broadcast %mul3A_656 : f32 to vector<16xf32>
      %mul3A_658 = arith.mulf %mul3A_657, %max3A_626 : vector<16xf32>
      %mul3A_659 = arith.mulf %mul3A_658, %mul3A_655 : vector<16xf32>
      %mul3A_660 = arith.mulf %mul3A_659, %mul3A_655 : vector<16xf32>
      %sub3A_661 = arith.constant 1.500000e+00 : f32
      %sub3A_662 = vector.broadcast %sub3A_661 : f32 to vector<16xf32>
      %sub3A_663 = arith.subf %sub3A_662, %mul3A_660 : vector<16xf32>
      %mul3A_664 = arith.mulf %mul3A_655, %sub3A_663 : vector<16xf32>
      %mul3A_665 = arith.mulf %max3A_626, %mul3A_664 : vector<16xf32>
      %jit3A_666 = arith.constant 0.000000e+00 : f32
      %broadcast_in_dim3A_667 = vector.broadcast %jit3A_666 : f32 to vector<16xf32>
      %select_n3A_668 = arith.select %gt3A_629, %mul3A_665, %broadcast_in_dim3A_667 : vector<16xi1>, vector<16xf32>
      %sub3A_669 = arith.subf %select_n3A_525, %select_n3A_668 : vector<16xf32>
      %add3A_670 = arith.constant 1.000000e+00 : f32
      %add3A_671 = vector.broadcast %add3A_670 : f32 to vector<16xf32>
      %add3A_672 = arith.addf %sub3A_669, %add3A_671 : vector<16xf32>
      %max3A_673 = arith.constant 0.000000e+00 : f32
      %max3A_674 = vector.broadcast %max3A_673 : f32 to vector<16xf32>
      %max3A_675 = arith.maximumf %add3A_672, %max3A_674 : vector<16xf32>
      %add3A_676 = arith.addf %scan3A_377, %max3A_675 : vector<16xf32>
      scf.yield %add3A_676 : vector<16xf32>
    }
    %scan3A_186 = arith.constant 8 : i32
    %mul3A_187 = arith.constant 512 : i32
    %mul3A_188 = arith.muli %add3A, %mul3A_187 : i32
    %add3A_189 = arith.constant 256 : i32
    %add3A_190 = arith.addi %mul3A_188, %add3A_189 : i32
    "tpu.region"() ({
      %run_scoped3A = tpu.sem_alloc : memref<!tpu.dma_semaphore, #tpu.memory_space<semaphore_mem>>
      %dma_start3A_376 = arith.constant 0 : i32
      %dma_start3A_377 = tpu.memref_slice %arg2[%dma_start3A_376, %add3A_190] : memref<6x16384xi32, #tpu.memory_space<hbm>> -> memref<6x128xi32, #tpu.memory_space<hbm>>
      %dma_start3A_378 = arith.constant 0 : i32
      %dma_start3A_379 = tpu.memref_slice %arg2[%dma_start3A_378, %add3A_190] : memref<6x16384xi32, #tpu.memory_space<hbm>> -> memref<6x128xi32, #tpu.memory_space<hbm>>
      tpu.enqueue_dma source(%dma_start3A_379 : memref<6x128xi32, #tpu.memory_space<hbm>>) target(%arg6 : memref<6x128xi32, #tpu.memory_space<vmem>>) target_semaphore(%run_scoped3A : memref<!tpu.dma_semaphore, #tpu.memory_space<semaphore_mem>>)
      %dma_wait3A_380 = arith.constant 0 : i32
      %dma_wait3A_381 = tpu.memref_slice %arg2[%dma_wait3A_380, %add3A_190] : memref<6x16384xi32, #tpu.memory_space<hbm>> -> memref<6x128xi32, #tpu.memory_space<hbm>>
      %dma_wait3A_382 = arith.constant 0 : i32
      %dma_wait3A_383 = tpu.memref_slice %arg2[%dma_wait3A_382, %add3A_190] : memref<6x16384xi32, #tpu.memory_space<hbm>> -> memref<6x128xi32, #tpu.memory_space<hbm>>
      tpu.wait_dma2 semaphore(%run_scoped3A : memref<!tpu.dma_semaphore, #tpu.memory_space<semaphore_mem>>) src(%dma_wait3A_383 : memref<6x128xi32, #tpu.memory_space<hbm>>) dst(%arg6 : memref<6x128xi32, #tpu.memory_space<vmem>>)
      tpu.yield
    }) : () -> ()
    %dma_start3A_191 = arith.constant 0 : i32
    %dma_start3A_192 = arith.constant 0 : i32
    %dma_start3A_193 = tpu.memref_slice %arg6[%dma_start3A_191, %dma_start3A_192] : memref<6x128xi32, #tpu.memory_space<vmem>> -> memref<1x128xi32, #tpu.memory_space<vmem>>
    %dma_start3A_194 = tpu.memref_squeeze %dma_start3A_193 : memref<1x128xi32, #tpu.memory_space<vmem>> -> memref<128xi32, #tpu.memory_space<vmem>>
    %dma_start3A_195 = arith.constant 0 : i32
    %dma_start3A_196 = arith.constant 0 : i32
    %dma_start3A_197 = tpu.memref_slice %arg3[%dma_start3A_195, %dma_start3A_196] : memref<1000000x64xf32, #tpu.memory_space<hbm>> -> memref<1000000x64xf32, #tpu.memory_space<hbm>>
    tpu.enqueue_indirect_dma source(%dma_start3A_197 : memref<1000000x64xf32, #tpu.memory_space<hbm>>) target(%arg7 : memref<128x64xf32, #tpu.memory_space<vmem>>) offsets(%dma_start3A_194 : memref<128xi32, #tpu.memory_space<vmem>>) semaphore(%arg14 : memref<!tpu.dma_semaphore, #tpu.memory_space<semaphore_mem>>)
    %dma_start3A_198 = arith.constant 1 : i32
    %dma_start3A_199 = arith.constant 0 : i32
    %dma_start3A_200 = tpu.memref_slice %arg6[%dma_start3A_198, %dma_start3A_199] : memref<6x128xi32, #tpu.memory_space<vmem>> -> memref<1x128xi32, #tpu.memory_space<vmem>>
    %dma_start3A_201 = tpu.memref_squeeze %dma_start3A_200 : memref<1x128xi32, #tpu.memory_space<vmem>> -> memref<128xi32, #tpu.memory_space<vmem>>
    %dma_start3A_202 = arith.constant 0 : i32
    %dma_start3A_203 = arith.constant 0 : i32
    %dma_start3A_204 = tpu.memref_slice %arg4[%dma_start3A_202, %dma_start3A_203] : memref<1000000x64xf32, #tpu.memory_space<hbm>> -> memref<1000000x64xf32, #tpu.memory_space<hbm>>
    tpu.enqueue_indirect_dma source(%dma_start3A_204 : memref<1000000x64xf32, #tpu.memory_space<hbm>>) target(%arg8 : memref<128x64xf32, #tpu.memory_space<vmem>>) offsets(%dma_start3A_201 : memref<128xi32, #tpu.memory_space<vmem>>) semaphore(%arg14 : memref<!tpu.dma_semaphore, #tpu.memory_space<semaphore_mem>>)
    %dma_start3A_205 = arith.constant 2 : i32
    %dma_start3A_206 = arith.constant 0 : i32
    %dma_start3A_207 = tpu.memref_slice %arg6[%dma_start3A_205, %dma_start3A_206] : memref<6x128xi32, #tpu.memory_space<vmem>> -> memref<1x128xi32, #tpu.memory_space<vmem>>
    %dma_start3A_208 = tpu.memref_squeeze %dma_start3A_207 : memref<1x128xi32, #tpu.memory_space<vmem>> -> memref<128xi32, #tpu.memory_space<vmem>>
    %dma_start3A_209 = arith.constant 0 : i32
    %dma_start3A_210 = arith.constant 0 : i32
    %dma_start3A_211 = tpu.memref_slice %arg3[%dma_start3A_209, %dma_start3A_210] : memref<1000000x64xf32, #tpu.memory_space<hbm>> -> memref<1000000x64xf32, #tpu.memory_space<hbm>>
    tpu.enqueue_indirect_dma source(%dma_start3A_211 : memref<1000000x64xf32, #tpu.memory_space<hbm>>) target(%arg9 : memref<128x64xf32, #tpu.memory_space<vmem>>) offsets(%dma_start3A_208 : memref<128xi32, #tpu.memory_space<vmem>>) semaphore(%arg14 : memref<!tpu.dma_semaphore, #tpu.memory_space<semaphore_mem>>)
    %dma_start3A_212 = arith.constant 3 : i32
    %dma_start3A_213 = arith.constant 0 : i32
    %dma_start3A_214 = tpu.memref_slice %arg6[%dma_start3A_212, %dma_start3A_213] : memref<6x128xi32, #tpu.memory_space<vmem>> -> memref<1x128xi32, #tpu.memory_space<vmem>>
    %dma_start3A_215 = tpu.memref_squeeze %dma_start3A_214 : memref<1x128xi32, #tpu.memory_space<vmem>> -> memref<128xi32, #tpu.memory_space<vmem>>
    %dma_start3A_216 = arith.constant 0 : i32
    %dma_start3A_217 = arith.constant 0 : i32
    %dma_start3A_218 = tpu.memref_slice %arg3[%dma_start3A_216, %dma_start3A_217] : memref<1000000x64xf32, #tpu.memory_space<hbm>> -> memref<1000000x64xf32, #tpu.memory_space<hbm>>
    tpu.enqueue_indirect_dma source(%dma_start3A_218 : memref<1000000x64xf32, #tpu.memory_space<hbm>>) target(%arg10 : memref<128x64xf32, #tpu.memory_space<vmem>>) offsets(%dma_start3A_215 : memref<128xi32, #tpu.memory_space<vmem>>) semaphore(%arg14 : memref<!tpu.dma_semaphore, #tpu.memory_space<semaphore_mem>>)
    %dma_start3A_219 = arith.constant 4 : i32
    %dma_start3A_220 = arith.constant 0 : i32
    %dma_start3A_221 = tpu.memref_slice %arg6[%dma_start3A_219, %dma_start3A_220] : memref<6x128xi32, #tpu.memory_space<vmem>> -> memref<1x128xi32, #tpu.memory_space<vmem>>
    %dma_start3A_222 = tpu.memref_squeeze %dma_start3A_221 : memref<1x128xi32, #tpu.memory_space<vmem>> -> memref<128xi32, #tpu.memory_space<vmem>>
    %dma_start3A_223 = arith.constant 0 : i32
    %dma_start3A_224 = arith.constant 0 : i32
    %dma_start3A_225 = tpu.memref_slice %arg4[%dma_start3A_223, %dma_start3A_224] : memref<1000000x64xf32, #tpu.memory_space<hbm>> -> memref<1000000x64xf32, #tpu.memory_space<hbm>>
    tpu.enqueue_indirect_dma source(%dma_start3A_225 : memref<1000000x64xf32, #tpu.memory_space<hbm>>) target(%arg11 : memref<128x64xf32, #tpu.memory_space<vmem>>) offsets(%dma_start3A_222 : memref<128xi32, #tpu.memory_space<vmem>>) semaphore(%arg14 : memref<!tpu.dma_semaphore, #tpu.memory_space<semaphore_mem>>)
    %dma_start3A_226 = arith.constant 5 : i32
    %dma_start3A_227 = arith.constant 0 : i32
    %dma_start3A_228 = tpu.memref_slice %arg6[%dma_start3A_226, %dma_start3A_227] : memref<6x128xi32, #tpu.memory_space<vmem>> -> memref<1x128xi32, #tpu.memory_space<vmem>>
    %dma_start3A_229 = tpu.memref_squeeze %dma_start3A_228 : memref<1x128xi32, #tpu.memory_space<vmem>> -> memref<128xi32, #tpu.memory_space<vmem>>
    %dma_start3A_230 = arith.constant 0 : i32
    %dma_start3A_231 = arith.constant 0 : i32
    %dma_start3A_232 = tpu.memref_slice %arg3[%dma_start3A_230, %dma_start3A_231] : memref<1000000x64xf32, #tpu.memory_space<hbm>> -> memref<1000000x64xf32, #tpu.memory_space<hbm>>
    tpu.enqueue_indirect_dma source(%dma_start3A_232 : memref<1000000x64xf32, #tpu.memory_space<hbm>>) target(%arg12 : memref<128x64xf32, #tpu.memory_space<vmem>>) offsets(%dma_start3A_229 : memref<128xi32, #tpu.memory_space<vmem>>) semaphore(%arg14 : memref<!tpu.dma_semaphore, #tpu.memory_space<semaphore_mem>>)
    %dma_wait3A_233 = arith.constant 0 : i32
    %dma_wait3A_234 = arith.constant 0 : i32
    %dma_wait3A_235 = tpu.memref_slice %arg6[%dma_wait3A_233, %dma_wait3A_234] : memref<6x128xi32, #tpu.memory_space<vmem>> -> memref<1x128xi32, #tpu.memory_space<vmem>>
    %dma_wait3A_236 = tpu.memref_squeeze %dma_wait3A_235 : memref<1x128xi32, #tpu.memory_space<vmem>> -> memref<128xi32, #tpu.memory_space<vmem>>
    %dma_wait3A_237 = arith.constant 0 : i32
    %dma_wait3A_238 = arith.constant 0 : i32
    %dma_wait3A_239 = tpu.memref_slice %arg3[%dma_wait3A_237, %dma_wait3A_238] : memref<1000000x64xf32, #tpu.memory_space<hbm>> -> memref<1000000x64xf32, #tpu.memory_space<hbm>>
    tpu.wait_indirect_dma semaphore(%arg14 : memref<!tpu.dma_semaphore, #tpu.memory_space<semaphore_mem>>) src(%dma_wait3A_239 : memref<1000000x64xf32, #tpu.memory_space<hbm>>) dst(%arg7 : memref<128x64xf32, #tpu.memory_space<vmem>>)
    %dma_wait3A_240 = arith.constant 1 : i32
    %dma_wait3A_241 = arith.constant 0 : i32
    %dma_wait3A_242 = tpu.memref_slice %arg6[%dma_wait3A_240, %dma_wait3A_241] : memref<6x128xi32, #tpu.memory_space<vmem>> -> memref<1x128xi32, #tpu.memory_space<vmem>>
    %dma_wait3A_243 = tpu.memref_squeeze %dma_wait3A_242 : memref<1x128xi32, #tpu.memory_space<vmem>> -> memref<128xi32, #tpu.memory_space<vmem>>
    %dma_wait3A_244 = arith.constant 0 : i32
    %dma_wait3A_245 = arith.constant 0 : i32
    %dma_wait3A_246 = tpu.memref_slice %arg4[%dma_wait3A_244, %dma_wait3A_245] : memref<1000000x64xf32, #tpu.memory_space<hbm>> -> memref<1000000x64xf32, #tpu.memory_space<hbm>>
    tpu.wait_indirect_dma semaphore(%arg14 : memref<!tpu.dma_semaphore, #tpu.memory_space<semaphore_mem>>) src(%dma_wait3A_246 : memref<1000000x64xf32, #tpu.memory_space<hbm>>) dst(%arg8 : memref<128x64xf32, #tpu.memory_space<vmem>>)
    %dma_wait3A_247 = arith.constant 2 : i32
    %dma_wait3A_248 = arith.constant 0 : i32
    %dma_wait3A_249 = tpu.memref_slice %arg6[%dma_wait3A_247, %dma_wait3A_248] : memref<6x128xi32, #tpu.memory_space<vmem>> -> memref<1x128xi32, #tpu.memory_space<vmem>>
    %dma_wait3A_250 = tpu.memref_squeeze %dma_wait3A_249 : memref<1x128xi32, #tpu.memory_space<vmem>> -> memref<128xi32, #tpu.memory_space<vmem>>
    %dma_wait3A_251 = arith.constant 0 : i32
    %dma_wait3A_252 = arith.constant 0 : i32
    %dma_wait3A_253 = tpu.memref_slice %arg3[%dma_wait3A_251, %dma_wait3A_252] : memref<1000000x64xf32, #tpu.memory_space<hbm>> -> memref<1000000x64xf32, #tpu.memory_space<hbm>>
    tpu.wait_indirect_dma semaphore(%arg14 : memref<!tpu.dma_semaphore, #tpu.memory_space<semaphore_mem>>) src(%dma_wait3A_253 : memref<1000000x64xf32, #tpu.memory_space<hbm>>) dst(%arg9 : memref<128x64xf32, #tpu.memory_space<vmem>>)
    %dma_wait3A_254 = arith.constant 3 : i32
    %dma_wait3A_255 = arith.constant 0 : i32
    %dma_wait3A_256 = tpu.memref_slice %arg6[%dma_wait3A_254, %dma_wait3A_255] : memref<6x128xi32, #tpu.memory_space<vmem>> -> memref<1x128xi32, #tpu.memory_space<vmem>>
    %dma_wait3A_257 = tpu.memref_squeeze %dma_wait3A_256 : memref<1x128xi32, #tpu.memory_space<vmem>> -> memref<128xi32, #tpu.memory_space<vmem>>
    %dma_wait3A_258 = arith.constant 0 : i32
    %dma_wait3A_259 = arith.constant 0 : i32
    %dma_wait3A_260 = tpu.memref_slice %arg3[%dma_wait3A_258, %dma_wait3A_259] : memref<1000000x64xf32, #tpu.memory_space<hbm>> -> memref<1000000x64xf32, #tpu.memory_space<hbm>>
    tpu.wait_indirect_dma semaphore(%arg14 : memref<!tpu.dma_semaphore, #tpu.memory_space<semaphore_mem>>) src(%dma_wait3A_260 : memref<1000000x64xf32, #tpu.memory_space<hbm>>) dst(%arg10 : memref<128x64xf32, #tpu.memory_space<vmem>>)
    %dma_wait3A_261 = arith.constant 4 : i32
    %dma_wait3A_262 = arith.constant 0 : i32
    %dma_wait3A_263 = tpu.memref_slice %arg6[%dma_wait3A_261, %dma_wait3A_262] : memref<6x128xi32, #tpu.memory_space<vmem>> -> memref<1x128xi32, #tpu.memory_space<vmem>>
    %dma_wait3A_264 = tpu.memref_squeeze %dma_wait3A_263 : memref<1x128xi32, #tpu.memory_space<vmem>> -> memref<128xi32, #tpu.memory_space<vmem>>
    %dma_wait3A_265 = arith.constant 0 : i32
    %dma_wait3A_266 = arith.constant 0 : i32
    %dma_wait3A_267 = tpu.memref_slice %arg4[%dma_wait3A_265, %dma_wait3A_266] : memref<1000000x64xf32, #tpu.memory_space<hbm>> -> memref<1000000x64xf32, #tpu.memory_space<hbm>>
    tpu.wait_indirect_dma semaphore(%arg14 : memref<!tpu.dma_semaphore, #tpu.memory_space<semaphore_mem>>) src(%dma_wait3A_267 : memref<1000000x64xf32, #tpu.memory_space<hbm>>) dst(%arg11 : memref<128x64xf32, #tpu.memory_space<vmem>>)
    %dma_wait3A_268 = arith.constant 5 : i32
    %dma_wait3A_269 = arith.constant 0 : i32
    %dma_wait3A_270 = tpu.memref_slice %arg6[%dma_wait3A_268, %dma_wait3A_269] : memref<6x128xi32, #tpu.memory_space<vmem>> -> memref<1x128xi32, #tpu.memory_space<vmem>>
    %dma_wait3A_271 = tpu.memref_squeeze %dma_wait3A_270 : memref<1x128xi32, #tpu.memory_space<vmem>> -> memref<128xi32, #tpu.memory_space<vmem>>
    %dma_wait3A_272 = arith.constant 0 : i32
    %dma_wait3A_273 = arith.constant 0 : i32
    %dma_wait3A_274 = tpu.memref_slice %arg3[%dma_wait3A_272, %dma_wait3A_273] : memref<1000000x64xf32, #tpu.memory_space<hbm>> -> memref<1000000x64xf32, #tpu.memory_space<hbm>>
    tpu.wait_indirect_dma semaphore(%arg14 : memref<!tpu.dma_semaphore, #tpu.memory_space<semaphore_mem>>) src(%dma_wait3A_274 : memref<1000000x64xf32, #tpu.memory_space<hbm>>) dst(%arg12 : memref<128x64xf32, #tpu.memory_space<vmem>>)
    %scan3A_275 = arith.constant 0 : i32
    %scan3A_276 = arith.constant 8 : i32
    %scan3A_277 = arith.addi %scan3A_275, %scan3A_276 : i32
    %scan3A_278 = arith.constant 1 : i32
    %scan3A_279 = scf.for %scan3A_376 = %scan3A_275 to %scan3A_277 step %scan3A_278 iter_args(%scan3A_377 = %scan3A_185) -> (vector<16xf32>)  : i32 {
      %mul3A_378 = arith.constant 16 : i32
      %mul3A_379 = arith.muli %scan3A_376, %mul3A_378 : i32
      %add3A_380 = vector.broadcast %mul3A_379 : i32 to vector<16xi32>
      %add3A_381 = arith.addi %add3A_380, %iota3A : vector<16xi32>
      %broadcast_in_dim3A_382 = arith.constant 0.000000e+00 : f32
      %broadcast_in_dim3A_383 = vector.broadcast %broadcast_in_dim3A_382 : f32 to vector<16xf32>
      %scan3A_384 = arith.constant 0 : i32
      %scan3A_385 = arith.constant 64 : i32
      %scan3A_386 = arith.addi %scan3A_384, %scan3A_385 : i32
      %scan3A_387 = arith.constant 1 : i32
      %scan3A_388:12 = scf.for %scan3A_677 = %scan3A_384 to %scan3A_386 step %scan3A_387 iter_args(%scan3A_678 = %broadcast_in_dim3A_383, %scan3A_679 = %broadcast_in_dim3A_383, %scan3A_680 = %broadcast_in_dim3A_383, %scan3A_681 = %broadcast_in_dim3A_383, %scan3A_682 = %broadcast_in_dim3A_383, %scan3A_683 = %broadcast_in_dim3A_383, %scan3A_684 = %broadcast_in_dim3A_383, %scan3A_685 = %broadcast_in_dim3A_383, %scan3A_686 = %broadcast_in_dim3A_383, %scan3A_687 = %broadcast_in_dim3A_383, %scan3A_688 = %broadcast_in_dim3A_383, %scan3A_689 = %broadcast_in_dim3A_383) -> (vector<16xf32>, vector<16xf32>, vector<16xf32>, vector<16xf32>, vector<16xf32>, vector<16xf32>, vector<16xf32>, vector<16xf32>, vector<16xf32>, vector<16xf32>, vector<16xf32>, vector<16xf32>)  : i32 {
        %broadcast_in_dim3A_690 = vector.broadcast %scan3A_677 : i32 to vector<16xi32>
        %gather3A = tpu.vector_load_idx %arg7[%add3A_381, %broadcast_in_dim3A_690] : memref<128x64xf32, #tpu.memory_space<vmem>>[vector<16xi32>, vector<16xi32>], vector<16xf32>,
        %gather3A_691 = tpu.vector_load_idx %arg8[%add3A_381, %broadcast_in_dim3A_690] : memref<128x64xf32, #tpu.memory_space<vmem>>[vector<16xi32>, vector<16xi32>], vector<16xf32>,
        %gather3A_692 = tpu.vector_load_idx %arg9[%add3A_381, %broadcast_in_dim3A_690] : memref<128x64xf32, #tpu.memory_space<vmem>>[vector<16xi32>, vector<16xi32>], vector<16xf32>,
        %gather3A_693 = tpu.vector_load_idx %arg10[%add3A_381, %broadcast_in_dim3A_690] : memref<128x64xf32, #tpu.memory_space<vmem>>[vector<16xi32>, vector<16xi32>], vector<16xf32>,
        %gather3A_694 = tpu.vector_load_idx %arg11[%add3A_381, %broadcast_in_dim3A_690] : memref<128x64xf32, #tpu.memory_space<vmem>>[vector<16xi32>, vector<16xi32>], vector<16xf32>,
        %gather3A_695 = tpu.vector_load_idx %arg12[%add3A_381, %broadcast_in_dim3A_690] : memref<128x64xf32, #tpu.memory_space<vmem>>[vector<16xi32>, vector<16xi32>], vector<16xf32>,
        %mul3A_696 = arith.mulf %gather3A, %gather3A : vector<16xf32>
        %add3A_697 = arith.addf %scan3A_678, %mul3A_696 : vector<16xf32>
        %mul3A_698 = arith.mulf %gather3A_692, %gather3A_692 : vector<16xf32>
        %add3A_699 = arith.addf %scan3A_679, %mul3A_698 : vector<16xf32>
        %mul3A_700 = arith.mulf %gather3A_691, %gather3A_691 : vector<16xf32>
        %add3A_701 = arith.addf %scan3A_680, %mul3A_700 : vector<16xf32>
        %mul3A_702 = arith.mulf %gather3A, %gather3A_691 : vector<16xf32>
        %add3A_703 = arith.addf %scan3A_681, %mul3A_702 : vector<16xf32>
        %mul3A_704 = arith.mulf %gather3A, %gather3A_692 : vector<16xf32>
        %add3A_705 = arith.addf %scan3A_682, %mul3A_704 : vector<16xf32>
        %mul3A_706 = arith.mulf %gather3A_691, %gather3A_692 : vector<16xf32>
        %add3A_707 = arith.addf %scan3A_683, %mul3A_706 : vector<16xf32>
        %mul3A_708 = arith.mulf %gather3A_693, %gather3A_693 : vector<16xf32>
        %add3A_709 = arith.addf %scan3A_684, %mul3A_708 : vector<16xf32>
        %mul3A_710 = arith.mulf %gather3A_695, %gather3A_695 : vector<16xf32>
        %add3A_711 = arith.addf %scan3A_685, %mul3A_710 : vector<16xf32>
        %mul3A_712 = arith.mulf %gather3A_694, %gather3A_694 : vector<16xf32>
        %add3A_713 = arith.addf %scan3A_686, %mul3A_712 : vector<16xf32>
        %mul3A_714 = arith.mulf %gather3A_693, %gather3A_694 : vector<16xf32>
        %add3A_715 = arith.addf %scan3A_687, %mul3A_714 : vector<16xf32>
        %mul3A_716 = arith.mulf %gather3A_693, %gather3A_695 : vector<16xf32>
        %add3A_717 = arith.addf %scan3A_688, %mul3A_716 : vector<16xf32>
        %mul3A_718 = arith.mulf %gather3A_694, %gather3A_695 : vector<16xf32>
        %add3A_719 = arith.addf %scan3A_689, %mul3A_718 : vector<16xf32>
        scf.yield %add3A_697, %add3A_699, %add3A_701, %add3A_703, %add3A_705, %add3A_707, %add3A_709, %add3A_711, %add3A_713, %add3A_715, %add3A_717, %add3A_719 : vector<16xf32>, vector<16xf32>, vector<16xf32>, vector<16xf32>, vector<16xf32>, vector<16xf32>, vector<16xf32>, vector<16xf32>, vector<16xf32>, vector<16xf32>, vector<16xf32>, vector<16xf32>
      }
      %scan3A_389 = arith.constant 64 : i32
      %gt3A = arith.constant 1.000000e+00 : f32
      %gt3A_390 = vector.broadcast %gt3A : f32 to vector<16xf32>
      %gt3A_391 = arith.cmpf ogt, %scan3A_388#0, %gt3A_390 : vector<16xf32>
      %bitcast_convert_type3A = tpu.bitcast %scan3A_388#0 : vector<16xf32> -> vector<16xi32>
      %shift_right_arithmetic3A = arith.constant 1 : i32
      %shift_right_arithmetic3A_392 = vector.broadcast %shift_right_arithmetic3A : i32 to vector<16xi32>
      %shift_right_arithmetic3A_393 = arith.shrsi %bitcast_convert_type3A, %shift_right_arithmetic3A_392 : vector<16xi32>
      %sub3A = arith.constant 1597463007 : i32
      %sub3A_394 = vector.broadcast %sub3A : i32 to vector<16xi32>
      %sub3A_395 = arith.subi %sub3A_394, %shift_right_arithmetic3A_393 : vector<16xi32>
      %bitcast_convert_type3A_396 = tpu.bitcast %sub3A_395 : vector<16xi32> -> vector<16xf32>
      %mul3A_397 = arith.constant 5.000000e-01 : f32
      %mul3A_398 = vector.broadcast %mul3A_397 : f32 to vector<16xf32>
      %mul3A_399 = arith.mulf %mul3A_398, %scan3A_388#0 : vector<16xf32>
      %mul3A_400 = arith.mulf %mul3A_399, %bitcast_convert_type3A_396 : vector<16xf32>
      %mul3A_401 = arith.mulf %mul3A_400, %bitcast_convert_type3A_396 : vector<16xf32>
      %sub3A_402 = arith.constant 1.500000e+00 : f32
      %sub3A_403 = vector.broadcast %sub3A_402 : f32 to vector<16xf32>
      %sub3A_404 = arith.subf %sub3A_403, %mul3A_401 : vector<16xf32>
      %mul3A_405 = arith.mulf %bitcast_convert_type3A_396, %sub3A_404 : vector<16xf32>
      %mul3A_406 = arith.constant 5.000000e-01 : f32
      %mul3A_407 = vector.broadcast %mul3A_406 : f32 to vector<16xf32>
      %mul3A_408 = arith.mulf %mul3A_407, %scan3A_388#0 : vector<16xf32>
      %mul3A_409 = arith.mulf %mul3A_408, %mul3A_405 : vector<16xf32>
      %mul3A_410 = arith.mulf %mul3A_409, %mul3A_405 : vector<16xf32>
      %sub3A_411 = arith.constant 1.500000e+00 : f32
      %sub3A_412 = vector.broadcast %sub3A_411 : f32 to vector<16xf32>
      %sub3A_413 = arith.subf %sub3A_412, %mul3A_410 : vector<16xf32>
      %mul3A_414 = arith.mulf %mul3A_405, %sub3A_413 : vector<16xf32>
      %mul3A_415 = arith.constant 5.000000e-01 : f32
      %mul3A_416 = vector.broadcast %mul3A_415 : f32 to vector<16xf32>
      %mul3A_417 = arith.mulf %mul3A_416, %scan3A_388#0 : vector<16xf32>
      %mul3A_418 = arith.mulf %mul3A_417, %mul3A_414 : vector<16xf32>
      %mul3A_419 = arith.mulf %mul3A_418, %mul3A_414 : vector<16xf32>
      %sub3A_420 = arith.constant 1.500000e+00 : f32
      %sub3A_421 = vector.broadcast %sub3A_420 : f32 to vector<16xf32>
      %sub3A_422 = arith.subf %sub3A_421, %mul3A_419 : vector<16xf32>
      %mul3A_423 = arith.mulf %mul3A_414, %sub3A_422 : vector<16xf32>
      %jit3A = arith.constant 1.000000e+00 : f32
      %broadcast_in_dim3A_424 = vector.broadcast %jit3A : f32 to vector<16xf32>
      %select_n3A = arith.select %gt3A_391, %mul3A_423, %broadcast_in_dim3A_424 : vector<16xi1>, vector<16xf32>
      %gt3A_425 = arith.constant 1.000000e+00 : f32
      %gt3A_426 = vector.broadcast %gt3A_425 : f32 to vector<16xf32>
      %gt3A_427 = arith.cmpf ogt, %scan3A_388#1, %gt3A_426 : vector<16xf32>
      %bitcast_convert_type3A_428 = tpu.bitcast %scan3A_388#1 : vector<16xf32> -> vector<16xi32>
      %shift_right_arithmetic3A_429 = arith.constant 1 : i32
      %shift_right_arithmetic3A_430 = vector.broadcast %shift_right_arithmetic3A_429 : i32 to vector<16xi32>
      %shift_right_arithmetic3A_431 = arith.shrsi %bitcast_convert_type3A_428, %shift_right_arithmetic3A_430 : vector<16xi32>
      %sub3A_432 = arith.constant 1597463007 : i32
      %sub3A_433 = vector.broadcast %sub3A_432 : i32 to vector<16xi32>
      %sub3A_434 = arith.subi %sub3A_433, %shift_right_arithmetic3A_431 : vector<16xi32>
      %bitcast_convert_type3A_435 = tpu.bitcast %sub3A_434 : vector<16xi32> -> vector<16xf32>
      %mul3A_436 = arith.constant 5.000000e-01 : f32
      %mul3A_437 = vector.broadcast %mul3A_436 : f32 to vector<16xf32>
      %mul3A_438 = arith.mulf %mul3A_437, %scan3A_388#1 : vector<16xf32>
      %mul3A_439 = arith.mulf %mul3A_438, %bitcast_convert_type3A_435 : vector<16xf32>
      %mul3A_440 = arith.mulf %mul3A_439, %bitcast_convert_type3A_435 : vector<16xf32>
      %sub3A_441 = arith.constant 1.500000e+00 : f32
      %sub3A_442 = vector.broadcast %sub3A_441 : f32 to vector<16xf32>
      %sub3A_443 = arith.subf %sub3A_442, %mul3A_440 : vector<16xf32>
      %mul3A_444 = arith.mulf %bitcast_convert_type3A_435, %sub3A_443 : vector<16xf32>
      %mul3A_445 = arith.constant 5.000000e-01 : f32
      %mul3A_446 = vector.broadcast %mul3A_445 : f32 to vector<16xf32>
      %mul3A_447 = arith.mulf %mul3A_446, %scan3A_388#1 : vector<16xf32>
      %mul3A_448 = arith.mulf %mul3A_447, %mul3A_444 : vector<16xf32>
      %mul3A_449 = arith.mulf %mul3A_448, %mul3A_444 : vector<16xf32>
      %sub3A_450 = arith.constant 1.500000e+00 : f32
      %sub3A_451 = vector.broadcast %sub3A_450 : f32 to vector<16xf32>
      %sub3A_452 = arith.subf %sub3A_451, %mul3A_449 : vector<16xf32>
      %mul3A_453 = arith.mulf %mul3A_444, %sub3A_452 : vector<16xf32>
      %mul3A_454 = arith.constant 5.000000e-01 : f32
      %mul3A_455 = vector.broadcast %mul3A_454 : f32 to vector<16xf32>
      %mul3A_456 = arith.mulf %mul3A_455, %scan3A_388#1 : vector<16xf32>
      %mul3A_457 = arith.mulf %mul3A_456, %mul3A_453 : vector<16xf32>
      %mul3A_458 = arith.mulf %mul3A_457, %mul3A_453 : vector<16xf32>
      %sub3A_459 = arith.constant 1.500000e+00 : f32
      %sub3A_460 = vector.broadcast %sub3A_459 : f32 to vector<16xf32>
      %sub3A_461 = arith.subf %sub3A_460, %mul3A_458 : vector<16xf32>
      %mul3A_462 = arith.mulf %mul3A_453, %sub3A_461 : vector<16xf32>
      %jit3A_463 = arith.constant 1.000000e+00 : f32
      %broadcast_in_dim3A_464 = vector.broadcast %jit3A_463 : f32 to vector<16xf32>
      %select_n3A_465 = arith.select %gt3A_427, %mul3A_462, %broadcast_in_dim3A_464 : vector<16xi1>, vector<16xf32>
      %mul3A_466 = arith.mulf %select_n3A, %select_n3A : vector<16xf32>
      %mul3A_467 = arith.mulf %mul3A_466, %scan3A_388#0 : vector<16xf32>
      %add3A_468 = arith.addf %mul3A_467, %scan3A_388#2 : vector<16xf32>
      %mul3A_469 = arith.mulf %select_n3A_465, %select_n3A_465 : vector<16xf32>
      %mul3A_470 = arith.mulf %mul3A_469, %scan3A_388#1 : vector<16xf32>
      %add3A_471 = arith.addf %add3A_468, %mul3A_470 : vector<16xf32>
      %mul3A_472 = arith.mulf %select_n3A, %scan3A_388#3 : vector<16xf32>
      %mul3A_473 = arith.mulf %select_n3A, %select_n3A_465 : vector<16xf32>
      %mul3A_474 = arith.mulf %mul3A_473, %scan3A_388#4 : vector<16xf32>
      %sub3A_475 = arith.subf %mul3A_472, %mul3A_474 : vector<16xf32>
      %mul3A_476 = arith.mulf %select_n3A_465, %scan3A_388#5 : vector<16xf32>
      %sub3A_477 = arith.subf %sub3A_475, %mul3A_476 : vector<16xf32>
      %mul3A_478 = arith.constant 2.000000e+00 : f32
      %mul3A_479 = vector.broadcast %mul3A_478 : f32 to vector<16xf32>
      %mul3A_480 = arith.mulf %mul3A_479, %sub3A_477 : vector<16xf32>
      %add3A_481 = arith.addf %add3A_471, %mul3A_480 : vector<16xf32>
      %max3A = arith.constant 0.000000e+00 : f32
      %max3A_482 = vector.broadcast %max3A : f32 to vector<16xf32>
      %max3A_483 = arith.maximumf %add3A_481, %max3A_482 : vector<16xf32>
      %gt3A_484 = arith.constant 0.000000e+00 : f32
      %gt3A_485 = vector.broadcast %gt3A_484 : f32 to vector<16xf32>
      %gt3A_486 = arith.cmpf ogt, %max3A_483, %gt3A_485 : vector<16xf32>
      %bitcast_convert_type3A_487 = tpu.bitcast %max3A_483 : vector<16xf32> -> vector<16xi32>
      %shift_right_arithmetic3A_488 = arith.constant 1 : i32
      %shift_right_arithmetic3A_489 = vector.broadcast %shift_right_arithmetic3A_488 : i32 to vector<16xi32>
      %shift_right_arithmetic3A_490 = arith.shrsi %bitcast_convert_type3A_487, %shift_right_arithmetic3A_489 : vector<16xi32>
      %sub3A_491 = arith.constant 1597463007 : i32
      %sub3A_492 = vector.broadcast %sub3A_491 : i32 to vector<16xi32>
      %sub3A_493 = arith.subi %sub3A_492, %shift_right_arithmetic3A_490 : vector<16xi32>
      %bitcast_convert_type3A_494 = tpu.bitcast %sub3A_493 : vector<16xi32> -> vector<16xf32>
      %mul3A_495 = arith.constant 5.000000e-01 : f32
      %mul3A_496 = vector.broadcast %mul3A_495 : f32 to vector<16xf32>
      %mul3A_497 = arith.mulf %mul3A_496, %max3A_483 : vector<16xf32>
      %mul3A_498 = arith.mulf %mul3A_497, %bitcast_convert_type3A_494 : vector<16xf32>
      %mul3A_499 = arith.mulf %mul3A_498, %bitcast_convert_type3A_494 : vector<16xf32>
      %sub3A_500 = arith.constant 1.500000e+00 : f32
      %sub3A_501 = vector.broadcast %sub3A_500 : f32 to vector<16xf32>
      %sub3A_502 = arith.subf %sub3A_501, %mul3A_499 : vector<16xf32>
      %mul3A_503 = arith.mulf %bitcast_convert_type3A_494, %sub3A_502 : vector<16xf32>
      %mul3A_504 = arith.constant 5.000000e-01 : f32
      %mul3A_505 = vector.broadcast %mul3A_504 : f32 to vector<16xf32>
      %mul3A_506 = arith.mulf %mul3A_505, %max3A_483 : vector<16xf32>
      %mul3A_507 = arith.mulf %mul3A_506, %mul3A_503 : vector<16xf32>
      %mul3A_508 = arith.mulf %mul3A_507, %mul3A_503 : vector<16xf32>
      %sub3A_509 = arith.constant 1.500000e+00 : f32
      %sub3A_510 = vector.broadcast %sub3A_509 : f32 to vector<16xf32>
      %sub3A_511 = arith.subf %sub3A_510, %mul3A_508 : vector<16xf32>
      %mul3A_512 = arith.mulf %mul3A_503, %sub3A_511 : vector<16xf32>
      %mul3A_513 = arith.constant 5.000000e-01 : f32
      %mul3A_514 = vector.broadcast %mul3A_513 : f32 to vector<16xf32>
      %mul3A_515 = arith.mulf %mul3A_514, %max3A_483 : vector<16xf32>
      %mul3A_516 = arith.mulf %mul3A_515, %mul3A_512 : vector<16xf32>
      %mul3A_517 = arith.mulf %mul3A_516, %mul3A_512 : vector<16xf32>
      %sub3A_518 = arith.constant 1.500000e+00 : f32
      %sub3A_519 = vector.broadcast %sub3A_518 : f32 to vector<16xf32>
      %sub3A_520 = arith.subf %sub3A_519, %mul3A_517 : vector<16xf32>
      %mul3A_521 = arith.mulf %mul3A_512, %sub3A_520 : vector<16xf32>
      %mul3A_522 = arith.mulf %max3A_483, %mul3A_521 : vector<16xf32>
      %jit3A_523 = arith.constant 0.000000e+00 : f32
      %broadcast_in_dim3A_524 = vector.broadcast %jit3A_523 : f32 to vector<16xf32>
      %select_n3A_525 = arith.select %gt3A_486, %mul3A_522, %broadcast_in_dim3A_524 : vector<16xi1>, vector<16xf32>
      %gt3A_526 = arith.constant 1.000000e+00 : f32
      %gt3A_527 = vector.broadcast %gt3A_526 : f32 to vector<16xf32>
      %gt3A_528 = arith.cmpf ogt, %scan3A_388#6, %gt3A_527 : vector<16xf32>
      %bitcast_convert_type3A_529 = tpu.bitcast %scan3A_388#6 : vector<16xf32> -> vector<16xi32>
      %shift_right_arithmetic3A_530 = arith.constant 1 : i32
      %shift_right_arithmetic3A_531 = vector.broadcast %shift_right_arithmetic3A_530 : i32 to vector<16xi32>
      %shift_right_arithmetic3A_532 = arith.shrsi %bitcast_convert_type3A_529, %shift_right_arithmetic3A_531 : vector<16xi32>
      %sub3A_533 = arith.constant 1597463007 : i32
      %sub3A_534 = vector.broadcast %sub3A_533 : i32 to vector<16xi32>
      %sub3A_535 = arith.subi %sub3A_534, %shift_right_arithmetic3A_532 : vector<16xi32>
      %bitcast_convert_type3A_536 = tpu.bitcast %sub3A_535 : vector<16xi32> -> vector<16xf32>
      %mul3A_537 = arith.constant 5.000000e-01 : f32
      %mul3A_538 = vector.broadcast %mul3A_537 : f32 to vector<16xf32>
      %mul3A_539 = arith.mulf %mul3A_538, %scan3A_388#6 : vector<16xf32>
      %mul3A_540 = arith.mulf %mul3A_539, %bitcast_convert_type3A_536 : vector<16xf32>
      %mul3A_541 = arith.mulf %mul3A_540, %bitcast_convert_type3A_536 : vector<16xf32>
      %sub3A_542 = arith.constant 1.500000e+00 : f32
      %sub3A_543 = vector.broadcast %sub3A_542 : f32 to vector<16xf32>
      %sub3A_544 = arith.subf %sub3A_543, %mul3A_541 : vector<16xf32>
      %mul3A_545 = arith.mulf %bitcast_convert_type3A_536, %sub3A_544 : vector<16xf32>
      %mul3A_546 = arith.constant 5.000000e-01 : f32
      %mul3A_547 = vector.broadcast %mul3A_546 : f32 to vector<16xf32>
      %mul3A_548 = arith.mulf %mul3A_547, %scan3A_388#6 : vector<16xf32>
      %mul3A_549 = arith.mulf %mul3A_548, %mul3A_545 : vector<16xf32>
      %mul3A_550 = arith.mulf %mul3A_549, %mul3A_545 : vector<16xf32>
      %sub3A_551 = arith.constant 1.500000e+00 : f32
      %sub3A_552 = vector.broadcast %sub3A_551 : f32 to vector<16xf32>
      %sub3A_553 = arith.subf %sub3A_552, %mul3A_550 : vector<16xf32>
      %mul3A_554 = arith.mulf %mul3A_545, %sub3A_553 : vector<16xf32>
      %mul3A_555 = arith.constant 5.000000e-01 : f32
      %mul3A_556 = vector.broadcast %mul3A_555 : f32 to vector<16xf32>
      %mul3A_557 = arith.mulf %mul3A_556, %scan3A_388#6 : vector<16xf32>
      %mul3A_558 = arith.mulf %mul3A_557, %mul3A_554 : vector<16xf32>
      %mul3A_559 = arith.mulf %mul3A_558, %mul3A_554 : vector<16xf32>
      %sub3A_560 = arith.constant 1.500000e+00 : f32
      %sub3A_561 = vector.broadcast %sub3A_560 : f32 to vector<16xf32>
      %sub3A_562 = arith.subf %sub3A_561, %mul3A_559 : vector<16xf32>
      %mul3A_563 = arith.mulf %mul3A_554, %sub3A_562 : vector<16xf32>
      %jit3A_564 = arith.constant 1.000000e+00 : f32
      %broadcast_in_dim3A_565 = vector.broadcast %jit3A_564 : f32 to vector<16xf32>
      %select_n3A_566 = arith.select %gt3A_528, %mul3A_563, %broadcast_in_dim3A_565 : vector<16xi1>, vector<16xf32>
      %gt3A_567 = arith.constant 1.000000e+00 : f32
      %gt3A_568 = vector.broadcast %gt3A_567 : f32 to vector<16xf32>
      %gt3A_569 = arith.cmpf ogt, %scan3A_388#7, %gt3A_568 : vector<16xf32>
      %bitcast_convert_type3A_570 = tpu.bitcast %scan3A_388#7 : vector<16xf32> -> vector<16xi32>
      %shift_right_arithmetic3A_571 = arith.constant 1 : i32
      %shift_right_arithmetic3A_572 = vector.broadcast %shift_right_arithmetic3A_571 : i32 to vector<16xi32>
      %shift_right_arithmetic3A_573 = arith.shrsi %bitcast_convert_type3A_570, %shift_right_arithmetic3A_572 : vector<16xi32>
      %sub3A_574 = arith.constant 1597463007 : i32
      %sub3A_575 = vector.broadcast %sub3A_574 : i32 to vector<16xi32>
      %sub3A_576 = arith.subi %sub3A_575, %shift_right_arithmetic3A_573 : vector<16xi32>
      %bitcast_convert_type3A_577 = tpu.bitcast %sub3A_576 : vector<16xi32> -> vector<16xf32>
      %mul3A_578 = arith.constant 5.000000e-01 : f32
      %mul3A_579 = vector.broadcast %mul3A_578 : f32 to vector<16xf32>
      %mul3A_580 = arith.mulf %mul3A_579, %scan3A_388#7 : vector<16xf32>
      %mul3A_581 = arith.mulf %mul3A_580, %bitcast_convert_type3A_577 : vector<16xf32>
      %mul3A_582 = arith.mulf %mul3A_581, %bitcast_convert_type3A_577 : vector<16xf32>
      %sub3A_583 = arith.constant 1.500000e+00 : f32
      %sub3A_584 = vector.broadcast %sub3A_583 : f32 to vector<16xf32>
      %sub3A_585 = arith.subf %sub3A_584, %mul3A_582 : vector<16xf32>
      %mul3A_586 = arith.mulf %bitcast_convert_type3A_577, %sub3A_585 : vector<16xf32>
      %mul3A_587 = arith.constant 5.000000e-01 : f32
      %mul3A_588 = vector.broadcast %mul3A_587 : f32 to vector<16xf32>
      %mul3A_589 = arith.mulf %mul3A_588, %scan3A_388#7 : vector<16xf32>
      %mul3A_590 = arith.mulf %mul3A_589, %mul3A_586 : vector<16xf32>
      %mul3A_591 = arith.mulf %mul3A_590, %mul3A_586 : vector<16xf32>
      %sub3A_592 = arith.constant 1.500000e+00 : f32
      %sub3A_593 = vector.broadcast %sub3A_592 : f32 to vector<16xf32>
      %sub3A_594 = arith.subf %sub3A_593, %mul3A_591 : vector<16xf32>
      %mul3A_595 = arith.mulf %mul3A_586, %sub3A_594 : vector<16xf32>
      %mul3A_596 = arith.constant 5.000000e-01 : f32
      %mul3A_597 = vector.broadcast %mul3A_596 : f32 to vector<16xf32>
      %mul3A_598 = arith.mulf %mul3A_597, %scan3A_388#7 : vector<16xf32>
      %mul3A_599 = arith.mulf %mul3A_598, %mul3A_595 : vector<16xf32>
      %mul3A_600 = arith.mulf %mul3A_599, %mul3A_595 : vector<16xf32>
      %sub3A_601 = arith.constant 1.500000e+00 : f32
      %sub3A_602 = vector.broadcast %sub3A_601 : f32 to vector<16xf32>
      %sub3A_603 = arith.subf %sub3A_602, %mul3A_600 : vector<16xf32>
      %mul3A_604 = arith.mulf %mul3A_595, %sub3A_603 : vector<16xf32>
      %jit3A_605 = arith.constant 1.000000e+00 : f32
      %broadcast_in_dim3A_606 = vector.broadcast %jit3A_605 : f32 to vector<16xf32>
      %select_n3A_607 = arith.select %gt3A_569, %mul3A_604, %broadcast_in_dim3A_606 : vector<16xi1>, vector<16xf32>
      %mul3A_608 = arith.mulf %select_n3A_566, %select_n3A_566 : vector<16xf32>
      %mul3A_609 = arith.mulf %mul3A_608, %scan3A_388#6 : vector<16xf32>
      %add3A_610 = arith.addf %mul3A_609, %scan3A_388#8 : vector<16xf32>
      %mul3A_611 = arith.mulf %select_n3A_607, %select_n3A_607 : vector<16xf32>
      %mul3A_612 = arith.mulf %mul3A_611, %scan3A_388#7 : vector<16xf32>
      %add3A_613 = arith.addf %add3A_610, %mul3A_612 : vector<16xf32>
      %mul3A_614 = arith.mulf %select_n3A_566, %scan3A_388#9 : vector<16xf32>
      %mul3A_615 = arith.mulf %select_n3A_566, %select_n3A_607 : vector<16xf32>
      %mul3A_616 = arith.mulf %mul3A_615, %scan3A_388#10 : vector<16xf32>
      %sub3A_617 = arith.subf %mul3A_614, %mul3A_616 : vector<16xf32>
      %mul3A_618 = arith.mulf %select_n3A_607, %scan3A_388#11 : vector<16xf32>
      %sub3A_619 = arith.subf %sub3A_617, %mul3A_618 : vector<16xf32>
      %mul3A_620 = arith.constant 2.000000e+00 : f32
      %mul3A_621 = vector.broadcast %mul3A_620 : f32 to vector<16xf32>
      %mul3A_622 = arith.mulf %mul3A_621, %sub3A_619 : vector<16xf32>
      %add3A_623 = arith.addf %add3A_613, %mul3A_622 : vector<16xf32>
      %max3A_624 = arith.constant 0.000000e+00 : f32
      %max3A_625 = vector.broadcast %max3A_624 : f32 to vector<16xf32>
      %max3A_626 = arith.maximumf %add3A_623, %max3A_625 : vector<16xf32>
      %gt3A_627 = arith.constant 0.000000e+00 : f32
      %gt3A_628 = vector.broadcast %gt3A_627 : f32 to vector<16xf32>
      %gt3A_629 = arith.cmpf ogt, %max3A_626, %gt3A_628 : vector<16xf32>
      %bitcast_convert_type3A_630 = tpu.bitcast %max3A_626 : vector<16xf32> -> vector<16xi32>
      %shift_right_arithmetic3A_631 = arith.constant 1 : i32
      %shift_right_arithmetic3A_632 = vector.broadcast %shift_right_arithmetic3A_631 : i32 to vector<16xi32>
      %shift_right_arithmetic3A_633 = arith.shrsi %bitcast_convert_type3A_630, %shift_right_arithmetic3A_632 : vector<16xi32>
      %sub3A_634 = arith.constant 1597463007 : i32
      %sub3A_635 = vector.broadcast %sub3A_634 : i32 to vector<16xi32>
      %sub3A_636 = arith.subi %sub3A_635, %shift_right_arithmetic3A_633 : vector<16xi32>
      %bitcast_convert_type3A_637 = tpu.bitcast %sub3A_636 : vector<16xi32> -> vector<16xf32>
      %mul3A_638 = arith.constant 5.000000e-01 : f32
      %mul3A_639 = vector.broadcast %mul3A_638 : f32 to vector<16xf32>
      %mul3A_640 = arith.mulf %mul3A_639, %max3A_626 : vector<16xf32>
      %mul3A_641 = arith.mulf %mul3A_640, %bitcast_convert_type3A_637 : vector<16xf32>
      %mul3A_642 = arith.mulf %mul3A_641, %bitcast_convert_type3A_637 : vector<16xf32>
      %sub3A_643 = arith.constant 1.500000e+00 : f32
      %sub3A_644 = vector.broadcast %sub3A_643 : f32 to vector<16xf32>
      %sub3A_645 = arith.subf %sub3A_644, %mul3A_642 : vector<16xf32>
      %mul3A_646 = arith.mulf %bitcast_convert_type3A_637, %sub3A_645 : vector<16xf32>
      %mul3A_647 = arith.constant 5.000000e-01 : f32
      %mul3A_648 = vector.broadcast %mul3A_647 : f32 to vector<16xf32>
      %mul3A_649 = arith.mulf %mul3A_648, %max3A_626 : vector<16xf32>
      %mul3A_650 = arith.mulf %mul3A_649, %mul3A_646 : vector<16xf32>
      %mul3A_651 = arith.mulf %mul3A_650, %mul3A_646 : vector<16xf32>
      %sub3A_652 = arith.constant 1.500000e+00 : f32
      %sub3A_653 = vector.broadcast %sub3A_652 : f32 to vector<16xf32>
      %sub3A_654 = arith.subf %sub3A_653, %mul3A_651 : vector<16xf32>
      %mul3A_655 = arith.mulf %mul3A_646, %sub3A_654 : vector<16xf32>
      %mul3A_656 = arith.constant 5.000000e-01 : f32
      %mul3A_657 = vector.broadcast %mul3A_656 : f32 to vector<16xf32>
      %mul3A_658 = arith.mulf %mul3A_657, %max3A_626 : vector<16xf32>
      %mul3A_659 = arith.mulf %mul3A_658, %mul3A_655 : vector<16xf32>
      %mul3A_660 = arith.mulf %mul3A_659, %mul3A_655 : vector<16xf32>
      %sub3A_661 = arith.constant 1.500000e+00 : f32
      %sub3A_662 = vector.broadcast %sub3A_661 : f32 to vector<16xf32>
      %sub3A_663 = arith.subf %sub3A_662, %mul3A_660 : vector<16xf32>
      %mul3A_664 = arith.mulf %mul3A_655, %sub3A_663 : vector<16xf32>
      %mul3A_665 = arith.mulf %max3A_626, %mul3A_664 : vector<16xf32>
      %jit3A_666 = arith.constant 0.000000e+00 : f32
      %broadcast_in_dim3A_667 = vector.broadcast %jit3A_666 : f32 to vector<16xf32>
      %select_n3A_668 = arith.select %gt3A_629, %mul3A_665, %broadcast_in_dim3A_667 : vector<16xi1>, vector<16xf32>
      %sub3A_669 = arith.subf %select_n3A_525, %select_n3A_668 : vector<16xf32>
      %add3A_670 = arith.constant 1.000000e+00 : f32
      %add3A_671 = vector.broadcast %add3A_670 : f32 to vector<16xf32>
      %add3A_672 = arith.addf %sub3A_669, %add3A_671 : vector<16xf32>
      %max3A_673 = arith.constant 0.000000e+00 : f32
      %max3A_674 = vector.broadcast %max3A_673 : f32 to vector<16xf32>
      %max3A_675 = arith.maximumf %add3A_672, %max3A_674 : vector<16xf32>
      %add3A_676 = arith.addf %scan3A_377, %max3A_675 : vector<16xf32>
      scf.yield %add3A_676 : vector<16xf32>
    }
    %scan3A_280 = arith.constant 8 : i32
    %mul3A_281 = arith.constant 512 : i32
    %mul3A_282 = arith.muli %add3A, %mul3A_281 : i32
    %add3A_283 = arith.constant 384 : i32
    %add3A_284 = arith.addi %mul3A_282, %add3A_283 : i32
    "tpu.region"() ({
      %run_scoped3A = tpu.sem_alloc : memref<!tpu.dma_semaphore, #tpu.memory_space<semaphore_mem>>
      %dma_start3A_376 = arith.constant 0 : i32
      %dma_start3A_377 = tpu.memref_slice %arg2[%dma_start3A_376, %add3A_284] : memref<6x16384xi32, #tpu.memory_space<hbm>> -> memref<6x128xi32, #tpu.memory_space<hbm>>
      %dma_start3A_378 = arith.constant 0 : i32
      %dma_start3A_379 = tpu.memref_slice %arg2[%dma_start3A_378, %add3A_284] : memref<6x16384xi32, #tpu.memory_space<hbm>> -> memref<6x128xi32, #tpu.memory_space<hbm>>
      tpu.enqueue_dma source(%dma_start3A_379 : memref<6x128xi32, #tpu.memory_space<hbm>>) target(%arg6 : memref<6x128xi32, #tpu.memory_space<vmem>>) target_semaphore(%run_scoped3A : memref<!tpu.dma_semaphore, #tpu.memory_space<semaphore_mem>>)
      %dma_wait3A_380 = arith.constant 0 : i32
      %dma_wait3A_381 = tpu.memref_slice %arg2[%dma_wait3A_380, %add3A_284] : memref<6x16384xi32, #tpu.memory_space<hbm>> -> memref<6x128xi32, #tpu.memory_space<hbm>>
      %dma_wait3A_382 = arith.constant 0 : i32
      %dma_wait3A_383 = tpu.memref_slice %arg2[%dma_wait3A_382, %add3A_284] : memref<6x16384xi32, #tpu.memory_space<hbm>> -> memref<6x128xi32, #tpu.memory_space<hbm>>
      tpu.wait_dma2 semaphore(%run_scoped3A : memref<!tpu.dma_semaphore, #tpu.memory_space<semaphore_mem>>) src(%dma_wait3A_383 : memref<6x128xi32, #tpu.memory_space<hbm>>) dst(%arg6 : memref<6x128xi32, #tpu.memory_space<vmem>>)
      tpu.yield
    }) : () -> ()
    %dma_start3A_285 = arith.constant 0 : i32
    %dma_start3A_286 = arith.constant 0 : i32
    %dma_start3A_287 = tpu.memref_slice %arg6[%dma_start3A_285, %dma_start3A_286] : memref<6x128xi32, #tpu.memory_space<vmem>> -> memref<1x128xi32, #tpu.memory_space<vmem>>
    %dma_start3A_288 = tpu.memref_squeeze %dma_start3A_287 : memref<1x128xi32, #tpu.memory_space<vmem>> -> memref<128xi32, #tpu.memory_space<vmem>>
    %dma_start3A_289 = arith.constant 0 : i32
    %dma_start3A_290 = arith.constant 0 : i32
    %dma_start3A_291 = tpu.memref_slice %arg3[%dma_start3A_289, %dma_start3A_290] : memref<1000000x64xf32, #tpu.memory_space<hbm>> -> memref<1000000x64xf32, #tpu.memory_space<hbm>>
    tpu.enqueue_indirect_dma source(%dma_start3A_291 : memref<1000000x64xf32, #tpu.memory_space<hbm>>) target(%arg7 : memref<128x64xf32, #tpu.memory_space<vmem>>) offsets(%dma_start3A_288 : memref<128xi32, #tpu.memory_space<vmem>>) semaphore(%arg14 : memref<!tpu.dma_semaphore, #tpu.memory_space<semaphore_mem>>)
    %dma_start3A_292 = arith.constant 1 : i32
    %dma_start3A_293 = arith.constant 0 : i32
    %dma_start3A_294 = tpu.memref_slice %arg6[%dma_start3A_292, %dma_start3A_293] : memref<6x128xi32, #tpu.memory_space<vmem>> -> memref<1x128xi32, #tpu.memory_space<vmem>>
    %dma_start3A_295 = tpu.memref_squeeze %dma_start3A_294 : memref<1x128xi32, #tpu.memory_space<vmem>> -> memref<128xi32, #tpu.memory_space<vmem>>
    %dma_start3A_296 = arith.constant 0 : i32
    %dma_start3A_297 = arith.constant 0 : i32
    %dma_start3A_298 = tpu.memref_slice %arg4[%dma_start3A_296, %dma_start3A_297] : memref<1000000x64xf32, #tpu.memory_space<hbm>> -> memref<1000000x64xf32, #tpu.memory_space<hbm>>
    tpu.enqueue_indirect_dma source(%dma_start3A_298 : memref<1000000x64xf32, #tpu.memory_space<hbm>>) target(%arg8 : memref<128x64xf32, #tpu.memory_space<vmem>>) offsets(%dma_start3A_295 : memref<128xi32, #tpu.memory_space<vmem>>) semaphore(%arg14 : memref<!tpu.dma_semaphore, #tpu.memory_space<semaphore_mem>>)
    %dma_start3A_299 = arith.constant 2 : i32
    %dma_start3A_300 = arith.constant 0 : i32
    %dma_start3A_301 = tpu.memref_slice %arg6[%dma_start3A_299, %dma_start3A_300] : memref<6x128xi32, #tpu.memory_space<vmem>> -> memref<1x128xi32, #tpu.memory_space<vmem>>
    %dma_start3A_302 = tpu.memref_squeeze %dma_start3A_301 : memref<1x128xi32, #tpu.memory_space<vmem>> -> memref<128xi32, #tpu.memory_space<vmem>>
    %dma_start3A_303 = arith.constant 0 : i32
    %dma_start3A_304 = arith.constant 0 : i32
    %dma_start3A_305 = tpu.memref_slice %arg3[%dma_start3A_303, %dma_start3A_304] : memref<1000000x64xf32, #tpu.memory_space<hbm>> -> memref<1000000x64xf32, #tpu.memory_space<hbm>>
    tpu.enqueue_indirect_dma source(%dma_start3A_305 : memref<1000000x64xf32, #tpu.memory_space<hbm>>) target(%arg9 : memref<128x64xf32, #tpu.memory_space<vmem>>) offsets(%dma_start3A_302 : memref<128xi32, #tpu.memory_space<vmem>>) semaphore(%arg14 : memref<!tpu.dma_semaphore, #tpu.memory_space<semaphore_mem>>)
    %dma_start3A_306 = arith.constant 3 : i32
    %dma_start3A_307 = arith.constant 0 : i32
    %dma_start3A_308 = tpu.memref_slice %arg6[%dma_start3A_306, %dma_start3A_307] : memref<6x128xi32, #tpu.memory_space<vmem>> -> memref<1x128xi32, #tpu.memory_space<vmem>>
    %dma_start3A_309 = tpu.memref_squeeze %dma_start3A_308 : memref<1x128xi32, #tpu.memory_space<vmem>> -> memref<128xi32, #tpu.memory_space<vmem>>
    %dma_start3A_310 = arith.constant 0 : i32
    %dma_start3A_311 = arith.constant 0 : i32
    %dma_start3A_312 = tpu.memref_slice %arg3[%dma_start3A_310, %dma_start3A_311] : memref<1000000x64xf32, #tpu.memory_space<hbm>> -> memref<1000000x64xf32, #tpu.memory_space<hbm>>
    tpu.enqueue_indirect_dma source(%dma_start3A_312 : memref<1000000x64xf32, #tpu.memory_space<hbm>>) target(%arg10 : memref<128x64xf32, #tpu.memory_space<vmem>>) offsets(%dma_start3A_309 : memref<128xi32, #tpu.memory_space<vmem>>) semaphore(%arg14 : memref<!tpu.dma_semaphore, #tpu.memory_space<semaphore_mem>>)
    %dma_start3A_313 = arith.constant 4 : i32
    %dma_start3A_314 = arith.constant 0 : i32
    %dma_start3A_315 = tpu.memref_slice %arg6[%dma_start3A_313, %dma_start3A_314] : memref<6x128xi32, #tpu.memory_space<vmem>> -> memref<1x128xi32, #tpu.memory_space<vmem>>
    %dma_start3A_316 = tpu.memref_squeeze %dma_start3A_315 : memref<1x128xi32, #tpu.memory_space<vmem>> -> memref<128xi32, #tpu.memory_space<vmem>>
    %dma_start3A_317 = arith.constant 0 : i32
    %dma_start3A_318 = arith.constant 0 : i32
    %dma_start3A_319 = tpu.memref_slice %arg4[%dma_start3A_317, %dma_start3A_318] : memref<1000000x64xf32, #tpu.memory_space<hbm>> -> memref<1000000x64xf32, #tpu.memory_space<hbm>>
    tpu.enqueue_indirect_dma source(%dma_start3A_319 : memref<1000000x64xf32, #tpu.memory_space<hbm>>) target(%arg11 : memref<128x64xf32, #tpu.memory_space<vmem>>) offsets(%dma_start3A_316 : memref<128xi32, #tpu.memory_space<vmem>>) semaphore(%arg14 : memref<!tpu.dma_semaphore, #tpu.memory_space<semaphore_mem>>)
    %dma_start3A_320 = arith.constant 5 : i32
    %dma_start3A_321 = arith.constant 0 : i32
    %dma_start3A_322 = tpu.memref_slice %arg6[%dma_start3A_320, %dma_start3A_321] : memref<6x128xi32, #tpu.memory_space<vmem>> -> memref<1x128xi32, #tpu.memory_space<vmem>>
    %dma_start3A_323 = tpu.memref_squeeze %dma_start3A_322 : memref<1x128xi32, #tpu.memory_space<vmem>> -> memref<128xi32, #tpu.memory_space<vmem>>
    %dma_start3A_324 = arith.constant 0 : i32
    %dma_start3A_325 = arith.constant 0 : i32
    %dma_start3A_326 = tpu.memref_slice %arg3[%dma_start3A_324, %dma_start3A_325] : memref<1000000x64xf32, #tpu.memory_space<hbm>> -> memref<1000000x64xf32, #tpu.memory_space<hbm>>
    tpu.enqueue_indirect_dma source(%dma_start3A_326 : memref<1000000x64xf32, #tpu.memory_space<hbm>>) target(%arg12 : memref<128x64xf32, #tpu.memory_space<vmem>>) offsets(%dma_start3A_323 : memref<128xi32, #tpu.memory_space<vmem>>) semaphore(%arg14 : memref<!tpu.dma_semaphore, #tpu.memory_space<semaphore_mem>>)
    %dma_wait3A_327 = arith.constant 0 : i32
    %dma_wait3A_328 = arith.constant 0 : i32
    %dma_wait3A_329 = tpu.memref_slice %arg6[%dma_wait3A_327, %dma_wait3A_328] : memref<6x128xi32, #tpu.memory_space<vmem>> -> memref<1x128xi32, #tpu.memory_space<vmem>>
    %dma_wait3A_330 = tpu.memref_squeeze %dma_wait3A_329 : memref<1x128xi32, #tpu.memory_space<vmem>> -> memref<128xi32, #tpu.memory_space<vmem>>
    %dma_wait3A_331 = arith.constant 0 : i32
    %dma_wait3A_332 = arith.constant 0 : i32
    %dma_wait3A_333 = tpu.memref_slice %arg3[%dma_wait3A_331, %dma_wait3A_332] : memref<1000000x64xf32, #tpu.memory_space<hbm>> -> memref<1000000x64xf32, #tpu.memory_space<hbm>>
    tpu.wait_indirect_dma semaphore(%arg14 : memref<!tpu.dma_semaphore, #tpu.memory_space<semaphore_mem>>) src(%dma_wait3A_333 : memref<1000000x64xf32, #tpu.memory_space<hbm>>) dst(%arg7 : memref<128x64xf32, #tpu.memory_space<vmem>>)
    %dma_wait3A_334 = arith.constant 1 : i32
    %dma_wait3A_335 = arith.constant 0 : i32
    %dma_wait3A_336 = tpu.memref_slice %arg6[%dma_wait3A_334, %dma_wait3A_335] : memref<6x128xi32, #tpu.memory_space<vmem>> -> memref<1x128xi32, #tpu.memory_space<vmem>>
    %dma_wait3A_337 = tpu.memref_squeeze %dma_wait3A_336 : memref<1x128xi32, #tpu.memory_space<vmem>> -> memref<128xi32, #tpu.memory_space<vmem>>
    %dma_wait3A_338 = arith.constant 0 : i32
    %dma_wait3A_339 = arith.constant 0 : i32
    %dma_wait3A_340 = tpu.memref_slice %arg4[%dma_wait3A_338, %dma_wait3A_339] : memref<1000000x64xf32, #tpu.memory_space<hbm>> -> memref<1000000x64xf32, #tpu.memory_space<hbm>>
    tpu.wait_indirect_dma semaphore(%arg14 : memref<!tpu.dma_semaphore, #tpu.memory_space<semaphore_mem>>) src(%dma_wait3A_340 : memref<1000000x64xf32, #tpu.memory_space<hbm>>) dst(%arg8 : memref<128x64xf32, #tpu.memory_space<vmem>>)
    %dma_wait3A_341 = arith.constant 2 : i32
    %dma_wait3A_342 = arith.constant 0 : i32
    %dma_wait3A_343 = tpu.memref_slice %arg6[%dma_wait3A_341, %dma_wait3A_342] : memref<6x128xi32, #tpu.memory_space<vmem>> -> memref<1x128xi32, #tpu.memory_space<vmem>>
    %dma_wait3A_344 = tpu.memref_squeeze %dma_wait3A_343 : memref<1x128xi32, #tpu.memory_space<vmem>> -> memref<128xi32, #tpu.memory_space<vmem>>
    %dma_wait3A_345 = arith.constant 0 : i32
    %dma_wait3A_346 = arith.constant 0 : i32
    %dma_wait3A_347 = tpu.memref_slice %arg3[%dma_wait3A_345, %dma_wait3A_346] : memref<1000000x64xf32, #tpu.memory_space<hbm>> -> memref<1000000x64xf32, #tpu.memory_space<hbm>>
    tpu.wait_indirect_dma semaphore(%arg14 : memref<!tpu.dma_semaphore, #tpu.memory_space<semaphore_mem>>) src(%dma_wait3A_347 : memref<1000000x64xf32, #tpu.memory_space<hbm>>) dst(%arg9 : memref<128x64xf32, #tpu.memory_space<vmem>>)
    %dma_wait3A_348 = arith.constant 3 : i32
    %dma_wait3A_349 = arith.constant 0 : i32
    %dma_wait3A_350 = tpu.memref_slice %arg6[%dma_wait3A_348, %dma_wait3A_349] : memref<6x128xi32, #tpu.memory_space<vmem>> -> memref<1x128xi32, #tpu.memory_space<vmem>>
    %dma_wait3A_351 = tpu.memref_squeeze %dma_wait3A_350 : memref<1x128xi32, #tpu.memory_space<vmem>> -> memref<128xi32, #tpu.memory_space<vmem>>
    %dma_wait3A_352 = arith.constant 0 : i32
    %dma_wait3A_353 = arith.constant 0 : i32
    %dma_wait3A_354 = tpu.memref_slice %arg3[%dma_wait3A_352, %dma_wait3A_353] : memref<1000000x64xf32, #tpu.memory_space<hbm>> -> memref<1000000x64xf32, #tpu.memory_space<hbm>>
    tpu.wait_indirect_dma semaphore(%arg14 : memref<!tpu.dma_semaphore, #tpu.memory_space<semaphore_mem>>) src(%dma_wait3A_354 : memref<1000000x64xf32, #tpu.memory_space<hbm>>) dst(%arg10 : memref<128x64xf32, #tpu.memory_space<vmem>>)
    %dma_wait3A_355 = arith.constant 4 : i32
    %dma_wait3A_356 = arith.constant 0 : i32
    %dma_wait3A_357 = tpu.memref_slice %arg6[%dma_wait3A_355, %dma_wait3A_356] : memref<6x128xi32, #tpu.memory_space<vmem>> -> memref<1x128xi32, #tpu.memory_space<vmem>>
    %dma_wait3A_358 = tpu.memref_squeeze %dma_wait3A_357 : memref<1x128xi32, #tpu.memory_space<vmem>> -> memref<128xi32, #tpu.memory_space<vmem>>
    %dma_wait3A_359 = arith.constant 0 : i32
    %dma_wait3A_360 = arith.constant 0 : i32
    %dma_wait3A_361 = tpu.memref_slice %arg4[%dma_wait3A_359, %dma_wait3A_360] : memref<1000000x64xf32, #tpu.memory_space<hbm>> -> memref<1000000x64xf32, #tpu.memory_space<hbm>>
    tpu.wait_indirect_dma semaphore(%arg14 : memref<!tpu.dma_semaphore, #tpu.memory_space<semaphore_mem>>) src(%dma_wait3A_361 : memref<1000000x64xf32, #tpu.memory_space<hbm>>) dst(%arg11 : memref<128x64xf32, #tpu.memory_space<vmem>>)
    %dma_wait3A_362 = arith.constant 5 : i32
    %dma_wait3A_363 = arith.constant 0 : i32
    %dma_wait3A_364 = tpu.memref_slice %arg6[%dma_wait3A_362, %dma_wait3A_363] : memref<6x128xi32, #tpu.memory_space<vmem>> -> memref<1x128xi32, #tpu.memory_space<vmem>>
    %dma_wait3A_365 = tpu.memref_squeeze %dma_wait3A_364 : memref<1x128xi32, #tpu.memory_space<vmem>> -> memref<128xi32, #tpu.memory_space<vmem>>
    %dma_wait3A_366 = arith.constant 0 : i32
    %dma_wait3A_367 = arith.constant 0 : i32
    %dma_wait3A_368 = tpu.memref_slice %arg3[%dma_wait3A_366, %dma_wait3A_367] : memref<1000000x64xf32, #tpu.memory_space<hbm>> -> memref<1000000x64xf32, #tpu.memory_space<hbm>>
    tpu.wait_indirect_dma semaphore(%arg14 : memref<!tpu.dma_semaphore, #tpu.memory_space<semaphore_mem>>) src(%dma_wait3A_368 : memref<1000000x64xf32, #tpu.memory_space<hbm>>) dst(%arg12 : memref<128x64xf32, #tpu.memory_space<vmem>>)
    %scan3A_369 = arith.constant 0 : i32
    %scan3A_370 = arith.constant 8 : i32
    %scan3A_371 = arith.addi %scan3A_369, %scan3A_370 : i32
    %scan3A_372 = arith.constant 1 : i32
    %scan3A_373 = scf.for %scan3A_376 = %scan3A_369 to %scan3A_371 step %scan3A_372 iter_args(%scan3A_377 = %scan3A_279) -> (vector<16xf32>)  : i32 {
      %mul3A_378 = arith.constant 16 : i32
      %mul3A_379 = arith.muli %scan3A_376, %mul3A_378 : i32
      %add3A_380 = vector.broadcast %mul3A_379 : i32 to vector<16xi32>
      %add3A_381 = arith.addi %add3A_380, %iota3A : vector<16xi32>
      %broadcast_in_dim3A_382 = arith.constant 0.000000e+00 : f32
      %broadcast_in_dim3A_383 = vector.broadcast %broadcast_in_dim3A_382 : f32 to vector<16xf32>
      %scan3A_384 = arith.constant 0 : i32
      %scan3A_385 = arith.constant 64 : i32
      %scan3A_386 = arith.addi %scan3A_384, %scan3A_385 : i32
      %scan3A_387 = arith.constant 1 : i32
      %scan3A_388:12 = scf.for %scan3A_677 = %scan3A_384 to %scan3A_386 step %scan3A_387 iter_args(%scan3A_678 = %broadcast_in_dim3A_383, %scan3A_679 = %broadcast_in_dim3A_383, %scan3A_680 = %broadcast_in_dim3A_383, %scan3A_681 = %broadcast_in_dim3A_383, %scan3A_682 = %broadcast_in_dim3A_383, %scan3A_683 = %broadcast_in_dim3A_383, %scan3A_684 = %broadcast_in_dim3A_383, %scan3A_685 = %broadcast_in_dim3A_383, %scan3A_686 = %broadcast_in_dim3A_383, %scan3A_687 = %broadcast_in_dim3A_383, %scan3A_688 = %broadcast_in_dim3A_383, %scan3A_689 = %broadcast_in_dim3A_383) -> (vector<16xf32>, vector<16xf32>, vector<16xf32>, vector<16xf32>, vector<16xf32>, vector<16xf32>, vector<16xf32>, vector<16xf32>, vector<16xf32>, vector<16xf32>, vector<16xf32>, vector<16xf32>)  : i32 {
        %broadcast_in_dim3A_690 = vector.broadcast %scan3A_677 : i32 to vector<16xi32>
        %gather3A = tpu.vector_load_idx %arg7[%add3A_381, %broadcast_in_dim3A_690] : memref<128x64xf32, #tpu.memory_space<vmem>>[vector<16xi32>, vector<16xi32>], vector<16xf32>,
        %gather3A_691 = tpu.vector_load_idx %arg8[%add3A_381, %broadcast_in_dim3A_690] : memref<128x64xf32, #tpu.memory_space<vmem>>[vector<16xi32>, vector<16xi32>], vector<16xf32>,
        %gather3A_692 = tpu.vector_load_idx %arg9[%add3A_381, %broadcast_in_dim3A_690] : memref<128x64xf32, #tpu.memory_space<vmem>>[vector<16xi32>, vector<16xi32>], vector<16xf32>,
        %gather3A_693 = tpu.vector_load_idx %arg10[%add3A_381, %broadcast_in_dim3A_690] : memref<128x64xf32, #tpu.memory_space<vmem>>[vector<16xi32>, vector<16xi32>], vector<16xf32>,
        %gather3A_694 = tpu.vector_load_idx %arg11[%add3A_381, %broadcast_in_dim3A_690] : memref<128x64xf32, #tpu.memory_space<vmem>>[vector<16xi32>, vector<16xi32>], vector<16xf32>,
        %gather3A_695 = tpu.vector_load_idx %arg12[%add3A_381, %broadcast_in_dim3A_690] : memref<128x64xf32, #tpu.memory_space<vmem>>[vector<16xi32>, vector<16xi32>], vector<16xf32>,
        %mul3A_696 = arith.mulf %gather3A, %gather3A : vector<16xf32>
        %add3A_697 = arith.addf %scan3A_678, %mul3A_696 : vector<16xf32>
        %mul3A_698 = arith.mulf %gather3A_692, %gather3A_692 : vector<16xf32>
        %add3A_699 = arith.addf %scan3A_679, %mul3A_698 : vector<16xf32>
        %mul3A_700 = arith.mulf %gather3A_691, %gather3A_691 : vector<16xf32>
        %add3A_701 = arith.addf %scan3A_680, %mul3A_700 : vector<16xf32>
        %mul3A_702 = arith.mulf %gather3A, %gather3A_691 : vector<16xf32>
        %add3A_703 = arith.addf %scan3A_681, %mul3A_702 : vector<16xf32>
        %mul3A_704 = arith.mulf %gather3A, %gather3A_692 : vector<16xf32>
        %add3A_705 = arith.addf %scan3A_682, %mul3A_704 : vector<16xf32>
        %mul3A_706 = arith.mulf %gather3A_691, %gather3A_692 : vector<16xf32>
        %add3A_707 = arith.addf %scan3A_683, %mul3A_706 : vector<16xf32>
        %mul3A_708 = arith.mulf %gather3A_693, %gather3A_693 : vector<16xf32>
        %add3A_709 = arith.addf %scan3A_684, %mul3A_708 : vector<16xf32>
        %mul3A_710 = arith.mulf %gather3A_695, %gather3A_695 : vector<16xf32>
        %add3A_711 = arith.addf %scan3A_685, %mul3A_710 : vector<16xf32>
        %mul3A_712 = arith.mulf %gather3A_694, %gather3A_694 : vector<16xf32>
        %add3A_713 = arith.addf %scan3A_686, %mul3A_712 : vector<16xf32>
        %mul3A_714 = arith.mulf %gather3A_693, %gather3A_694 : vector<16xf32>
        %add3A_715 = arith.addf %scan3A_687, %mul3A_714 : vector<16xf32>
        %mul3A_716 = arith.mulf %gather3A_693, %gather3A_695 : vector<16xf32>
        %add3A_717 = arith.addf %scan3A_688, %mul3A_716 : vector<16xf32>
        %mul3A_718 = arith.mulf %gather3A_694, %gather3A_695 : vector<16xf32>
        %add3A_719 = arith.addf %scan3A_689, %mul3A_718 : vector<16xf32>
        scf.yield %add3A_697, %add3A_699, %add3A_701, %add3A_703, %add3A_705, %add3A_707, %add3A_709, %add3A_711, %add3A_713, %add3A_715, %add3A_717, %add3A_719 : vector<16xf32>, vector<16xf32>, vector<16xf32>, vector<16xf32>, vector<16xf32>, vector<16xf32>, vector<16xf32>, vector<16xf32>, vector<16xf32>, vector<16xf32>, vector<16xf32>, vector<16xf32>
      }
      %scan3A_389 = arith.constant 64 : i32
      %gt3A = arith.constant 1.000000e+00 : f32
      %gt3A_390 = vector.broadcast %gt3A : f32 to vector<16xf32>
      %gt3A_391 = arith.cmpf ogt, %scan3A_388#0, %gt3A_390 : vector<16xf32>
      %bitcast_convert_type3A = tpu.bitcast %scan3A_388#0 : vector<16xf32> -> vector<16xi32>
      %shift_right_arithmetic3A = arith.constant 1 : i32
      %shift_right_arithmetic3A_392 = vector.broadcast %shift_right_arithmetic3A : i32 to vector<16xi32>
      %shift_right_arithmetic3A_393 = arith.shrsi %bitcast_convert_type3A, %shift_right_arithmetic3A_392 : vector<16xi32>
      %sub3A = arith.constant 1597463007 : i32
      %sub3A_394 = vector.broadcast %sub3A : i32 to vector<16xi32>
      %sub3A_395 = arith.subi %sub3A_394, %shift_right_arithmetic3A_393 : vector<16xi32>
      %bitcast_convert_type3A_396 = tpu.bitcast %sub3A_395 : vector<16xi32> -> vector<16xf32>
      %mul3A_397 = arith.constant 5.000000e-01 : f32
      %mul3A_398 = vector.broadcast %mul3A_397 : f32 to vector<16xf32>
      %mul3A_399 = arith.mulf %mul3A_398, %scan3A_388#0 : vector<16xf32>
      %mul3A_400 = arith.mulf %mul3A_399, %bitcast_convert_type3A_396 : vector<16xf32>
      %mul3A_401 = arith.mulf %mul3A_400, %bitcast_convert_type3A_396 : vector<16xf32>
      %sub3A_402 = arith.constant 1.500000e+00 : f32
      %sub3A_403 = vector.broadcast %sub3A_402 : f32 to vector<16xf32>
      %sub3A_404 = arith.subf %sub3A_403, %mul3A_401 : vector<16xf32>
      %mul3A_405 = arith.mulf %bitcast_convert_type3A_396, %sub3A_404 : vector<16xf32>
      %mul3A_406 = arith.constant 5.000000e-01 : f32
      %mul3A_407 = vector.broadcast %mul3A_406 : f32 to vector<16xf32>
      %mul3A_408 = arith.mulf %mul3A_407, %scan3A_388#0 : vector<16xf32>
      %mul3A_409 = arith.mulf %mul3A_408, %mul3A_405 : vector<16xf32>
      %mul3A_410 = arith.mulf %mul3A_409, %mul3A_405 : vector<16xf32>
      %sub3A_411 = arith.constant 1.500000e+00 : f32
      %sub3A_412 = vector.broadcast %sub3A_411 : f32 to vector<16xf32>
      %sub3A_413 = arith.subf %sub3A_412, %mul3A_410 : vector<16xf32>
      %mul3A_414 = arith.mulf %mul3A_405, %sub3A_413 : vector<16xf32>
      %mul3A_415 = arith.constant 5.000000e-01 : f32
      %mul3A_416 = vector.broadcast %mul3A_415 : f32 to vector<16xf32>
      %mul3A_417 = arith.mulf %mul3A_416, %scan3A_388#0 : vector<16xf32>
      %mul3A_418 = arith.mulf %mul3A_417, %mul3A_414 : vector<16xf32>
      %mul3A_419 = arith.mulf %mul3A_418, %mul3A_414 : vector<16xf32>
      %sub3A_420 = arith.constant 1.500000e+00 : f32
      %sub3A_421 = vector.broadcast %sub3A_420 : f32 to vector<16xf32>
      %sub3A_422 = arith.subf %sub3A_421, %mul3A_419 : vector<16xf32>
      %mul3A_423 = arith.mulf %mul3A_414, %sub3A_422 : vector<16xf32>
      %jit3A = arith.constant 1.000000e+00 : f32
      %broadcast_in_dim3A_424 = vector.broadcast %jit3A : f32 to vector<16xf32>
      %select_n3A = arith.select %gt3A_391, %mul3A_423, %broadcast_in_dim3A_424 : vector<16xi1>, vector<16xf32>
      %gt3A_425 = arith.constant 1.000000e+00 : f32
      %gt3A_426 = vector.broadcast %gt3A_425 : f32 to vector<16xf32>
      %gt3A_427 = arith.cmpf ogt, %scan3A_388#1, %gt3A_426 : vector<16xf32>
      %bitcast_convert_type3A_428 = tpu.bitcast %scan3A_388#1 : vector<16xf32> -> vector<16xi32>
      %shift_right_arithmetic3A_429 = arith.constant 1 : i32
      %shift_right_arithmetic3A_430 = vector.broadcast %shift_right_arithmetic3A_429 : i32 to vector<16xi32>
      %shift_right_arithmetic3A_431 = arith.shrsi %bitcast_convert_type3A_428, %shift_right_arithmetic3A_430 : vector<16xi32>
      %sub3A_432 = arith.constant 1597463007 : i32
      %sub3A_433 = vector.broadcast %sub3A_432 : i32 to vector<16xi32>
      %sub3A_434 = arith.subi %sub3A_433, %shift_right_arithmetic3A_431 : vector<16xi32>
      %bitcast_convert_type3A_435 = tpu.bitcast %sub3A_434 : vector<16xi32> -> vector<16xf32>
      %mul3A_436 = arith.constant 5.000000e-01 : f32
      %mul3A_437 = vector.broadcast %mul3A_436 : f32 to vector<16xf32>
      %mul3A_438 = arith.mulf %mul3A_437, %scan3A_388#1 : vector<16xf32>
      %mul3A_439 = arith.mulf %mul3A_438, %bitcast_convert_type3A_435 : vector<16xf32>
      %mul3A_440 = arith.mulf %mul3A_439, %bitcast_convert_type3A_435 : vector<16xf32>
      %sub3A_441 = arith.constant 1.500000e+00 : f32
      %sub3A_442 = vector.broadcast %sub3A_441 : f32 to vector<16xf32>
      %sub3A_443 = arith.subf %sub3A_442, %mul3A_440 : vector<16xf32>
      %mul3A_444 = arith.mulf %bitcast_convert_type3A_435, %sub3A_443 : vector<16xf32>
      %mul3A_445 = arith.constant 5.000000e-01 : f32
      %mul3A_446 = vector.broadcast %mul3A_445 : f32 to vector<16xf32>
      %mul3A_447 = arith.mulf %mul3A_446, %scan3A_388#1 : vector<16xf32>
      %mul3A_448 = arith.mulf %mul3A_447, %mul3A_444 : vector<16xf32>
      %mul3A_449 = arith.mulf %mul3A_448, %mul3A_444 : vector<16xf32>
      %sub3A_450 = arith.constant 1.500000e+00 : f32
      %sub3A_451 = vector.broadcast %sub3A_450 : f32 to vector<16xf32>
      %sub3A_452 = arith.subf %sub3A_451, %mul3A_449 : vector<16xf32>
      %mul3A_453 = arith.mulf %mul3A_444, %sub3A_452 : vector<16xf32>
      %mul3A_454 = arith.constant 5.000000e-01 : f32
      %mul3A_455 = vector.broadcast %mul3A_454 : f32 to vector<16xf32>
      %mul3A_456 = arith.mulf %mul3A_455, %scan3A_388#1 : vector<16xf32>
      %mul3A_457 = arith.mulf %mul3A_456, %mul3A_453 : vector<16xf32>
      %mul3A_458 = arith.mulf %mul3A_457, %mul3A_453 : vector<16xf32>
      %sub3A_459 = arith.constant 1.500000e+00 : f32
      %sub3A_460 = vector.broadcast %sub3A_459 : f32 to vector<16xf32>
      %sub3A_461 = arith.subf %sub3A_460, %mul3A_458 : vector<16xf32>
      %mul3A_462 = arith.mulf %mul3A_453, %sub3A_461 : vector<16xf32>
      %jit3A_463 = arith.constant 1.000000e+00 : f32
      %broadcast_in_dim3A_464 = vector.broadcast %jit3A_463 : f32 to vector<16xf32>
      %select_n3A_465 = arith.select %gt3A_427, %mul3A_462, %broadcast_in_dim3A_464 : vector<16xi1>, vector<16xf32>
      %mul3A_466 = arith.mulf %select_n3A, %select_n3A : vector<16xf32>
      %mul3A_467 = arith.mulf %mul3A_466, %scan3A_388#0 : vector<16xf32>
      %add3A_468 = arith.addf %mul3A_467, %scan3A_388#2 : vector<16xf32>
      %mul3A_469 = arith.mulf %select_n3A_465, %select_n3A_465 : vector<16xf32>
      %mul3A_470 = arith.mulf %mul3A_469, %scan3A_388#1 : vector<16xf32>
      %add3A_471 = arith.addf %add3A_468, %mul3A_470 : vector<16xf32>
      %mul3A_472 = arith.mulf %select_n3A, %scan3A_388#3 : vector<16xf32>
      %mul3A_473 = arith.mulf %select_n3A, %select_n3A_465 : vector<16xf32>
      %mul3A_474 = arith.mulf %mul3A_473, %scan3A_388#4 : vector<16xf32>
      %sub3A_475 = arith.subf %mul3A_472, %mul3A_474 : vector<16xf32>
      %mul3A_476 = arith.mulf %select_n3A_465, %scan3A_388#5 : vector<16xf32>
      %sub3A_477 = arith.subf %sub3A_475, %mul3A_476 : vector<16xf32>
      %mul3A_478 = arith.constant 2.000000e+00 : f32
      %mul3A_479 = vector.broadcast %mul3A_478 : f32 to vector<16xf32>
      %mul3A_480 = arith.mulf %mul3A_479, %sub3A_477 : vector<16xf32>
      %add3A_481 = arith.addf %add3A_471, %mul3A_480 : vector<16xf32>
      %max3A = arith.constant 0.000000e+00 : f32
      %max3A_482 = vector.broadcast %max3A : f32 to vector<16xf32>
      %max3A_483 = arith.maximumf %add3A_481, %max3A_482 : vector<16xf32>
      %gt3A_484 = arith.constant 0.000000e+00 : f32
      %gt3A_485 = vector.broadcast %gt3A_484 : f32 to vector<16xf32>
      %gt3A_486 = arith.cmpf ogt, %max3A_483, %gt3A_485 : vector<16xf32>
      %bitcast_convert_type3A_487 = tpu.bitcast %max3A_483 : vector<16xf32> -> vector<16xi32>
      %shift_right_arithmetic3A_488 = arith.constant 1 : i32
      %shift_right_arithmetic3A_489 = vector.broadcast %shift_right_arithmetic3A_488 : i32 to vector<16xi32>
      %shift_right_arithmetic3A_490 = arith.shrsi %bitcast_convert_type3A_487, %shift_right_arithmetic3A_489 : vector<16xi32>
      %sub3A_491 = arith.constant 1597463007 : i32
      %sub3A_492 = vector.broadcast %sub3A_491 : i32 to vector<16xi32>
      %sub3A_493 = arith.subi %sub3A_492, %shift_right_arithmetic3A_490 : vector<16xi32>
      %bitcast_convert_type3A_494 = tpu.bitcast %sub3A_493 : vector<16xi32> -> vector<16xf32>
      %mul3A_495 = arith.constant 5.000000e-01 : f32
      %mul3A_496 = vector.broadcast %mul3A_495 : f32 to vector<16xf32>
      %mul3A_497 = arith.mulf %mul3A_496, %max3A_483 : vector<16xf32>
      %mul3A_498 = arith.mulf %mul3A_497, %bitcast_convert_type3A_494 : vector<16xf32>
      %mul3A_499 = arith.mulf %mul3A_498, %bitcast_convert_type3A_494 : vector<16xf32>
      %sub3A_500 = arith.constant 1.500000e+00 : f32
      %sub3A_501 = vector.broadcast %sub3A_500 : f32 to vector<16xf32>
      %sub3A_502 = arith.subf %sub3A_501, %mul3A_499 : vector<16xf32>
      %mul3A_503 = arith.mulf %bitcast_convert_type3A_494, %sub3A_502 : vector<16xf32>
      %mul3A_504 = arith.constant 5.000000e-01 : f32
      %mul3A_505 = vector.broadcast %mul3A_504 : f32 to vector<16xf32>
      %mul3A_506 = arith.mulf %mul3A_505, %max3A_483 : vector<16xf32>
      %mul3A_507 = arith.mulf %mul3A_506, %mul3A_503 : vector<16xf32>
      %mul3A_508 = arith.mulf %mul3A_507, %mul3A_503 : vector<16xf32>
      %sub3A_509 = arith.constant 1.500000e+00 : f32
      %sub3A_510 = vector.broadcast %sub3A_509 : f32 to vector<16xf32>
      %sub3A_511 = arith.subf %sub3A_510, %mul3A_508 : vector<16xf32>
      %mul3A_512 = arith.mulf %mul3A_503, %sub3A_511 : vector<16xf32>
      %mul3A_513 = arith.constant 5.000000e-01 : f32
      %mul3A_514 = vector.broadcast %mul3A_513 : f32 to vector<16xf32>
      %mul3A_515 = arith.mulf %mul3A_514, %max3A_483 : vector<16xf32>
      %mul3A_516 = arith.mulf %mul3A_515, %mul3A_512 : vector<16xf32>
      %mul3A_517 = arith.mulf %mul3A_516, %mul3A_512 : vector<16xf32>
      %sub3A_518 = arith.constant 1.500000e+00 : f32
      %sub3A_519 = vector.broadcast %sub3A_518 : f32 to vector<16xf32>
      %sub3A_520 = arith.subf %sub3A_519, %mul3A_517 : vector<16xf32>
      %mul3A_521 = arith.mulf %mul3A_512, %sub3A_520 : vector<16xf32>
      %mul3A_522 = arith.mulf %max3A_483, %mul3A_521 : vector<16xf32>
      %jit3A_523 = arith.constant 0.000000e+00 : f32
      %broadcast_in_dim3A_524 = vector.broadcast %jit3A_523 : f32 to vector<16xf32>
      %select_n3A_525 = arith.select %gt3A_486, %mul3A_522, %broadcast_in_dim3A_524 : vector<16xi1>, vector<16xf32>
      %gt3A_526 = arith.constant 1.000000e+00 : f32
      %gt3A_527 = vector.broadcast %gt3A_526 : f32 to vector<16xf32>
      %gt3A_528 = arith.cmpf ogt, %scan3A_388#6, %gt3A_527 : vector<16xf32>
      %bitcast_convert_type3A_529 = tpu.bitcast %scan3A_388#6 : vector<16xf32> -> vector<16xi32>
      %shift_right_arithmetic3A_530 = arith.constant 1 : i32
      %shift_right_arithmetic3A_531 = vector.broadcast %shift_right_arithmetic3A_530 : i32 to vector<16xi32>
      %shift_right_arithmetic3A_532 = arith.shrsi %bitcast_convert_type3A_529, %shift_right_arithmetic3A_531 : vector<16xi32>
      %sub3A_533 = arith.constant 1597463007 : i32
      %sub3A_534 = vector.broadcast %sub3A_533 : i32 to vector<16xi32>
      %sub3A_535 = arith.subi %sub3A_534, %shift_right_arithmetic3A_532 : vector<16xi32>
      %bitcast_convert_type3A_536 = tpu.bitcast %sub3A_535 : vector<16xi32> -> vector<16xf32>
      %mul3A_537 = arith.constant 5.000000e-01 : f32
      %mul3A_538 = vector.broadcast %mul3A_537 : f32 to vector<16xf32>
      %mul3A_539 = arith.mulf %mul3A_538, %scan3A_388#6 : vector<16xf32>
      %mul3A_540 = arith.mulf %mul3A_539, %bitcast_convert_type3A_536 : vector<16xf32>
      %mul3A_541 = arith.mulf %mul3A_540, %bitcast_convert_type3A_536 : vector<16xf32>
      %sub3A_542 = arith.constant 1.500000e+00 : f32
      %sub3A_543 = vector.broadcast %sub3A_542 : f32 to vector<16xf32>
      %sub3A_544 = arith.subf %sub3A_543, %mul3A_541 : vector<16xf32>
      %mul3A_545 = arith.mulf %bitcast_convert_type3A_536, %sub3A_544 : vector<16xf32>
      %mul3A_546 = arith.constant 5.000000e-01 : f32
      %mul3A_547 = vector.broadcast %mul3A_546 : f32 to vector<16xf32>
      %mul3A_548 = arith.mulf %mul3A_547, %scan3A_388#6 : vector<16xf32>
      %mul3A_549 = arith.mulf %mul3A_548, %mul3A_545 : vector<16xf32>
      %mul3A_550 = arith.mulf %mul3A_549, %mul3A_545 : vector<16xf32>
      %sub3A_551 = arith.constant 1.500000e+00 : f32
      %sub3A_552 = vector.broadcast %sub3A_551 : f32 to vector<16xf32>
      %sub3A_553 = arith.subf %sub3A_552, %mul3A_550 : vector<16xf32>
      %mul3A_554 = arith.mulf %mul3A_545, %sub3A_553 : vector<16xf32>
      %mul3A_555 = arith.constant 5.000000e-01 : f32
      %mul3A_556 = vector.broadcast %mul3A_555 : f32 to vector<16xf32>
      %mul3A_557 = arith.mulf %mul3A_556, %scan3A_388#6 : vector<16xf32>
      %mul3A_558 = arith.mulf %mul3A_557, %mul3A_554 : vector<16xf32>
      %mul3A_559 = arith.mulf %mul3A_558, %mul3A_554 : vector<16xf32>
      %sub3A_560 = arith.constant 1.500000e+00 : f32
      %sub3A_561 = vector.broadcast %sub3A_560 : f32 to vector<16xf32>
      %sub3A_562 = arith.subf %sub3A_561, %mul3A_559 : vector<16xf32>
      %mul3A_563 = arith.mulf %mul3A_554, %sub3A_562 : vector<16xf32>
      %jit3A_564 = arith.constant 1.000000e+00 : f32
      %broadcast_in_dim3A_565 = vector.broadcast %jit3A_564 : f32 to vector<16xf32>
      %select_n3A_566 = arith.select %gt3A_528, %mul3A_563, %broadcast_in_dim3A_565 : vector<16xi1>, vector<16xf32>
      %gt3A_567 = arith.constant 1.000000e+00 : f32
      %gt3A_568 = vector.broadcast %gt3A_567 : f32 to vector<16xf32>
      %gt3A_569 = arith.cmpf ogt, %scan3A_388#7, %gt3A_568 : vector<16xf32>
      %bitcast_convert_type3A_570 = tpu.bitcast %scan3A_388#7 : vector<16xf32> -> vector<16xi32>
      %shift_right_arithmetic3A_571 = arith.constant 1 : i32
      %shift_right_arithmetic3A_572 = vector.broadcast %shift_right_arithmetic3A_571 : i32 to vector<16xi32>
      %shift_right_arithmetic3A_573 = arith.shrsi %bitcast_convert_type3A_570, %shift_right_arithmetic3A_572 : vector<16xi32>
      %sub3A_574 = arith.constant 1597463007 : i32
      %sub3A_575 = vector.broadcast %sub3A_574 : i32 to vector<16xi32>
      %sub3A_576 = arith.subi %sub3A_575, %shift_right_arithmetic3A_573 : vector<16xi32>
      %bitcast_convert_type3A_577 = tpu.bitcast %sub3A_576 : vector<16xi32> -> vector<16xf32>
      %mul3A_578 = arith.constant 5.000000e-01 : f32
      %mul3A_579 = vector.broadcast %mul3A_578 : f32 to vector<16xf32>
      %mul3A_580 = arith.mulf %mul3A_579, %scan3A_388#7 : vector<16xf32>
      %mul3A_581 = arith.mulf %mul3A_580, %bitcast_convert_type3A_577 : vector<16xf32>
      %mul3A_582 = arith.mulf %mul3A_581, %bitcast_convert_type3A_577 : vector<16xf32>
      %sub3A_583 = arith.constant 1.500000e+00 : f32
      %sub3A_584 = vector.broadcast %sub3A_583 : f32 to vector<16xf32>
      %sub3A_585 = arith.subf %sub3A_584, %mul3A_582 : vector<16xf32>
      %mul3A_586 = arith.mulf %bitcast_convert_type3A_577, %sub3A_585 : vector<16xf32>
      %mul3A_587 = arith.constant 5.000000e-01 : f32
      %mul3A_588 = vector.broadcast %mul3A_587 : f32 to vector<16xf32>
      %mul3A_589 = arith.mulf %mul3A_588, %scan3A_388#7 : vector<16xf32>
      %mul3A_590 = arith.mulf %mul3A_589, %mul3A_586 : vector<16xf32>
      %mul3A_591 = arith.mulf %mul3A_590, %mul3A_586 : vector<16xf32>
      %sub3A_592 = arith.constant 1.500000e+00 : f32
      %sub3A_593 = vector.broadcast %sub3A_592 : f32 to vector<16xf32>
      %sub3A_594 = arith.subf %sub3A_593, %mul3A_591 : vector<16xf32>
      %mul3A_595 = arith.mulf %mul3A_586, %sub3A_594 : vector<16xf32>
      %mul3A_596 = arith.constant 5.000000e-01 : f32
      %mul3A_597 = vector.broadcast %mul3A_596 : f32 to vector<16xf32>
      %mul3A_598 = arith.mulf %mul3A_597, %scan3A_388#7 : vector<16xf32>
      %mul3A_599 = arith.mulf %mul3A_598, %mul3A_595 : vector<16xf32>
      %mul3A_600 = arith.mulf %mul3A_599, %mul3A_595 : vector<16xf32>
      %sub3A_601 = arith.constant 1.500000e+00 : f32
      %sub3A_602 = vector.broadcast %sub3A_601 : f32 to vector<16xf32>
      %sub3A_603 = arith.subf %sub3A_602, %mul3A_600 : vector<16xf32>
      %mul3A_604 = arith.mulf %mul3A_595, %sub3A_603 : vector<16xf32>
      %jit3A_605 = arith.constant 1.000000e+00 : f32
      %broadcast_in_dim3A_606 = vector.broadcast %jit3A_605 : f32 to vector<16xf32>
      %select_n3A_607 = arith.select %gt3A_569, %mul3A_604, %broadcast_in_dim3A_606 : vector<16xi1>, vector<16xf32>
      %mul3A_608 = arith.mulf %select_n3A_566, %select_n3A_566 : vector<16xf32>
      %mul3A_609 = arith.mulf %mul3A_608, %scan3A_388#6 : vector<16xf32>
      %add3A_610 = arith.addf %mul3A_609, %scan3A_388#8 : vector<16xf32>
      %mul3A_611 = arith.mulf %select_n3A_607, %select_n3A_607 : vector<16xf32>
      %mul3A_612 = arith.mulf %mul3A_611, %scan3A_388#7 : vector<16xf32>
      %add3A_613 = arith.addf %add3A_610, %mul3A_612 : vector<16xf32>
      %mul3A_614 = arith.mulf %select_n3A_566, %scan3A_388#9 : vector<16xf32>
      %mul3A_615 = arith.mulf %select_n3A_566, %select_n3A_607 : vector<16xf32>
      %mul3A_616 = arith.mulf %mul3A_615, %scan3A_388#10 : vector<16xf32>
      %sub3A_617 = arith.subf %mul3A_614, %mul3A_616 : vector<16xf32>
      %mul3A_618 = arith.mulf %select_n3A_607, %scan3A_388#11 : vector<16xf32>
      %sub3A_619 = arith.subf %sub3A_617, %mul3A_618 : vector<16xf32>
      %mul3A_620 = arith.constant 2.000000e+00 : f32
      %mul3A_621 = vector.broadcast %mul3A_620 : f32 to vector<16xf32>
      %mul3A_622 = arith.mulf %mul3A_621, %sub3A_619 : vector<16xf32>
      %add3A_623 = arith.addf %add3A_613, %mul3A_622 : vector<16xf32>
      %max3A_624 = arith.constant 0.000000e+00 : f32
      %max3A_625 = vector.broadcast %max3A_624 : f32 to vector<16xf32>
      %max3A_626 = arith.maximumf %add3A_623, %max3A_625 : vector<16xf32>
      %gt3A_627 = arith.constant 0.000000e+00 : f32
      %gt3A_628 = vector.broadcast %gt3A_627 : f32 to vector<16xf32>
      %gt3A_629 = arith.cmpf ogt, %max3A_626, %gt3A_628 : vector<16xf32>
      %bitcast_convert_type3A_630 = tpu.bitcast %max3A_626 : vector<16xf32> -> vector<16xi32>
      %shift_right_arithmetic3A_631 = arith.constant 1 : i32
      %shift_right_arithmetic3A_632 = vector.broadcast %shift_right_arithmetic3A_631 : i32 to vector<16xi32>
      %shift_right_arithmetic3A_633 = arith.shrsi %bitcast_convert_type3A_630, %shift_right_arithmetic3A_632 : vector<16xi32>
      %sub3A_634 = arith.constant 1597463007 : i32
      %sub3A_635 = vector.broadcast %sub3A_634 : i32 to vector<16xi32>
      %sub3A_636 = arith.subi %sub3A_635, %shift_right_arithmetic3A_633 : vector<16xi32>
      %bitcast_convert_type3A_637 = tpu.bitcast %sub3A_636 : vector<16xi32> -> vector<16xf32>
      %mul3A_638 = arith.constant 5.000000e-01 : f32
      %mul3A_639 = vector.broadcast %mul3A_638 : f32 to vector<16xf32>
      %mul3A_640 = arith.mulf %mul3A_639, %max3A_626 : vector<16xf32>
      %mul3A_641 = arith.mulf %mul3A_640, %bitcast_convert_type3A_637 : vector<16xf32>
      %mul3A_642 = arith.mulf %mul3A_641, %bitcast_convert_type3A_637 : vector<16xf32>
      %sub3A_643 = arith.constant 1.500000e+00 : f32
      %sub3A_644 = vector.broadcast %sub3A_643 : f32 to vector<16xf32>
      %sub3A_645 = arith.subf %sub3A_644, %mul3A_642 : vector<16xf32>
      %mul3A_646 = arith.mulf %bitcast_convert_type3A_637, %sub3A_645 : vector<16xf32>
      %mul3A_647 = arith.constant 5.000000e-01 : f32
      %mul3A_648 = vector.broadcast %mul3A_647 : f32 to vector<16xf32>
      %mul3A_649 = arith.mulf %mul3A_648, %max3A_626 : vector<16xf32>
      %mul3A_650 = arith.mulf %mul3A_649, %mul3A_646 : vector<16xf32>
      %mul3A_651 = arith.mulf %mul3A_650, %mul3A_646 : vector<16xf32>
      %sub3A_652 = arith.constant 1.500000e+00 : f32
      %sub3A_653 = vector.broadcast %sub3A_652 : f32 to vector<16xf32>
      %sub3A_654 = arith.subf %sub3A_653, %mul3A_651 : vector<16xf32>
      %mul3A_655 = arith.mulf %mul3A_646, %sub3A_654 : vector<16xf32>
      %mul3A_656 = arith.constant 5.000000e-01 : f32
      %mul3A_657 = vector.broadcast %mul3A_656 : f32 to vector<16xf32>
      %mul3A_658 = arith.mulf %mul3A_657, %max3A_626 : vector<16xf32>
      %mul3A_659 = arith.mulf %mul3A_658, %mul3A_655 : vector<16xf32>
      %mul3A_660 = arith.mulf %mul3A_659, %mul3A_655 : vector<16xf32>
      %sub3A_661 = arith.constant 1.500000e+00 : f32
      %sub3A_662 = vector.broadcast %sub3A_661 : f32 to vector<16xf32>
      %sub3A_663 = arith.subf %sub3A_662, %mul3A_660 : vector<16xf32>
      %mul3A_664 = arith.mulf %mul3A_655, %sub3A_663 : vector<16xf32>
      %mul3A_665 = arith.mulf %max3A_626, %mul3A_664 : vector<16xf32>
      %jit3A_666 = arith.constant 0.000000e+00 : f32
      %broadcast_in_dim3A_667 = vector.broadcast %jit3A_666 : f32 to vector<16xf32>
      %select_n3A_668 = arith.select %gt3A_629, %mul3A_665, %broadcast_in_dim3A_667 : vector<16xi1>, vector<16xf32>
      %sub3A_669 = arith.subf %select_n3A_525, %select_n3A_668 : vector<16xf32>
      %add3A_670 = arith.constant 1.000000e+00 : f32
      %add3A_671 = vector.broadcast %add3A_670 : f32 to vector<16xf32>
      %add3A_672 = arith.addf %sub3A_669, %add3A_671 : vector<16xf32>
      %max3A_673 = arith.constant 0.000000e+00 : f32
      %max3A_674 = vector.broadcast %max3A_673 : f32 to vector<16xf32>
      %max3A_675 = arith.maximumf %add3A_672, %max3A_674 : vector<16xf32>
      %add3A_676 = arith.addf %scan3A_377, %max3A_675 : vector<16xf32>
      scf.yield %add3A_676 : vector<16xf32>
    }
    %scan3A_374 = arith.constant 8 : i32
    %swap3A = arith.constant 0 : index
    %swap3A_375 = tpu.vector_load %arg13[%swap3A] {strides = array<i32>} : memref<16xf32, #tpu.memory_space<vmem>>, vector<16xf32>,
    tpu.vector_store %arg13[%swap3A], %scan3A_373 {strides = array<i32>} : memref<16xf32, #tpu.memory_space<vmem>>, vector<16xf32>,
    "tpu.region"() ({
      %run_scoped3A = tpu.sem_alloc : memref<!tpu.dma_semaphore, #tpu.memory_space<semaphore_mem>>
      %dma_start3A_376 = arith.constant 0 : i32
      %dma_start3A_377 = tpu.memref_slice %arg5[%add3A, %dma_start3A_376] : memref<32x16xf32, #tpu.memory_space<hbm>> -> memref<1x16xf32, #tpu.memory_space<hbm>>
      %dma_start3A_378 = tpu.memref_squeeze %dma_start3A_377 : memref<1x16xf32, #tpu.memory_space<hbm>> -> memref<16xf32, #tpu.memory_space<hbm>>
      %dma_start3A_379 = arith.constant 0 : i32
      %dma_start3A_380 = tpu.memref_slice %arg5[%add3A, %dma_start3A_379] : memref<32x16xf32, #tpu.memory_space<hbm>> -> memref<1x16xf32, #tpu.memory_space<hbm>>
      %dma_start3A_381 = tpu.memref_squeeze %dma_start3A_380 : memref<1x16xf32, #tpu.memory_space<hbm>> -> memref<16xf32, #tpu.memory_space<hbm>>
      tpu.enqueue_dma source(%arg13 : memref<16xf32, #tpu.memory_space<vmem>>) target(%dma_start3A_381 : memref<16xf32, #tpu.memory_space<hbm>>) target_semaphore(%run_scoped3A : memref<!tpu.dma_semaphore, #tpu.memory_space<semaphore_mem>>)
      %dma_wait3A_382 = arith.constant 0 : i32
      %dma_wait3A_383 = tpu.memref_slice %arg5[%add3A, %dma_wait3A_382] : memref<32x16xf32, #tpu.memory_space<hbm>> -> memref<1x16xf32, #tpu.memory_space<hbm>>
      %dma_wait3A_384 = tpu.memref_squeeze %dma_wait3A_383 : memref<1x16xf32, #tpu.memory_space<hbm>> -> memref<16xf32, #tpu.memory_space<hbm>>
      %dma_wait3A_385 = arith.constant 0 : i32
      %dma_wait3A_386 = tpu.memref_slice %arg5[%add3A, %dma_wait3A_385] : memref<32x16xf32, #tpu.memory_space<hbm>> -> memref<1x16xf32, #tpu.memory_space<hbm>>
      %dma_wait3A_387 = tpu.memref_squeeze %dma_wait3A_386 : memref<1x16xf32, #tpu.memory_space<hbm>> -> memref<16xf32, #tpu.memory_space<hbm>>
      tpu.wait_dma2 semaphore(%run_scoped3A : memref<!tpu.dma_semaphore, #tpu.memory_space<semaphore_mem>>) src(%arg13 : memref<16xf32, #tpu.memory_space<vmem>>) dst(%dma_wait3A_387 : memref<16xf32, #tpu.memory_space<hbm>>)
      tpu.yield
    }) : () -> ()
    return
  }
}

</mosaic_0001>

<sc_bundles>
// kernel: kernel.3.cloned.1.call-start
scs
__scs_entry_jumppad:
0x0: {  	(pc) =	sbr.rel $0x88, $3  }
0x1: {  	(tag) =	ssettag $0x0;
	lr =	simm.s32 $0x1  }
0x2: {  	[smem:$0x3F9D] =	sst lr;
	_ =	strace $0xD0000000  }
0x3: {  	_ = 	snop  }
0x4: {  	_ = 	snop  }
0x5: {  	_ = 	snop  }
0x6: {  	_ = 	snop  }
0x7: {  	_ = 	snop  }
__scs_overlays_trampoline_lowered:
0x8: {  	[smem:$0x3FAC] =	sst s0  }
0x9: {  	[smem:$0x3FAD] =	sst s1  }
0xa: {  	[smem:$0x3FAE] =	sst s2  }
0xb: {  	[smem:$0x3FAF] =	sst s3  }
0xc: {  	[smem:$0x3FB0] =	sst s4  }
0xd: {  	[smem:$0x3FB1] =	sst s5  }
0xe: {  	[smem:$0x3FB2] =	sst s6  }
0xf: {  	[smem:$0x3FB3] =	sst s7  }
0x10: {  	[smem:$0x3FB4] =	sst s8  }
0x11: {  	[smem:$0x3FB5] =	sst s9;
	s0 =	simm.s32 @!p0 $0x0  }
0x12: {  	s1 =	sld [smem:$0x3F9B];
	s0 =	simm.s32 @p0 $0x1  }
0x13: {  	[smem:$0x3FB6] =	sst s0;
	s0 =	simm.s32 @!p1 $0x0  }
0x14: {  	s2 =	sld [smem:$0x3F9A];
	s0 =	simm.s32 @p1 $0x1  }
0x15: {  	[smem:$0x3FB7] =	sst s0;
	s0 =	simm.s32 @!p2 $0x0  }
0x16: {  	s3 =	sld [smem:$0x3FDB];
	s0 =	simm.s32 @p2 $0x1  }
0x17: {  	s4 =	simm.s32 $0x1BF5;
	[smem:$0x3FB9] =	sst s0  }
0x18: {  	s0 =	sld [smem:$0x3F9C];
	_ =	swait.ge [sflag:s4], $0x0  }
0x19: {  	s7 =	sld [smem:$0x3F9D]  }
0x1a: {  	s8 =	sadd.s32 $0xFFFFE003, lr  }
0x1b: {  	s9 =	sadd.s32 $0xFFFFFEF7, lr;
	s5 =	simm.s32 $0xFFFFFFFF;
	p2 =	slt.u32 s8, $0xFFFFF086  }
0x1c: {  	p1 =	slt.u32 s9, $0xF7A;
	s5 =	simm.s32 @!p2 $0x0  }
0x1d: {  	s5 =	simm.s32 @p1 $0x1;
	p0 =	seq.s32 s7, s2  }
0x1e: {  	s7 =	smul.u32 @!p0 $0xF7A, s2;
	p2 =	seq.s32 @!p0 s5, $0x0  }
0x1f: {  	s9 =	smul.u32 $0xF7A, s1;
	s8 =	simm.s32 @!p0 $0x1BF5;
	p2 =	por !p2, p0  }
0x20: {  	[sflag:s8] =	ssyncset.s32 @!p0 $0xFFFFF086;
	s6 =	sadd.s32 @!p0 s3, s7;
	s7 =	simm.s32 @!p0 $0x108  }
0x21: {  	s3 =	sadd.s32 s3, s9;
	s6 =	sadd.s32 @!p0 $0x88, s6;
	s7 =	simm.s32 @p2 $0x1082  }
0x22: {  	[simem:s7], [sflag:s8] =	dma.local @!p0 [hbm:s6], $0xF7A  }
0x23: {  	s9 =	sor.u32 $0xD0000000, s2;
	s6 =	simm.s32 $0x108;
	_ =	swait.ge @!p0 [sflag:s8], $0x0  }
0x24: {  	s3 =	sadd.s32 $0x88, s3;
	s6 =	simm.s32 @!p1 $0x1082;
	[sflag:s4] =	ssyncset.s32 $0xFFFFF086  }
0x25: {  	[simem:s6], [sflag:s4] =	dma.local [hbm:s3], $0xF7A  }
0x26: {  	[smem:$0x3F9D] =	sst s1;
	(tag) =	ssettag s2;
	_ =	strace s9  }
0x27: {  	s1 =	sld [smem:$0x3FAD]  }
0x28: {  	s2 =	sld [smem:$0x3FAE]  }
0x29: {  	s4 =	sld [smem:$0x3FB0]  }
0x2a: {  	p0 =	seq.s32 s5, $0x0;
	s5 =	sld [smem:$0x3FB1]  }
0x2b: {  	s6 =	sld [smem:$0x3FB2]  }
0x2c: {  	s7 =	sld [smem:$0x3FB3]  }
0x2d: {  	s3 =	simm.s32 $0x108;
	s8 =	sld [smem:$0x3FB4]  }
0x2e: {  	s3 =	simm.s32 @!p0 $0x1082;
	s9 =	sld [smem:$0x3FB5]  }
0x2f: {  	lr =	sadd.s32 s0, s3;
	s0 =	sld [smem:$0x3FAC]  }
0x30: {  	s3 =	sld [smem:$0x3FAF]  }
0x31: {  	[smem:$0x3FB8] =	sst s10  }
0x32: {  	s10 =	sld [smem:$0x3FB6];
	_ =	sdelay $0x3  }
0x33: {  	p0 =	seq.s32 s10, $0x1;
	s10 =	sld [smem:$0x3FB8];
	_ =	sdelay $0x3  }
0x34: {  	[smem:$0x3FB8] =	sst s10  }
0x35: {  	s10 =	sld [smem:$0x3FB7];
	_ =	sdelay $0x3  }
0x36: {  	p1 =	seq.s32 s10, $0x1;
	s10 =	sld [smem:$0x3FB8];
	_ =	sdelay $0x3  }
0x37: {  	[smem:$0x3FB8] =	sst s10  }
0x38: {  	s10 =	sld [smem:$0x3FB9]  }
0x39: {  	_ = 	snop;
	(pc) =	sbr.ind lr, $3  }
0x3a: {  	_ = 	snop  }
0x3b: {  	_ = 	snop  }
0x3c: {  	p2 =	seq.s32 s10, $0x1;
	s10 =	sld [smem:$0x3FB8]  }
0x3d: {  	_ =	shalt  }
0x3e: {  	_ =	shalt  }
0x3f: {  	_ =	shalt  }
0x40: {  	_ =	shalt  }
0x41: {  	_ =	shalt  }
0x42: {  	_ =	shalt  }
0x43: {  	_ =	shalt  }
0x44: {  	_ =	shalt  }
0x45: {  	_ =	shalt  }
0x46: {  	_ =	shalt  }
0x47: {  	_ =	shalt  }
0x48: {  	_ =	shalt  }
0x49: {  	_ =	shalt  }
0x4a: {  	_ =	shalt  }
0x4b: {  	_ =	shalt  }
0x4c: {  	_ =	shalt  }
0x4d: {  	_ =	shalt  }
0x4e: {  	_ =	shalt  }
0x4f: {  	_ =	shalt  }
0x50: {  	_ =	shalt  }
0x51: {  	_ =	shalt  }
0x52: {  	_ =	shalt  }
0x53: {  	_ =	shalt  }
0x54: {  	_ =	shalt  }
0x55: {  	_ =	shalt  }
0x56: {  	_ =	shalt  }
0x57: {  	_ =	shalt  }
0x58: {  	_ =	shalt  }
0x59: {  	_ =	shalt  }
0x5a: {  	_ =	shalt  }
0x5b: {  	_ =	shalt  }
0x5c: {  	_ =	shalt  }
0x5d: {  	_ =	shalt  }
0x5e: {  	_ =	shalt  }
0x5f: {  	_ =	shalt  }
0x60: {  	_ =	shalt  }
0x61: {  	_ =	shalt  }
0x62: {  	_ =	shalt  }
0x63: {  	_ =	shalt  }
0x64: {  	_ =	shalt  }
0x65: {  	_ =	shalt  }
0x66: {  	_ =	shalt  }
0x67: {  	_ =	shalt  }
0x68: {  	_ =	shalt  }
0x69: {  	_ =	shalt  }
0x6a: {  	_ =	shalt  }
0x6b: {  	_ =	shalt  }
0x6c: {  	_ =	shalt  }
0x6d: {  	_ =	shalt  }
0x6e: {  	_ =	shalt  }
0x6f: {  	_ =	shalt  }
0x70: {  	_ =	shalt  }
0x71: {  	_ =	shalt  }
0x72: {  	_ =	shalt  }
0x73: {  	_ =	shalt  }
0x74: {  	_ =	shalt  }
0x75: {  	_ =	shalt  }
0x76: {  	_ =	shalt  }
0x77: {  	_ =	shalt  }
0x78: {  	_ =	shalt  }
0x79: {  	_ =	shalt  }
0x7a: {  	_ =	shalt  }
0x7b: {  	_ =	shalt  }
0x7c: {  	_ =	shalt  }
0x7d: {  	_ =	shalt  }
0x7e: {  	_ =	shalt  }
0x7f: {  	_ =	shalt  }
0x80: {  	_ =	shalt  }
0x81: {  	_ =	shalt  }
0x82: {  	_ =	shalt  }
0x83: {  	_ =	shalt  }
0x84: {  	_ =	shalt  }
0x85: {  	_ =	shalt  }
0x86: {  	_ =	shalt  }
0x87: {  	_ =	shalt  }
.Lfunc_end0:
.L_simem_size_0:
called_computation_lowered:
.L_overlay_start_0:
0x88: {  	s2 =	sld [smem:$0x3FD9]  }
0x89: {  	s3 =	sld [smem:$0x3FFE];
	_ =	sdelay $0x1  }
0x8a: {  	s1 =	srdreg.scid  }
0x8b: {  	s0 =	sand.u32 $0x1, s1  }
0x8c: {  	s16 =	sshll.u32 s0, $0xA;
	s2 =	sadd.s32 s3, s2  }
0x8d: {  	s2 =	sadd.s32 s2, s16  }
0x8e: {  	[smem:$0x3FC4] =	sst s2  }
0x8f: {  	_ = 	snop  }
0x90: {  	(tm) =	ssettm $0x1  }
0x91: {  	s17 =	sld [smem:$0x3FFB];
	_ =	sdelay $0x3  }
0x92: {  	_ =	strace s17  }
0x93: {  	s2 =	sld [smem:$0x3FFC];
	_ =	sdelay $0x3  }
0x94: {  	_ =	strace s2  }
0x95: {  	s2 =	sld [smem:$0x3FFD];
	_ =	sdelay $0x3  }
0x96: {  	_ =	strace s2  }
0x97: {  	_ =	strace $0x8FFFFFFF  }
0x98: {  	s18 =	sld [smem:$0x3FDB];
	_ =	sdelay $0x1  }
0x99: {  	s19 =	simm.s32 $_scs_section_size  }
0x9a: {  	s4 =	simm.s32 $_size__tile_overlayer_lowered;
	s5 =	simm.s32 $_tile_overlayer_lowered  }
0x9b: {  	s22 =	simm.s32 $0x1BFF;
	s21 =	sshll.u32 s5, $0x1;
	s2 =	sadd.s32 s19, s18  }
0x9c: {  	s6 =	simm.s32 $0x0;
	s20 =	sshll.u32 s4, $0x1;
	s4 =	sadd.s32 s21, s2  }
0x9d: {  	[timem:s6], [sflag:s22] =	dma.local [hbm:s4], s20  }
0x9e: {  	_ =	swait.ge [sflag:s22], s20  }
0x9f: {  	s3 =	ssub.s32 $0x0, s20;
	[sflag:s22] =	ssyncset.done $0x0  }
0xa0: {  	[sflag:s22] =	ssyncadd.s32 s3;
	_ =	sdelay $0x1  }
0xa1: {  	s23 =	simm.s32 $0x1B8B  }
0xa2: {  	_ =	swait.ge [sflag:s23], $0x1  }
0xa3: {  	[sflag:s23] =	ssyncset.done $0x0  }
0xa4: {  	s25 =	simm.s32 $0x1B8E;
	s24 =	sld [smem:$0x3FFE];
	[sflag:s23] =	ssyncadd.s32 $0xFFFFFFFF  }
0xa5: {  	s26 =	simm.s32 $execute0_lowered;
	[smem:$0x3FD2] =	sst s25  }
0xa6: {  	s4 =	sshll.u32 s26, $0x1;
	_ =	strace $0x80000046;
	[dreg:$0x1] =	wrdreg $0xFFFFFFFF  }
0xa7: {  	s28 =	simm.s32 $_size_execute0_lowered;
	s2 =	sadd.s32 s2, s4;
	[dreg:$0x0] =	wrdreg $0x0  }
0xa8: {  	s4 =	sshll.u32 s28, $0x1;
	[dreg:$0x2] =	wrdreg s2  }
0xa9: {  	[dreg:$0x3] =	wrdreg s4  }
0xaa: {  	[dreg:$0x4] =	wrdreg $0xC0  }
0xab: {  	_ =	task [dreg:s6], $0x5FFFF  }
0xac: {  	[dreg:$0x1] =	wrdreg $0xFFFFFFFF  }
0xad: {  	[dreg:$0x0] =	wrdreg $0x60  }
0xae: {  	[dreg:$0x2] =	wrdreg s24  }
0xaf: {  	[dreg:$0x3] =	wrdreg $0x9  }
0xb0: {  	_ =	task.clear_ibuf [dreg:s6], $0x4FFFF;
	_ =	strace $0x90000046  }
0xb1: {  	s29 =	simm.s32 $0x9;
	_ =	strace $0x80000048  }
0xb2: {  	_ =	swait.ge [sflag:s29], $0x1  }
0xb3: {  	[sflag:s29] =	ssyncadd.s32 $0xFFFFFFFF  }
0xb4: {  	_ =	strace $0x90000048  }
0xb5: {  	_ =	sfence  }
0xb6: {  	s30 =	sld [smem:$0x0];
	_ =	sdelay $0x2  }
0xb7: {  	s31 =	sshll.u32 s1, $0xD;
	s1 =	sshrl.u32 s1, $0x2  }
0xb8: {  	s3 =	sand.u32 $0x4000, s31;
	s1 =	sadd.s32 s1, s30  }
0xb9: {  	s0 =	sor.u32 s3, s0;
	s1 =	sshll.u32 s1, $0x11  }
0xba: {  	s0 =	sor.u32 s1, s0  }
0xbb: {  	s0 =	sadd.s32 $0x8F2B, s0  }
0xbc: {  	[sflag:s0] =	ssyncadd.remote.s32 $0x1  }
0xbd: {  	_ =	sfence.sel $0xFFFF  }
0xbe: {  	[dreg:$0x0] =	wrdreg $0xFFFFFFFF;
	(pc) =	sbr.abs _section_cstart, $3  }
0xbf: {  	[dreg:$0x1] =	wrdreg $0xFFFFFFFF  }
0xc0: {  	_ =	task.clear_ibuf [dreg:s6], $0x2FFFF;
	_ =	strace $0x9FFFFFFF  }
0xc1: {  	(tm) =	ssettm $0x7FFFFFFF  }
tec
execute0_lowered:
.L_overlay_start_1:
0x0: {  	(tag) =	ssettag $0x1  }
0x1: {  	s5 =	rddreg [dreg:$0x0];
	s1 =	srdreg.scid  }
0x2: {  	s0 =	rddreg [dreg:$0x1];
	s2 =	simm.s32 $0x0;
	s12 =	simm.s32 $0x4000  }
0x3: {  	s13 =	simm.s32 $0x2;
	s14 =	simm.s32 $0x300;
	s15 =	simm.s32 $0x2300  }
0x4: {  	s16 =	simm.s32 $0x100;
	s17 =	simm.s32 $0x4300;
	s18 =	simm.s32 $0x180  }
0x5: {  	s19 =	simm.s32 $0x6300;
	s20 =	simm.s32 $0x200;
	s21 =	simm.s32 $0x8300  }
0x6: {  	s22 =	simm.s32 $0x280;
	s23 =	simm.s32 $0xA300;
	s24 =	simm.s32 $0x1  }
0x7: {  	s25 =	simm.s32 $0xC300;
	s26 =	simm.s32 $0x0;
	s4 =	sand.u32 $0x1, s1  }
0x8: {  	s1 =	stileid.u32;
	[smem:$0x7FF] =	sst s2;
	s3 =	sshll.u32 s4, $0x4  }
0x9: {  	_ =	strace $0x80000047;
	s7 =	ssub.s32 $0x2, s4;
	s6 =	sor.u32 s1, s3  }
0xa: {  	s4 =	sadd.s32 $0xF42800, s5;
	s9 =	sshrl.u32 s7, $0x1;
	s3 =	sshll.u32 s6, $0x6  }
0xb: {  	s6 =	sshll.u32 s6, $0x1;
	s11 =	ssub.s32 s7, s9;
	s8 =	sadd.s32 s3, s5  }
0xc: {  	s3 =	sadd.s32 $0x16E3A00, s5;
	s10 =	sadd.s32 s6, s5;
	s5 =	sadd.s32 $0x400, s8  }
0xd: {  	v0 =	vlaneseq.u32;
	s6 =	sadd.s32 $0x410, s8;
	s7 =	sadd.s32 $0x420, s8;
	s8 =	sadd.s32 $0x430, s8  }
0xe: {  	v0 =	vmul.u32 $0x40, v0;
	s9 =	sadd.s32 $0x3400, s10;
	s10 =	smax.u32 s11, $0x1;
	s11 =	simm.s32 $0x80  }
.LBB2_1:
0xf: {  	[tilespmem:s2], [sflag:$0x2] =	stream.strided.gather [hbm4b:s5+s11], $0x300, s12, s11, $0x38;
	[tilespmem:$0xC310] =	vst v63  }
0x10: {  	_ =	swait.ge [sflag:s13], $0x300  }
0x11: {  	[sflag:s13] =	ssyncset.done $0x0  }
0x12: {  	[sflag:s13] =	ssyncadd.s32 $0xFFFFFD00  }
0x13: {  	[tilespmem:s14], [sflag:$0x1] =	stream.indirect.gather [hbm4b:s3+s11], $0x40, s2, s11, $0xb8;
	[tilespmem:$0xC310] =	vst v63  }
0x14: {  	_ = 	snop  }
0x15: {  	[tilespmem:s15], [sflag:$0x1] =	stream.indirect.gather [hbm4b:s4+s11], $0x40, s11, s11, $0xb8;
	[tilespmem:$0xC310] =	vst v63  }
0x16: {  	_ = 	snop  }
0x17: {  	[tilespmem:s17], [sflag:$0x1] =	stream.indirect.gather [hbm4b:s3+s11], $0x40, s16, s11, $0xb8;
	[tilespmem:$0xC310] =	vst v63  }
0x18: {  	_ = 	snop  }
0x19: {  	[tilespmem:s19], [sflag:$0x1] =	stream.indirect.gather [hbm4b:s3+s11], $0x40, s18, s11, $0xb8;
	[tilespmem:$0xC310] =	vst v63  }
0x1a: {  	_ = 	snop  }
0x1b: {  	[tilespmem:s21], [sflag:$0x1] =	stream.indirect.gather [hbm4b:s4+s11], $0x40, s20, s11, $0xb8;
	[tilespmem:$0xC310] =	vst v63  }
0x1c: {  	_ = 	snop  }
0x1d: {  	[tilespmem:s23], [sflag:$0x1] =	stream.indirect.gather [hbm4b:s3+s11], $0x40, s22, s11, $0xb8;
	[tilespmem:$0xC310] =	vst v63  }
0x1e: {  	_ =	swait.ge [sflag:s24], $0x2000  }
0x1f: {  	[sflag:s24] =	ssyncset.done $0x0  }
0x20: {  	[sflag:s24] =	ssyncadd.s32 $0xFFFFE000  }
0x21: {  	_ =	swait.ge [sflag:s24], $0x2000  }
0x22: {  	[sflag:s24] =	ssyncset.done $0x0  }
0x23: {  	[sflag:s24] =	ssyncadd.s32 $0xFFFFE000  }
0x24: {  	_ =	swait.ge [sflag:s24], $0x2000  }
0x25: {  	[sflag:s24] =	ssyncset.done $0x0  }
0x26: {  	[sflag:s24] =	ssyncadd.s32 $0xFFFFE000  }
0x27: {  	_ =	swait.ge [sflag:s24], $0x2000  }
0x28: {  	[sflag:s24] =	ssyncset.done $0x0  }
0x29: {  	[sflag:s24] =	ssyncadd.s32 $0xFFFFE000  }
0x2a: {  	_ =	swait.ge [sflag:s24], $0x2000  }
0x2b: {  	[sflag:s24] =	ssyncset.done $0x0  }
0x2c: {  	[sflag:s24] =	ssyncadd.s32 $0xFFFFE000  }
0x2d: {  	_ =	swait.ge [sflag:s24], $0x2000  }
0x2e: {  	[sflag:s24] =	ssyncset.done $0x0  }
0x2f: {  	v2 =	vimm.f32 $0.0e+00;
	v1 =	vimm.f32 $0.0e+00;
	s28 =	simm.s32 $0x0;
	[sflag:s24] =	ssyncadd.s32 $0xFFFFE000  }
.LBB2_2:
0x30: {  	s29 =	simm.s32 $0x0  }
0x31: {  	v3 =	vmov s29;
	s29 =	sshll.u32 s28, $0x4  }
0x32: {  	v4 =	vmov s29;
	v3 =	vand.u32 $0x3F, v3  }
0x33: {  	v4 =	vshll.u32 v4, $0x6;
	v3 =	vbroadcast v3, $0x0  }
0x34: {  	v16 =	vor.u32 v0, v4  }
0x35: {  	v3 =	vor.u32 v16, v3;
	_ =	sdelay $0x4  }
0x36: {  	v7 =	vld.idx.msk [tilespmem:v3+s21+$0x0], $0xffff  }
0x37: {  	v8 =	vld.idx.msk [tilespmem:v3+s23+$0x0], $0xffff  }
0x38: {  	s29 =	simm.s32 $0x1;
	v9 =	vld.idx.msk [tilespmem:v3+s14+$0x0], $0xffff  }
0x39: {  	v4 =	vmov s29;
	v10 =	vld.idx.msk [tilespmem:v3+s15+$0x0], $0xffff  }
0x3a: {  	v4 =	vand.u32 $0x3F, v4;
	v11 =	vld.idx.msk [tilespmem:v3+s17+$0x0], $0xffff  }
0x3b: {  	v4 =	vbroadcast v4, $0x0  }
0x3c: {  	v24 =	vimm.f32 $0.0e+00;
	v21 =	vimm.f32 $0.0e+00;
	v12 =	vld.idx.msk [tilespmem:v3+s19+$0x0], $0xffff;
	v3 =	vmul.f32 v7, v7  }
0x3d: {  	v6 =	vor.u32 v16, v4;
	v4 =	vmul.f32 v8, v7;
	v5 =	vmul.f32 v8, v8  }
0x3e: {  	v22 =	vimm.f32 $0.0e+00;
	v13 =	vmul.f32 v9, v9;
	v26 =	vmul.f32 v10, v10  }
0x3f: {  	v23 =	vimm.f32 $0.0e+00;
	v25 =	vmul.f32 v10, v9;
	v28 =	vmul.f32 v11, v11  }
0x40: {  	v20 =	vimm.f32 $0.0e+00;
	s29 =	simm.s32 $0x2;
	v18 =	vmul.f32 v11, v9;
	v17 =	vmul.f32 v11, v10  }
0x41: {  	v9 =	vmov s29;
	v27 =	vmul.f32 v12, v12;
	v15 =	vmul.f32 v7, v12  }
0x42: {  	v14 =	vld.idx.msk [tilespmem:v6+s14+$0x0], $0xffff;
	v11 =	vimm.f32 $0.0e+00;
	v10 =	vimm.f32 $0.0e+00;
	v29 =	vand.u32 $0x3F, v9  }
0x43: {  	v9 =	vimm.f32 $0.0e+00;
	v19 =	vadd.f32 v13, v2;
	v13 =	vmul.f32 v8, v12;
	v8 =	vld.idx.msk [tilespmem:v6+s21+$0x0], $0xffff  }
0x44: {  	v7 =	vld.idx.msk [tilespmem:v6+s23+$0x0], $0xffff;
	s29 =	simm.s32 $0x3;
	v3 =	vadd.f32 v3, v2;
	v4 =	vadd.f32 v4, v2;
	v12 =	vimm.f32 $0.0e+00  }
.LBB2_3:
0x45: {  	p0 =	sne.s32 s29, $0x3F;
	v29 =	vbroadcast v29, $0x0;
	v30 =	vld.idx.msk [tilespmem:v6+s15+$0x0], $0xffff;
	v24 =	vadd.f32 v28, v24;
	v21 =	vadd.f32 v26, v21  }
0x46: {  	v22 =	vadd.f32 v25, v22;
	v12 =	vadd.f32 v18, v12;
	v31 =	vld.idx.msk [tilespmem:v6+s17+$0x0], $0xffff  }
0x47: {  	v11 =	vadd.f32 v17, v11;
	v23 =	vadd.f32 v27, v23;
	v32 =	vld.idx.msk [tilespmem:v6+s19+$0x0], $0xffff;
	v6 =	vor.u32 v16, v29  }
0x48: {  	v20 =	vadd.f32 v5, v20;
	v10 =	vadd.f32 v15, v10;
	v17 =	vmul.f32 v8, v8;
	v15 =	vmovc v8  }
0x49: {  	v9 =	vadd.f32 v13, v9;
	v5 =	vmul.f32 v7, v7;
	v8 =	vmul.f32 v7, v15;
	v13 =	vmovc v7  }
.Ltmp0:
0x4a: {  	v7 =	vmul.f32 v14, v14;
	v3 =	vadd.f32 v17, v3;
	(pc) =	sbr.rel @p0 .LBB2_3-.Ltmp0, $4  }
0x4b: {  	v26 =	vmul.f32 v30, v30;
	v25 =	vmul.f32 v30, v14;
	v4 =	vadd.f32 v8, v4  }
0x4c: {  	v19 =	vadd.f32 v7, v19;
	v28 =	vmul.f32 v31, v31;
	v18 =	vmul.f32 v31, v14;
	v8 =	vld.idx.msk [tilespmem:v6+s21+$0x0], $0xffff  }
0x4d: {  	v14 =	vmov s29;
	v17 =	vmul.f32 v31, v30;
	v27 =	vmul.f32 v32, v32;
	v7 =	vld.idx.msk [tilespmem:v6+s23+$0x0], $0xffff  }
0x4e: {  	s29 =	sadd.s32 $0x1, s29;
	v29 =	vand.u32 $0x3F, v14;
	v15 =	vmul.f32 v15, v32;
	v13 =	vmul.f32 v13, v32;
	v14 =	vld.idx.msk [tilespmem:v6+s14+$0x0], $0xffff  }
0x4f: {  	v29 =	vbroadcast v29, $0x0;
	_ =	sdelay $0x1  }
0x50: {  	v16 =	vor.u32 v16, v29;
	_ =	sdelay $0x1  }
0x51: {  	v30 =	vld.idx.msk [tilespmem:v6+s17+$0x0], $0xffff  }
0x52: {  	v33 =	vld.idx.msk [tilespmem:v6+s19+$0x0], $0xffff;
	v24 =	vadd.f32 v28, v24;
	v21 =	vadd.f32 v26, v21  }
0x53: {  	v22 =	vadd.f32 v25, v22;
	v23 =	vadd.f32 v27, v23;
	v57 =	vld.idx.msk [tilespmem:v6+s15+$0x0], $0xffff  }
0x54: {  	v20 =	vadd.f32 v5, v20;
	v12 =	vadd.f32 v18, v12;
	v29 =	vld.idx.msk [tilespmem:v16+s14+$0x0], $0xffff  }
0x55: {  	v11 =	vadd.f32 v17, v11;
	v10 =	vadd.f32 v15, v10;
	v27 =	vmul.f32 v8, v8;
	v32 =	vld.idx.msk [tilespmem:v16+s17+$0x0], $0xffff  }
0x56: {  	v9 =	vadd.f32 v13, v9;
	v53 =	vmul.f32 v7, v7;
	v40 =	vmul.f32 v7, v8;
	v26 =	vld.idx.msk [tilespmem:v16+s19+$0x0], $0xffff  }
0x57: {  	v31 =	vmul.f32 v14, v14;
	v3 =	vadd.f32 v27, v3;
	v47 =	vmul.f32 v30, v30;
	v28 =	vld.idx.msk [tilespmem:v16+s23+$0x0], $0xffff  }
0x58: {  	v49 =	vmul.f32 v33, v33;
	v20 =	vadd.f32 v53, v20;
	v45 =	vmul.f32 v57, v14  }
0x59: {  	v6 =	vmul.f32 v57, v57;
	v19 =	vadd.f32 v31, v19;
	v46 =	vmul.f32 v29, v29  }
0x5a: {  	v4 =	vadd.f32 v40, v4;
	v53 =	vmul.f32 v7, v33;
	v24 =	vadd.f32 v47, v24  }
0x5b: {  	v47 =	vmul.f32 v30, v57;
	v48 =	vmul.f32 v32, v32;
	v19 =	vadd.f32 v46, v19  }
0x5c: {  	v23 =	vadd.f32 v49, v23;
	v51 =	vmul.f32 v26, v26;
	v56 =	vmul.f32 v28, v28  }
0x5d: {  	v5 =	vadd.f32 v48, v24;
	v34 =	vshra.s32 v19, $0x1;
	v35 =	vmul.f32 $5.000000000e-01, v19  }
0x5e: {  	v23 =	vadd.f32 v51, v23;
	v20 =	vadd.f32 v56, v20;
	v50 =	vsub.s32 $0x5F3759DF, v34  }
0x5f: {  	v36 =	vshra.s32 v5, $0x1;
	v37 =	vmul.f32 $5.000000000e-01, v5;
	v52 =	vmul.f32 v50, v35  }
0x60: {  	v38 =	vshra.s32 v23, $0x1;
	v39 =	vmul.f32 $5.000000000e-01, v23;
	v55 =	vsub.s32 $0x5F3759DF, v36  }
0x61: {  	v59 =	vsub.s32 $0x5F3759DF, v38;
	v36 =	vmul.f32 v55, v37;
	v54 =	vmul.f32 v50, v52  }
0x62: {  	v63 =	vshra.s32 v20, $0x1;
	v38 =	vmul.f32 $5.000000000e-01, v20;
	v61 =	vmul.f32 v59, v39  }
0x63: {  	v34 =	vsub.s32 $0x5F3759DF, v63;
	v58 =	vmul.f32 v55, v36;
	v25 =	vsub.f32 $1.500000000e+00, v54  }
0x64: {  	v6 =	vadd.f32 v6, v21;
	v44 =	vmul.f32 v34, v38;
	v24 =	vmul.f32 v59, v61  }
0x65: {  	v22 =	vadd.f32 v45, v22;
	v62 =	vsub.f32 $1.500000000e+00, v58;
	v60 =	vmul.f32 v50, v25  }
0x66: {  	v46 =	vmul.f32 v30, v14;
	v24 =	vsub.f32 $1.500000000e+00, v24;
	v54 =	vld.idx.msk [tilespmem:v16+s21+$0x0], $0xffff;
	v25 =	vmul.f32 v34, v44  }
0x67: {  	v7 =	vadd.f32 v53, v9;
	v43 =	vmul.f32 v55, v62;
	v49 =	vmul.f32 v60, v35  }
0x68: {  	v48 =	vmul.f32 v59, v24;
	v50 =	vmul.f32 v8, v33;
	v25 =	vsub.f32 $1.500000000e+00, v25  }
0x69: {  	v11 =	vadd.f32 v47, v11;
	v16 =	vld.idx.msk [tilespmem:v16+s15+$0x0], $0xffff;
	v51 =	vmul.f32 v43, v37;
	v24 =	vmul.f32 v49, v60  }
0x6a: {  	v12 =	vadd.f32 v46, v12;
	v52 =	vmul.f32 v48, v39;
	v25 =	vmul.f32 v34, v25  }
0x6b: {  	v62 =	vmul.f32 v54, v54;
	v63 =	vmul.f32 v28, v54;
	v24 =	vsub.f32 $1.500000000e+00, v24  }
0x6c: {  	vm0 =	vgt.f32 v19, $1.000000000e+00;
	v27 =	vmul.f32 v51, v43;
	v56 =	vmul.f32 v25, v38  }
0x6d: {  	vm12 =	vgt.f32 v5, $1.000000000e+00;
	v55 =	vmul.f32 v52, v48;
	v18 =	vmul.f32 v24, v60  }
0x6e: {  	v31 =	vmul.f32 v16, v29;
	v57 =	vsub.f32 $1.500000000e+00, v27;
	v59 =	vmul.f32 v56, v25  }
0x6f: {  	v36 =	vmul.f32 v32, v16;
	v58 =	vsub.f32 $1.500000000e+00, v55;
	v61 =	vmul.f32 v18, v35  }
0x70: {  	v16 =	vmul.f32 v16, v16;
	v60 =	vmul.f32 v57, v43;
	v21 =	vsub.f32 $1.500000000e+00, v59  }
0x71: {  	vm13 =	vgt.f32 v23, $1.000000000e+00;
	v13 =	vmul.f32 v58, v48;
	v17 =	vmul.f32 v61, v18  }
0x72: {  	vm1 =	vgt.f32 v20, $1.000000000e+00;
	v35 =	vmul.f32 v60, v37;
	v30 =	vmul.f32 v21, v25  }
0x73: {  	v34 =	vmul.f32 v32, v29;
	v41 =	vmul.f32 v13, v39;
	v17 =	vsub.f32 $1.500000000e+00, v17  }
0x74: {  	v8 =	vadd.f32 v50, v10;
	v40 =	vmul.f32 v35, v60;
	v42 =	vmul.f32 v30, v38  }
0x75: {  	v3 =	vadd.f32 v62, v3;
	v4 =	vadd.f32 v63, v4;
	v37 =	vmul.f32 v17, v18  }
0x76: {  	v17 =	vsub.f32 $1.500000000e+00, v40;
	v18 =	vmul.f32 v41, v13;
	v25 =	vmul.f32 v42, v30  }
0x77: {  	v12 =	vadd.f32 v34, v12;
	v43 =	vmul.f32 v54, v26;
	v10 =	vnsel vm0, $0x3F800000, v37  }
0x78: {  	v15 =	vmul.f32 v17, v60;
	v45 =	vsub.f32 $1.500000000e+00, v18;
	v46 =	vsub.f32 $1.500000000e+00, v25  }
0x79: {  	v26 =	vmul.f32 v28, v26;
	v8 =	vadd.f32 v43, v8;
	v44 =	vmul.f32 v10, v10  }
0x7a: {  	v15 =	vnsel vm12, $0x3F800000, v15;
	v13 =	vmul.f32 v45, v13;
	v9 =	vmul.f32 v46, v30  }
0x7b: {  	v21 =	vadd.f32 v31, v22;
	v19 =	vmul.f32 v44, v19;
	v47 =	vmul.f32 v15, v15  }
0x7c: {  	v48 =	vmul.f32 v15, v10;
	v13 =	vnsel vm13, $0x3F800000, v13;
	v9 =	vnsel vm1, $0x3F800000, v9  }
0x7d: {  	v7 =	vadd.f32 v26, v7;
	v10 =	vmul.f32 v10, v21;
	v49 =	vmul.f32 v9, v13  }
0x7e: {  	v11 =	vadd.f32 v36, v11;
	v12 =	vmul.f32 v48, v12;
	v50 =	vmul.f32 v13, v13  }
0x7f: {  	v6 =	vadd.f32 v16, v6;
	v8 =	vmul.f32 v13, v8;
	v7 =	vmul.f32 v49, v7  }
0x80: {  	v11 =	vmul.f32 v15, v11;
	v52 =	vmul.f32 v9, v9;
	v10 =	vsub.f32 v10, v12  }
0x81: {  	v4 =	vmul.f32 v9, v4;
	v51 =	vmul.f32 v50, v23;
	v7 =	vsub.f32 v8, v7  }
0x82: {  	v6 =	vadd.f32 v19, v6;
	v5 =	vmul.f32 v47, v5;
	v53 =	vsub.f32 v10, v11  }
0x83: {  	v54 =	vmul.f32 v52, v20;
	v3 =	vadd.f32 v51, v3;
	v4 =	vsub.f32 v7, v4  }
0x84: {  	v5 =	vadd.f32 v5, v6;
	v55 =	vadd.f32 v53, v53  }
0x85: {  	v3 =	vadd.f32 v54, v3;
	v4 =	vadd.f32 v4, v4  }
0x86: {  	v5 =	vadd.f32 v55, v5  }
0x87: {  	v3 =	vadd.f32 v4, v3  }
0x88: {  	v56 =	vmax.f32 v5, $0.0e+00  }
0x89: {  	v5 =	vshra.s32 v56, $0x1;
	v3 =	vmax.f32 v3, $0.0e+00  }
0x8a: {  	v57 =	vmul.f32 $5.000000000e-01, v56;
	v58 =	vshra.s32 v3, $0x1;
	v59 =	vmul.f32 $5.000000000e-01, v3  }
0x8b: {  	v5 =	vsub.s32 $0x5F3759DF, v5;
	v7 =	vsub.s32 $0x5F3759DF, v58  }
0x8c: {  	v60 =	vmul.f32 v5, v57;
	v61 =	vmul.f32 v7, v59;
	_ =	sdelay $0x1  }
0x8d: {  	v9 =	vmul.f32 v5, v60;
	v10 =	vmul.f32 v7, v61;
	_ =	sdelay $0x1  }
0x8e: {  	v9 =	vsub.f32 $1.500000000e+00, v9;
	v10 =	vsub.f32 $1.500000000e+00, v10;
	_ =	sdelay $0x1  }
0x8f: {  	v5 =	vmul.f32 v5, v9;
	v7 =	vmul.f32 v7, v10;
	_ =	sdelay $0x1  }
0x90: {  	v9 =	vmul.f32 v5, v57;
	v10 =	vmul.f32 v7, v59;
	_ =	sdelay $0x1  }
0x91: {  	v9 =	vmul.f32 v9, v5;
	v10 =	vmul.f32 v10, v7;
	_ =	sdelay $0x1  }
0x92: {  	v9 =	vsub.f32 $1.500000000e+00, v9;
	v10 =	vsub.f32 $1.500000000e+00, v10;
	_ =	sdelay $0x1  }
0x93: {  	v5 =	vmul.f32 v9, v5;
	v7 =	vmul.f32 v10, v7;
	_ =	sdelay $0x1  }
0x94: {  	v6 =	vmul.f32 v5, v57;
	v8 =	vmul.f32 v7, v59;
	_ =	sdelay $0x1  }
0x95: {  	v6 =	vmul.f32 v6, v5;
	v8 =	vmul.f32 v8, v7;
	_ =	sdelay $0x1  }
0x96: {  	v6 =	vsub.f32 $1.500000000e+00, v6;
	v8 =	vsub.f32 $1.500000000e+00, v8;
	_ =	sdelay $0x1  }
0x97: {  	v5 =	vmul.f32 v6, v5;
	v62 =	vmul.f32 v8, v7;
	_ =	sdelay $0x1  }
0x98: {  	v5 =	vmul.f32 v5, v56;
	v6 =	vmul.f32 v62, v3  }
0x99: {  	vm14 =	vgt.f32 v56, $0.0e+00;
	vm15 =	vgt.f32 v3, $0.0e+00  }
0x9a: {  	s28 =	sadd.s32 $0x1, s28;
	v3 =	vnsel vm14, $0x0, v5;
	v63 =	vnsel vm15, $0x0, v6  }
0x9b: {  	p0 =	sne.s32 s28, $0x8;
	v3 =	vsub.f32 v3, v63  }
.Ltmp1:
0x9c: {  	_ = 	snop;
	(pc) =	sbr.rel @p0 .LBB2_2-.Ltmp1, $3  }
0x9d: {  	v3 =	vadd.f32 $1.000000000e+00, v3;
	_ =	sdelay $0x1  }
0x9e: {  	v3 =	vmax.f32 v3, $0.0e+00  }
0x9f: {  	v1 =	vadd.f32 v3, v1  }
0xa0: {  	s28 =	simm.s32 $0x0  }
0xa1: {  	[tilespmem:s28], [sflag:$0x2] =	stream.strided.gather [hbm4b:s6+s11], $0x300, s12, s11, $0x38;
	[tilespmem:$0xC310] =	vst v63  }
0xa2: {  	_ =	swait.ge [sflag:s13], $0x300  }
0xa3: {  	[sflag:s13] =	ssyncset.done $0x0  }
0xa4: {  	[sflag:s13] =	ssyncadd.s32 $0xFFFFFD00  }
0xa5: {  	[tilespmem:s14], [sflag:$0x1] =	stream.indirect.gather [hbm4b:s3+s11], $0x40, s28, s11, $0xb8;
	[tilespmem:$0xC310] =	vst v63  }
0xa6: {  	_ = 	snop  }
0xa7: {  	[tilespmem:s15], [sflag:$0x1] =	stream.indirect.gather [hbm4b:s4+s11], $0x40, s11, s11, $0xb8;
	[tilespmem:$0xC310] =	vst v63  }
0xa8: {  	_ = 	snop  }
0xa9: {  	[tilespmem:s17], [sflag:$0x1] =	stream.indirect.gather [hbm4b:s3+s11], $0x40, s16, s11, $0xb8;
	[tilespmem:$0xC310] =	vst v63  }
0xaa: {  	_ = 	snop  }
0xab: {  	[tilespmem:s19], [sflag:$0x1] =	stream.indirect.gather [hbm4b:s3+s11], $0x40, s18, s11, $0xb8;
	[tilespmem:$0xC310] =	vst v63  }
0xac: {  	_ = 	snop  }
0xad: {  	[tilespmem:s21], [sflag:$0x1] =	stream.indirect.gather [hbm4b:s4+s11], $0x40, s20, s11, $0xb8;
	[tilespmem:$0xC310] =	vst v63  }
0xae: {  	_ = 	snop  }
0xaf: {  	[tilespmem:s23], [sflag:$0x1] =	stream.indirect.gather [hbm4b:s3+s11], $0x40, s22, s11, $0xb8;
	[tilespmem:$0xC310] =	vst v63  }
0xb0: {  	_ =	swait.ge [sflag:s24], $0x2000  }
0xb1: {  	[sflag:s24] =	ssyncset.done $0x0  }
0xb2: {  	[sflag:s24] =	ssyncadd.s32 $0xFFFFE000  }
0xb3: {  	_ =	swait.ge [sflag:s24], $0x2000  }
0xb4: {  	[sflag:s24] =	ssyncset.done $0x0  }
0xb5: {  	[sflag:s24] =	ssyncadd.s32 $0xFFFFE000  }
0xb6: {  	_ =	swait.ge [sflag:s24], $0x2000  }
0xb7: {  	[sflag:s24] =	ssyncset.done $0x0  }
0xb8: {  	[sflag:s24] =	ssyncadd.s32 $0xFFFFE000  }
0xb9: {  	_ =	swait.ge [sflag:s24], $0x2000  }
0xba: {  	[sflag:s24] =	ssyncset.done $0x0  }
0xbb: {  	[sflag:s24] =	ssyncadd.s32 $0xFFFFE000  }
0xbc: {  	_ =	swait.ge [sflag:s24], $0x2000  }
0xbd: {  	[sflag:s24] =	ssyncset.done $0x0  }
0xbe: {  	[sflag:s24] =	ssyncadd.s32 $0xFFFFE000  }
0xbf: {  	_ =	swait.ge [sflag:s24], $0x2000  }
0xc0: {  	[sflag:s24] =	ssyncset.done $0x0  }
0xc1: {  	s29 =	simm.s32 $0x0;
	[sflag:s24] =	ssyncadd.s32 $0xFFFFE000  }
.LBB2_6:
0xc2: {  	s30 =	sshll.u32 s29, $0x4;
	v2 =	vmov s28  }
0xc3: {  	v3 =	vmov s30;
	v2 =	vand.u32 $0x3F, v2  }
0xc4: {  	v3 =	vshll.u32 v3, $0x6;
	v2 =	vbroadcast v2, $0x0  }
0xc5: {  	v15 =	vor.u32 v0, v3  }
0xc6: {  	v2 =	vor.u32 v15, v2;
	_ =	sdelay $0x4  }
0xc7: {  	v6 =	vld.idx.msk [tilespmem:v2+s21+$0x0], $0xffff  }
0xc8: {  	v8 =	vld.idx.msk [tilespmem:v2+s23+$0x0], $0xffff  }
0xc9: {  	s30 =	simm.s32 $0x1;
	v7 =	vld.idx.msk [tilespmem:v2+s14+$0x0], $0xffff  }
0xca: {  	v3 =	vmov s30;
	v9 =	vld.idx.msk [tilespmem:v2+s15+$0x0], $0xffff  }
0xcb: {  	v3 =	vand.u32 $0x3F, v3;
	v10 =	vld.idx.msk [tilespmem:v2+s17+$0x0], $0xffff  }
0xcc: {  	v3 =	vbroadcast v3, $0x0  }
0xcd: {  	v17 =	vimm.f32 $0.0e+00;
	v21 =	vimm.f32 $0.0e+00;
	v11 =	vld.idx.msk [tilespmem:v2+s19+$0x0], $0xffff;
	v2 =	vmul.f32 v6, v6  }
0xce: {  	v5 =	vor.u32 v15, v3;
	v4 =	vmul.f32 v8, v8;
	v3 =	vmul.f32 v8, v6  }
0xcf: {  	v22 =	vimm.f32 $0.0e+00;
	v12 =	vmul.f32 v7, v7;
	v25 =	vmul.f32 v9, v9  }
0xd0: {  	v23 =	vimm.f32 $0.0e+00;
	v24 =	vmul.f32 v9, v7;
	v27 =	vmul.f32 v10, v10  }
0xd1: {  	v20 =	vimm.f32 $0.0e+00;
	s30 =	simm.s32 $0x2;
	v18 =	vmul.f32 v10, v7;
	v16 =	vmul.f32 v10, v9  }
0xd2: {  	v7 =	vmov s30;
	v26 =	vmul.f32 v11, v11;
	v14 =	vmul.f32 v6, v11  }
0xd3: {  	v13 =	vmul.f32 v8, v11;
	v6 =	vld.idx.msk [tilespmem:v5+s23+$0x0], $0xffff;
	v11 =	vimm.f32 $0.0e+00;
	v10 =	vimm.f32 $0.0e+00  }
0xd4: {  	v9 =	vimm.f32 $0.0e+00;
	v28 =	vand.u32 $0x3F, v7;
	v7 =	vld.idx.msk [tilespmem:v5+s21+$0x0], $0xffff;
	v2 =	vadd.f32 v2, v17  }
0xd5: {  	s30 =	simm.s32 $0x3;
	v8 =	vimm.f32 $0.0e+00;
	v3 =	vadd.f32 v3, v17;
	v19 =	vadd.f32 v12, v17;
	v12 =	vld.idx.msk [tilespmem:v5+s14+$0x0], $0xffff  }
.LBB2_7:
0xd6: {  	p0 =	sne.s32 s30, $0x3F;
	v28 =	vbroadcast v28, $0x0;
	v29 =	vld.idx.msk [tilespmem:v5+s15+$0x0], $0xffff;
	v17 =	vadd.f32 v27, v17;
	v21 =	vadd.f32 v25, v21  }
0xd7: {  	v22 =	vadd.f32 v24, v22;
	v11 =	vadd.f32 v18, v11;
	v30 =	vld.idx.msk [tilespmem:v5+s17+$0x0], $0xffff  }
0xd8: {  	v10 =	vadd.f32 v16, v10;
	v23 =	vadd.f32 v26, v23;
	v31 =	vld.idx.msk [tilespmem:v5+s19+$0x0], $0xffff;
	v5 =	vor.u32 v15, v28  }
0xd9: {  	v20 =	vadd.f32 v4, v20;
	v9 =	vadd.f32 v14, v9;
	v16 =	vmul.f32 v7, v7;
	v14 =	vmovc v7  }
0xda: {  	v8 =	vadd.f32 v13, v8;
	v4 =	vmul.f32 v6, v6;
	v7 =	vmul.f32 v6, v14;
	v13 =	vmovc v6  }
.Ltmp2:
0xdb: {  	v6 =	vmul.f32 v12, v12;
	v2 =	vadd.f32 v16, v2;
	(pc) =	sbr.rel @p0 .LBB2_7-.Ltmp2, $4  }
0xdc: {  	v25 =	vmul.f32 v29, v29;
	v24 =	vmul.f32 v29, v12;
	v3 =	vadd.f32 v7, v3  }
0xdd: {  	v19 =	vadd.f32 v6, v19;
	v27 =	vmul.f32 v30, v30;
	v18 =	vmul.f32 v30, v12;
	v7 =	vld.idx.msk [tilespmem:v5+s21+$0x0], $0xffff  }
0xde: {  	v12 =	vmov s30;
	v16 =	vmul.f32 v30, v29;
	v26 =	vmul.f32 v31, v31;
	v6 =	vld.idx.msk [tilespmem:v5+s23+$0x0], $0xffff  }
0xdf: {  	s30 =	sadd.s32 $0x1, s30;
	v28 =	vand.u32 $0x3F, v12;
	v14 =	vmul.f32 v14, v31;
	v13 =	vmul.f32 v13, v31;
	v12 =	vld.idx.msk [tilespmem:v5+s14+$0x0], $0xffff  }
0xe0: {  	v28 =	vbroadcast v28, $0x0;
	_ =	sdelay $0x1  }
0xe1: {  	v15 =	vor.u32 v15, v28;
	_ =	sdelay $0x1  }
0xe2: {  	v29 =	vld.idx.msk [tilespmem:v5+s17+$0x0], $0xffff  }
0xe3: {  	v32 =	vld.idx.msk [tilespmem:v5+s19+$0x0], $0xffff;
	v17 =	vadd.f32 v27, v17;
	v21 =	vadd.f32 v25, v21  }
0xe4: {  	v22 =	vadd.f32 v24, v22;
	v23 =	vadd.f32 v26, v23;
	v60 =	vld.idx.msk [tilespmem:v5+s15+$0x0], $0xffff  }
0xe5: {  	v20 =	vadd.f32 v4, v20;
	v11 =	vadd.f32 v18, v11;
	v28 =	vld.idx.msk [tilespmem:v15+s14+$0x0], $0xffff  }
0xe6: {  	v10 =	vadd.f32 v16, v10;
	v9 =	vadd.f32 v14, v9;
	v26 =	vmul.f32 v7, v7;
	v31 =	vld.idx.msk [tilespmem:v15+s17+$0x0], $0xffff  }
0xe7: {  	v8 =	vadd.f32 v13, v8;
	v56 =	vmul.f32 v6, v6;
	v39 =	vmul.f32 v6, v7;
	v25 =	vld.idx.msk [tilespmem:v15+s19+$0x0], $0xffff  }
0xe8: {  	v30 =	vmul.f32 v12, v12;
	v2 =	vadd.f32 v26, v2;
	v50 =	vmul.f32 v29, v29;
	v27 =	vld.idx.msk [tilespmem:v15+s23+$0x0], $0xffff  }
0xe9: {  	v52 =	vmul.f32 v32, v32;
	v20 =	vadd.f32 v56, v20;
	v46 =	vmul.f32 v60, v12  }
0xea: {  	v47 =	vmul.f32 v29, v12;
	v19 =	vadd.f32 v30, v19;
	v49 =	vmul.f32 v28, v28  }
0xeb: {  	v48 =	vmul.f32 v29, v60;
	v5 =	vmul.f32 v60, v60;
	v3 =	vadd.f32 v39, v3  }
0xec: {  	v17 =	vadd.f32 v50, v17;
	v51 =	vmul.f32 v31, v31;
	v19 =	vadd.f32 v49, v19  }
0xed: {  	v23 =	vadd.f32 v52, v23;
	v54 =	vmul.f32 v25, v25;
	v59 =	vmul.f32 v27, v27  }
0xee: {  	v4 =	vadd.f32 v51, v17;
	v33 =	vshra.s32 v19, $0x1;
	v34 =	vmul.f32 $5.000000000e-01, v19  }
0xef: {  	v5 =	vadd.f32 v5, v21;
	v23 =	vadd.f32 v54, v23;
	v53 =	vsub.s32 $0x5F3759DF, v33  }
0xf0: {  	v20 =	vadd.f32 v59, v20;
	v35 =	vshra.s32 v4, $0x1;
	v55 =	vmul.f32 v53, v34  }
0xf1: {  	v36 =	vmul.f32 $5.000000000e-01, v4;
	v37 =	vshra.s32 v23, $0x1;
	v38 =	vmul.f32 $5.000000000e-01, v23  }
0xf2: {  	v43 =	vshra.s32 v20, $0x1;
	v58 =	vsub.s32 $0x5F3759DF, v35;
	v57 =	vmul.f32 v53, v55  }
0xf3: {  	v62 =	vsub.s32 $0x5F3759DF, v37;
	v37 =	vmul.f32 $5.000000000e-01, v20;
	v35 =	vmul.f32 v58, v36  }
0xf4: {  	v33 =	vsub.s32 $0x5F3759DF, v43;
	v63 =	vmul.f32 v62, v38;
	v24 =	vsub.f32 $1.500000000e+00, v57  }
0xf5: {  	v22 =	vadd.f32 v46, v22;
	v45 =	vmul.f32 v33, v37;
	v61 =	vmul.f32 v58, v35  }
0xf6: {  	v11 =	vadd.f32 v47, v11;
	v18 =	vmul.f32 v62, v63;
	v17 =	vmul.f32 v53, v24  }
0xf7: {  	v10 =	vadd.f32 v48, v10;
	v42 =	vsub.f32 $1.500000000e+00, v61;
	v24 =	vmul.f32 v33, v45  }
0xf8: {  	v51 =	vmul.f32 v7, v32;
	v18 =	vsub.f32 $1.500000000e+00, v18;
	v50 =	vmul.f32 v17, v34  }
0xf9: {  	v54 =	vmul.f32 v6, v32;
	v44 =	vmul.f32 v58, v42;
	v24 =	vsub.f32 $1.500000000e+00, v24  }
0xfa: {  	v7 =	vadd.f32 v51, v9;
	v55 =	vld.idx.msk [tilespmem:v15+s21+$0x0], $0xffff;
	v49 =	vmul.f32 v62, v18;
	v18 =	vmul.f32 v50, v17  }
0xfb: {  	v6 =	vadd.f32 v54, v8;
	v52 =	vmul.f32 v44, v36;
	v24 =	vmul.f32 v33, v24  }
0xfc: {  	v15 =	vld.idx.msk [tilespmem:v15+s15+$0x0], $0xffff;
	v35 =	vmul.f32 v31, v28;
	v53 =	vmul.f32 v49, v38;
	v18 =	vsub.f32 $1.500000000e+00, v18  }
0xfd: {  	vm0 =	vgt.f32 v19, $1.000000000e+00;
	v26 =	vmul.f32 v52, v44;
	v57 =	vmul.f32 v24, v37  }
0xfe: {  	vm12 =	vgt.f32 v4, $1.000000000e+00;
	v56 =	vmul.f32 v53, v49;
	v17 =	vmul.f32 v18, v17  }
0xff: {  	v63 =	vmul.f32 v55, v55;
	v58 =	vsub.f32 $1.500000000e+00, v26;
	v60 =	vmul.f32 v57, v24  }
0x100: {  	v30 =	vmul.f32 v27, v55;
	v59 =	vsub.f32 $1.500000000e+00, v56;
	v62 =	vmul.f32 v17, v34  }
0x101: {  	v40 =	vmul.f32 v31, v15;
	v61 =	vmul.f32 v58, v44;
	v29 =	vsub.f32 $1.500000000e+00, v60  }
0x102: {  	vm13 =	vgt.f32 v23, $1.000000000e+00;
	v12 =	vmul.f32 v59, v49;
	v16 =	vmul.f32 v62, v17  }
0x103: {  	vm1 =	vgt.f32 v20, $1.000000000e+00;
	v39 =	vmul.f32 v61, v36;
	v33 =	vmul.f32 v29, v24  }
0x104: {  	v45 =	vmul.f32 v55, v25;
	v43 =	vmul.f32 v12, v38;
	v16 =	vsub.f32 $1.500000000e+00, v16  }
0x105: {  	v11 =	vadd.f32 v35, v11;
	v42 =	vmul.f32 v39, v61;
	v44 =	vmul.f32 v33, v37  }
0x106: {  	v25 =	vmul.f32 v27, v25;
	v2 =	vadd.f32 v63, v2;
	v41 =	vmul.f32 v16, v17  }
0x107: {  	v16 =	vsub.f32 $1.500000000e+00, v42;
	v17 =	vmul.f32 v43, v12;
	v24 =	vmul.f32 v44, v33  }
0x108: {  	v3 =	vadd.f32 v30, v3;
	v34 =	vmul.f32 v15, v28;
	v9 =	vnsel vm0, $0x3F800000, v41  }
0x109: {  	v14 =	vmul.f32 v16, v61;
	v47 =	vsub.f32 $1.500000000e+00, v17;
	v48 =	vsub.f32 $1.500000000e+00, v24  }
0x10a: {  	v7 =	vadd.f32 v45, v7;
	v15 =	vmul.f32 v15, v15;
	v46 =	vmul.f32 v9, v9  }
0x10b: {  	v14 =	vnsel vm12, $0x3F800000, v14;
	v12 =	vmul.f32 v47, v12;
	v8 =	vmul.f32 v48, v33  }
0x10c: {  	v18 =	vadd.f32 v34, v22;
	v19 =	vmul.f32 v46, v19;
	v49 =	vmul.f32 v14, v14  }
0x10d: {  	v50 =	vmul.f32 v14, v9;
	v12 =	vnsel vm13, $0x3F800000, v12;
	v8 =	vnsel vm1, $0x3F800000, v8  }
0x10e: {  	v6 =	vadd.f32 v25, v6;
	v9 =	vmul.f32 v9, v18;
	v51 =	vmul.f32 v8, v12  }
0x10f: {  	v10 =	vadd.f32 v40, v10;
	v11 =	vmul.f32 v50, v11;
	v52 =	vmul.f32 v12, v12  }
0x110: {  	v5 =	vadd.f32 v15, v5;
	v7 =	vmul.f32 v12, v7;
	v6 =	vmul.f32 v51, v6  }
0x111: {  	v10 =	vmul.f32 v14, v10;
	v54 =	vmul.f32 v8, v8;
	v9 =	vsub.f32 v9, v11  }
0x112: {  	v3 =	vmul.f32 v8, v3;
	v53 =	vmul.f32 v52, v23;
	v6 =	vsub.f32 v7, v6  }
0x113: {  	v5 =	vadd.f32 v19, v5;
	v4 =	vmul.f32 v49, v4;
	v55 =	vsub.f32 v9, v10  }
0x114: {  	v56 =	vmul.f32 v54, v20;
	v2 =	vadd.f32 v53, v2;
	v3 =	vsub.f32 v6, v3  }
0x115: {  	v4 =	vadd.f32 v4, v5;
	v57 =	vadd.f32 v55, v55  }
0x116: {  	v2 =	vadd.f32 v56, v2;
	v3 =	vadd.f32 v3, v3  }
0x117: {  	v4 =	vadd.f32 v57, v4  }
0x118: {  	v2 =	vadd.f32 v3, v2  }
0x119: {  	v3 =	vmax.f32 v4, $0.0e+00  }
0x11a: {  	v4 =	vshra.s32 v3, $0x1;
	v2 =	vmax.f32 v2, $0.0e+00  }
0x11b: {  	v58 =	vmul.f32 $5.000000000e-01, v3;
	v59 =	vshra.s32 v2, $0x1;
	v60 =	vmul.f32 $5.000000000e-01, v2  }
0x11c: {  	v4 =	vsub.s32 $0x5F3759DF, v4;
	v6 =	vsub.s32 $0x5F3759DF, v59  }
0x11d: {  	v61 =	vmul.f32 v4, v58;
	v62 =	vmul.f32 v6, v60;
	_ =	sdelay $0x1  }
0x11e: {  	v8 =	vmul.f32 v4, v61;
	v9 =	vmul.f32 v6, v62;
	_ =	sdelay $0x1  }
0x11f: {  	v8 =	vsub.f32 $1.500000000e+00, v8;
	v9 =	vsub.f32 $1.500000000e+00, v9;
	_ =	sdelay $0x1  }
0x120: {  	v4 =	vmul.f32 v4, v8;
	v6 =	vmul.f32 v6, v9;
	_ =	sdelay $0x1  }
0x121: {  	v8 =	vmul.f32 v4, v58;
	v9 =	vmul.f32 v6, v60;
	_ =	sdelay $0x1  }
0x122: {  	v8 =	vmul.f32 v8, v4;
	v9 =	vmul.f32 v9, v6;
	_ =	sdelay $0x1  }
0x123: {  	v8 =	vsub.f32 $1.500000000e+00, v8;
	v9 =	vsub.f32 $1.500000000e+00, v9;
	_ =	sdelay $0x1  }
0x124: {  	v4 =	vmul.f32 v8, v4;
	v6 =	vmul.f32 v9, v6;
	_ =	sdelay $0x1  }
0x125: {  	v5 =	vmul.f32 v4, v58;
	v7 =	vmul.f32 v6, v60;
	_ =	sdelay $0x1  }
0x126: {  	v5 =	vmul.f32 v5, v4;
	v7 =	vmul.f32 v7, v6;
	_ =	sdelay $0x1  }
0x127: {  	v5 =	vsub.f32 $1.500000000e+00, v5;
	v7 =	vsub.f32 $1.500000000e+00, v7;
	_ =	sdelay $0x1  }
0x128: {  	v4 =	vmul.f32 v5, v4;
	v63 =	vmul.f32 v7, v6;
	_ =	sdelay $0x1  }
0x129: {  	v4 =	vmul.f32 v4, v3;
	v5 =	vmul.f32 v63, v2  }
0x12a: {  	vm14 =	vgt.f32 v3, $0.0e+00;
	vm15 =	vgt.f32 v2, $0.0e+00  }
0x12b: {  	s29 =	sadd.s32 $0x1, s29;
	v2 =	vnsel vm14, $0x0, v4;
	v3 =	vnsel vm15, $0x0, v5  }
0x12c: {  	p0 =	sne.s32 s29, $0x8;
	v2 =	vsub.f32 v2, v3  }
.Ltmp3:
0x12d: {  	_ = 	snop;
	(pc) =	sbr.rel @p0 .LBB2_6-.Ltmp3, $3  }
0x12e: {  	v2 =	vadd.f32 $1.000000000e+00, v2;
	_ =	sdelay $0x1  }
0x12f: {  	v2 =	vmax.f32 v2, $0.0e+00  }
0x130: {  	v1 =	vadd.f32 v2, v1  }
0x131: {  	s28 =	simm.s32 $0x0  }
0x132: {  	[tilespmem:s28], [sflag:$0x2] =	stream.strided.gather [hbm4b:s7+s11], $0x300, s12, s11, $0x38;
	[tilespmem:$0xC310] =	vst v63  }
0x133: {  	_ =	swait.ge [sflag:s13], $0x300  }
0x134: {  	[sflag:s13] =	ssyncset.done $0x0  }
0x135: {  	[sflag:s13] =	ssyncadd.s32 $0xFFFFFD00  }
0x136: {  	[tilespmem:s14], [sflag:$0x1] =	stream.indirect.gather [hbm4b:s3+s11], $0x40, s28, s11, $0xb8;
	[tilespmem:$0xC310] =	vst v63  }
0x137: {  	_ = 	snop  }
0x138: {  	[tilespmem:s15], [sflag:$0x1] =	stream.indirect.gather [hbm4b:s4+s11], $0x40, s11, s11, $0xb8;
	[tilespmem:$0xC310] =	vst v63  }
0x139: {  	_ = 	snop  }
0x13a: {  	[tilespmem:s17], [sflag:$0x1] =	stream.indirect.gather [hbm4b:s3+s11], $0x40, s16, s11, $0xb8;
	[tilespmem:$0xC310] =	vst v63  }
0x13b: {  	_ = 	snop  }
0x13c: {  	[tilespmem:s19], [sflag:$0x1] =	stream.indirect.gather [hbm4b:s3+s11], $0x40, s18, s11, $0xb8;
	[tilespmem:$0xC310] =	vst v63  }
0x13d: {  	_ = 	snop  }
0x13e: {  	[tilespmem:s21], [sflag:$0x1] =	stream.indirect.gather [hbm4b:s4+s11], $0x40, s20, s11, $0xb8;
	[tilespmem:$0xC310] =	vst v63  }
0x13f: {  	_ = 	snop  }
0x140: {  	[tilespmem:s23], [sflag:$0x1] =	stream.indirect.gather [hbm4b:s3+s11], $0x40, s22, s11, $0xb8;
	[tilespmem:$0xC310] =	vst v63  }
0x141: {  	_ =	swait.ge [sflag:s24], $0x2000  }
0x142: {  	[sflag:s24] =	ssyncset.done $0x0  }
0x143: {  	[sflag:s24] =	ssyncadd.s32 $0xFFFFE000  }
0x144: {  	_ =	swait.ge [sflag:s24], $0x2000  }
0x145: {  	[sflag:s24] =	ssyncset.done $0x0  }
0x146: {  	[sflag:s24] =	ssyncadd.s32 $0xFFFFE000  }
0x147: {  	_ =	swait.ge [sflag:s24], $0x2000  }
0x148: {  	[sflag:s24] =	ssyncset.done $0x0  }
0x149: {  	[sflag:s24] =	ssyncadd.s32 $0xFFFFE000  }
0x14a: {  	_ =	swait.ge [sflag:s24], $0x2000  }
0x14b: {  	[sflag:s24] =	ssyncset.done $0x0  }
0x14c: {  	[sflag:s24] =	ssyncadd.s32 $0xFFFFE000  }
0x14d: {  	_ =	swait.ge [sflag:s24], $0x2000  }
0x14e: {  	[sflag:s24] =	ssyncset.done $0x0  }
0x14f: {  	[sflag:s24] =	ssyncadd.s32 $0xFFFFE000  }
0x150: {  	_ =	swait.ge [sflag:s24], $0x2000  }
0x151: {  	[sflag:s24] =	ssyncset.done $0x0  }
0x152: {  	s29 =	simm.s32 $0x0;
	[sflag:s24] =	ssyncadd.s32 $0xFFFFE000  }
.LBB2_10:
0x153: {  	s30 =	sshll.u32 s29, $0x4;
	v2 =	vmov s28  }
0x154: {  	v3 =	vmov s30;
	v2 =	vand.u32 $0x3F, v2  }
0x155: {  	v3 =	vshll.u32 v3, $0x6;
	v2 =	vbroadcast v2, $0x0  }
0x156: {  	v15 =	vor.u32 v0, v3  }
0x157: {  	v2 =	vor.u32 v15, v2;
	_ =	sdelay $0x4  }
0x158: {  	v6 =	vld.idx.msk [tilespmem:v2+s21+$0x0], $0xffff  }
0x159: {  	v8 =	vld.idx.msk [tilespmem:v2+s23+$0x0], $0xffff  }
0x15a: {  	s30 =	simm.s32 $0x1;
	v7 =	vld.idx.msk [tilespmem:v2+s14+$0x0], $0xffff  }
0x15b: {  	v3 =	vmov s30;
	v9 =	vld.idx.msk [tilespmem:v2+s15+$0x0], $0xffff  }
0x15c: {  	v3 =	vand.u32 $0x3F, v3;
	v10 =	vld.idx.msk [tilespmem:v2+s17+$0x0], $0xffff  }
0x15d: {  	v3 =	vbroadcast v3, $0x0  }
0x15e: {  	v17 =	vimm.f32 $0.0e+00;
	v21 =	vimm.f32 $0.0e+00;
	v11 =	vld.idx.msk [tilespmem:v2+s19+$0x0], $0xffff;
	v2 =	vmul.f32 v6, v6  }
0x15f: {  	v5 =	vor.u32 v15, v3;
	v4 =	vmul.f32 v8, v8;
	v3 =	vmul.f32 v8, v6  }
0x160: {  	v22 =	vimm.f32 $0.0e+00;
	v12 =	vmul.f32 v7, v7;
	v25 =	vmul.f32 v9, v9  }
0x161: {  	v23 =	vimm.f32 $0.0e+00;
	v24 =	vmul.f32 v9, v7;
	v27 =	vmul.f32 v10, v10  }
0x162: {  	v20 =	vimm.f32 $0.0e+00;
	s30 =	simm.s32 $0x2;
	v18 =	vmul.f32 v10, v7;
	v16 =	vmul.f32 v10, v9  }
0x163: {  	v7 =	vmov s30;
	v26 =	vmul.f32 v11, v11;
	v14 =	vmul.f32 v6, v11  }
0x164: {  	v13 =	vmul.f32 v8, v11;
	v6 =	vld.idx.msk [tilespmem:v5+s23+$0x0], $0xffff;
	v11 =	vimm.f32 $0.0e+00;
	v10 =	vimm.f32 $0.0e+00  }
0x165: {  	v9 =	vimm.f32 $0.0e+00;
	v28 =	vand.u32 $0x3F, v7;
	v7 =	vld.idx.msk [tilespmem:v5+s21+$0x0], $0xffff;
	v2 =	vadd.f32 v2, v17  }
0x166: {  	s30 =	simm.s32 $0x3;
	v8 =	vimm.f32 $0.0e+00;
	v3 =	vadd.f32 v3, v17;
	v19 =	vadd.f32 v12, v17;
	v12 =	vld.idx.msk [tilespmem:v5+s14+$0x0], $0xffff  }
.LBB2_11:
0x167: {  	p0 =	sne.s32 s30, $0x3F;
	v28 =	vbroadcast v28, $0x0;
	v29 =	vld.idx.msk [tilespmem:v5+s15+$0x0], $0xffff;
	v17 =	vadd.f32 v27, v17;
	v21 =	vadd.f32 v25, v21  }
0x168: {  	v22 =	vadd.f32 v24, v22;
	v11 =	vadd.f32 v18, v11;
	v30 =	vld.idx.msk [tilespmem:v5+s17+$0x0], $0xffff  }
0x169: {  	v10 =	vadd.f32 v16, v10;
	v23 =	vadd.f32 v26, v23;
	v31 =	vld.idx.msk [tilespmem:v5+s19+$0x0], $0xffff;
	v5 =	vor.u32 v15, v28  }
0x16a: {  	v20 =	vadd.f32 v4, v20;
	v9 =	vadd.f32 v14, v9;
	v16 =	vmul.f32 v7, v7;
	v14 =	vmovc v7  }
0x16b: {  	v8 =	vadd.f32 v13, v8;
	v4 =	vmul.f32 v6, v6;
	v7 =	vmul.f32 v6, v14;
	v13 =	vmovc v6  }
.Ltmp4:
0x16c: {  	v6 =	vmul.f32 v12, v12;
	v2 =	vadd.f32 v16, v2;
	(pc) =	sbr.rel @p0 .LBB2_11-.Ltmp4, $4  }
0x16d: {  	v25 =	vmul.f32 v29, v29;
	v24 =	vmul.f32 v29, v12;
	v3 =	vadd.f32 v7, v3  }
0x16e: {  	v19 =	vadd.f32 v6, v19;
	v27 =	vmul.f32 v30, v30;
	v18 =	vmul.f32 v30, v12;
	v7 =	vld.idx.msk [tilespmem:v5+s21+$0x0], $0xffff  }
0x16f: {  	v12 =	vmov s30;
	v16 =	vmul.f32 v30, v29;
	v26 =	vmul.f32 v31, v31;
	v6 =	vld.idx.msk [tilespmem:v5+s23+$0x0], $0xffff  }
0x170: {  	s30 =	sadd.s32 $0x1, s30;
	v28 =	vand.u32 $0x3F, v12;
	v14 =	vmul.f32 v14, v31;
	v13 =	vmul.f32 v13, v31;
	v12 =	vld.idx.msk [tilespmem:v5+s14+$0x0], $0xffff  }
0x171: {  	v28 =	vbroadcast v28, $0x0;
	_ =	sdelay $0x1  }
0x172: {  	v15 =	vor.u32 v15, v28;
	_ =	sdelay $0x1  }
0x173: {  	v29 =	vld.idx.msk [tilespmem:v5+s17+$0x0], $0xffff  }
0x174: {  	v32 =	vld.idx.msk [tilespmem:v5+s19+$0x0], $0xffff;
	v17 =	vadd.f32 v27, v17;
	v21 =	vadd.f32 v25, v21  }
0x175: {  	v22 =	vadd.f32 v24, v22;
	v23 =	vadd.f32 v26, v23;
	v60 =	vld.idx.msk [tilespmem:v5+s15+$0x0], $0xffff  }
0x176: {  	v20 =	vadd.f32 v4, v20;
	v11 =	vadd.f32 v18, v11;
	v28 =	vld.idx.msk [tilespmem:v15+s14+$0x0], $0xffff  }
0x177: {  	v10 =	vadd.f32 v16, v10;
	v9 =	vadd.f32 v14, v9;
	v26 =	vmul.f32 v7, v7;
	v31 =	vld.idx.msk [tilespmem:v15+s17+$0x0], $0xffff  }
0x178: {  	v8 =	vadd.f32 v13, v8;
	v56 =	vmul.f32 v6, v6;
	v39 =	vmul.f32 v6, v7;
	v25 =	vld.idx.msk [tilespmem:v15+s19+$0x0], $0xffff  }
0x179: {  	v30 =	vmul.f32 v12, v12;
	v2 =	vadd.f32 v26, v2;
	v50 =	vmul.f32 v29, v29;
	v27 =	vld.idx.msk [tilespmem:v15+s23+$0x0], $0xffff  }
0x17a: {  	v52 =	vmul.f32 v32, v32;
	v20 =	vadd.f32 v56, v20;
	v46 =	vmul.f32 v60, v12  }
0x17b: {  	v47 =	vmul.f32 v29, v12;
	v19 =	vadd.f32 v30, v19;
	v49 =	vmul.f32 v28, v28  }
0x17c: {  	v48 =	vmul.f32 v29, v60;
	v5 =	vmul.f32 v60, v60;
	v3 =	vadd.f32 v39, v3  }
0x17d: {  	v17 =	vadd.f32 v50, v17;
	v51 =	vmul.f32 v31, v31;
	v19 =	vadd.f32 v49, v19  }
0x17e: {  	v23 =	vadd.f32 v52, v23;
	v54 =	vmul.f32 v25, v25;
	v59 =	vmul.f32 v27, v27  }
0x17f: {  	v4 =	vadd.f32 v51, v17;
	v33 =	vshra.s32 v19, $0x1;
	v34 =	vmul.f32 $5.000000000e-01, v19  }
0x180: {  	v5 =	vadd.f32 v5, v21;
	v23 =	vadd.f32 v54, v23;
	v53 =	vsub.s32 $0x5F3759DF, v33  }
0x181: {  	v20 =	vadd.f32 v59, v20;
	v35 =	vshra.s32 v4, $0x1;
	v55 =	vmul.f32 v53, v34  }
0x182: {  	v36 =	vmul.f32 $5.000000000e-01, v4;
	v37 =	vshra.s32 v23, $0x1;
	v38 =	vmul.f32 $5.000000000e-01, v23  }
0x183: {  	v43 =	vshra.s32 v20, $0x1;
	v58 =	vsub.s32 $0x5F3759DF, v35;
	v57 =	vmul.f32 v53, v55  }
0x184: {  	v62 =	vsub.s32 $0x5F3759DF, v37;
	v37 =	vmul.f32 $5.000000000e-01, v20;
	v35 =	vmul.f32 v58, v36  }
0x185: {  	v33 =	vsub.s32 $0x5F3759DF, v43;
	v63 =	vmul.f32 v62, v38;
	v24 =	vsub.f32 $1.500000000e+00, v57  }
0x186: {  	v22 =	vadd.f32 v46, v22;
	v45 =	vmul.f32 v33, v37;
	v61 =	vmul.f32 v58, v35  }
0x187: {  	v11 =	vadd.f32 v47, v11;
	v18 =	vmul.f32 v62, v63;
	v17 =	vmul.f32 v53, v24  }
0x188: {  	v10 =	vadd.f32 v48, v10;
	v42 =	vsub.f32 $1.500000000e+00, v61;
	v24 =	vmul.f32 v33, v45  }
0x189: {  	v51 =	vmul.f32 v7, v32;
	v18 =	vsub.f32 $1.500000000e+00, v18;
	v50 =	vmul.f32 v17, v34  }
0x18a: {  	v54 =	vmul.f32 v6, v32;
	v44 =	vmul.f32 v58, v42;
	v24 =	vsub.f32 $1.500000000e+00, v24  }
0x18b: {  	v7 =	vadd.f32 v51, v9;
	v55 =	vld.idx.msk [tilespmem:v15+s21+$0x0], $0xffff;
	v49 =	vmul.f32 v62, v18;
	v18 =	vmul.f32 v50, v17  }
0x18c: {  	v6 =	vadd.f32 v54, v8;
	v52 =	vmul.f32 v44, v36;
	v24 =	vmul.f32 v33, v24  }
0x18d: {  	v15 =	vld.idx.msk [tilespmem:v15+s15+$0x0], $0xffff;
	v35 =	vmul.f32 v31, v28;
	v53 =	vmul.f32 v49, v38;
	v18 =	vsub.f32 $1.500000000e+00, v18  }
0x18e: {  	vm0 =	vgt.f32 v19, $1.000000000e+00;
	v26 =	vmul.f32 v52, v44;
	v57 =	vmul.f32 v24, v37  }
0x18f: {  	vm12 =	vgt.f32 v4, $1.000000000e+00;
	v56 =	vmul.f32 v53, v49;
	v17 =	vmul.f32 v18, v17  }
0x190: {  	v63 =	vmul.f32 v55, v55;
	v58 =	vsub.f32 $1.500000000e+00, v26;
	v60 =	vmul.f32 v57, v24  }
0x191: {  	v30 =	vmul.f32 v27, v55;
	v59 =	vsub.f32 $1.500000000e+00, v56;
	v62 =	vmul.f32 v17, v34  }
0x192: {  	v40 =	vmul.f32 v31, v15;
	v61 =	vmul.f32 v58, v44;
	v29 =	vsub.f32 $1.500000000e+00, v60  }
0x193: {  	vm13 =	vgt.f32 v23, $1.000000000e+00;
	v12 =	vmul.f32 v59, v49;
	v16 =	vmul.f32 v62, v17  }
0x194: {  	vm1 =	vgt.f32 v20, $1.000000000e+00;
	v39 =	vmul.f32 v61, v36;
	v33 =	vmul.f32 v29, v24  }
0x195: {  	v45 =	vmul.f32 v55, v25;
	v43 =	vmul.f32 v12, v38;
	v16 =	vsub.f32 $1.500000000e+00, v16  }
0x196: {  	v11 =	vadd.f32 v35, v11;
	v42 =	vmul.f32 v39, v61;
	v44 =	vmul.f32 v33, v37  }
0x197: {  	v25 =	vmul.f32 v27, v25;
	v2 =	vadd.f32 v63, v2;
	v41 =	vmul.f32 v16, v17  }
0x198: {  	v16 =	vsub.f32 $1.500000000e+00, v42;
	v17 =	vmul.f32 v43, v12;
	v24 =	vmul.f32 v44, v33  }
0x199: {  	v3 =	vadd.f32 v30, v3;
	v34 =	vmul.f32 v15, v28;
	v9 =	vnsel vm0, $0x3F800000, v41  }
0x19a: {  	v14 =	vmul.f32 v16, v61;
	v47 =	vsub.f32 $1.500000000e+00, v17;
	v48 =	vsub.f32 $1.500000000e+00, v24  }
0x19b: {  	v7 =	vadd.f32 v45, v7;
	v15 =	vmul.f32 v15, v15;
	v46 =	vmul.f32 v9, v9  }
0x19c: {  	v14 =	vnsel vm12, $0x3F800000, v14;
	v12 =	vmul.f32 v47, v12;
	v8 =	vmul.f32 v48, v33  }
0x19d: {  	v18 =	vadd.f32 v34, v22;
	v19 =	vmul.f32 v46, v19;
	v49 =	vmul.f32 v14, v14  }
0x19e: {  	v50 =	vmul.f32 v14, v9;
	v12 =	vnsel vm13, $0x3F800000, v12;
	v8 =	vnsel vm1, $0x3F800000, v8  }
0x19f: {  	v6 =	vadd.f32 v25, v6;
	v9 =	vmul.f32 v9, v18;
	v51 =	vmul.f32 v8, v12  }
0x1a0: {  	v10 =	vadd.f32 v40, v10;
	v11 =	vmul.f32 v50, v11;
	v52 =	vmul.f32 v12, v12  }
0x1a1: {  	v5 =	vadd.f32 v15, v5;
	v7 =	vmul.f32 v12, v7;
	v6 =	vmul.f32 v51, v6  }
0x1a2: {  	v10 =	vmul.f32 v14, v10;
	v54 =	vmul.f32 v8, v8;
	v9 =	vsub.f32 v9, v11  }
0x1a3: {  	v3 =	vmul.f32 v8, v3;
	v53 =	vmul.f32 v52, v23;
	v6 =	vsub.f32 v7, v6  }
0x1a4: {  	v5 =	vadd.f32 v19, v5;
	v4 =	vmul.f32 v49, v4;
	v55 =	vsub.f32 v9, v10  }
0x1a5: {  	v56 =	vmul.f32 v54, v20;
	v2 =	vadd.f32 v53, v2;
	v3 =	vsub.f32 v6, v3  }
0x1a6: {  	v4 =	vadd.f32 v4, v5;
	v57 =	vadd.f32 v55, v55  }
0x1a7: {  	v2 =	vadd.f32 v56, v2;
	v3 =	vadd.f32 v3, v3  }
0x1a8: {  	v4 =	vadd.f32 v57, v4  }
0x1a9: {  	v2 =	vadd.f32 v3, v2  }
0x1aa: {  	v3 =	vmax.f32 v4, $0.0e+00  }
0x1ab: {  	v4 =	vshra.s32 v3, $0x1;
	v2 =	vmax.f32 v2, $0.0e+00  }
0x1ac: {  	v58 =	vmul.f32 $5.000000000e-01, v3;
	v59 =	vshra.s32 v2, $0x1;
	v60 =	vmul.f32 $5.000000000e-01, v2  }
0x1ad: {  	v4 =	vsub.s32 $0x5F3759DF, v4;
	v6 =	vsub.s32 $0x5F3759DF, v59  }
0x1ae: {  	v61 =	vmul.f32 v4, v58;
	v62 =	vmul.f32 v6, v60;
	_ =	sdelay $0x1  }
0x1af: {  	v8 =	vmul.f32 v4, v61;
	v9 =	vmul.f32 v6, v62;
	_ =	sdelay $0x1  }
0x1b0: {  	v8 =	vsub.f32 $1.500000000e+00, v8;
	v9 =	vsub.f32 $1.500000000e+00, v9;
	_ =	sdelay $0x1  }
0x1b1: {  	v4 =	vmul.f32 v4, v8;
	v6 =	vmul.f32 v6, v9;
	_ =	sdelay $0x1  }
0x1b2: {  	v8 =	vmul.f32 v4, v58;
	v9 =	vmul.f32 v6, v60;
	_ =	sdelay $0x1  }
0x1b3: {  	v8 =	vmul.f32 v8, v4;
	v9 =	vmul.f32 v9, v6;
	_ =	sdelay $0x1  }
0x1b4: {  	v8 =	vsub.f32 $1.500000000e+00, v8;
	v9 =	vsub.f32 $1.500000000e+00, v9;
	_ =	sdelay $0x1  }
0x1b5: {  	v4 =	vmul.f32 v8, v4;
	v6 =	vmul.f32 v9, v6;
	_ =	sdelay $0x1  }
0x1b6: {  	v5 =	vmul.f32 v4, v58;
	v7 =	vmul.f32 v6, v60;
	_ =	sdelay $0x1  }
0x1b7: {  	v5 =	vmul.f32 v5, v4;
	v7 =	vmul.f32 v7, v6;
	_ =	sdelay $0x1  }
0x1b8: {  	v5 =	vsub.f32 $1.500000000e+00, v5;
	v7 =	vsub.f32 $1.500000000e+00, v7;
	_ =	sdelay $0x1  }
0x1b9: {  	v4 =	vmul.f32 v5, v4;
	v63 =	vmul.f32 v7, v6;
	_ =	sdelay $0x1  }
0x1ba: {  	v4 =	vmul.f32 v4, v3;
	v5 =	vmul.f32 v63, v2  }
0x1bb: {  	vm14 =	vgt.f32 v3, $0.0e+00;
	vm15 =	vgt.f32 v2, $0.0e+00  }
0x1bc: {  	s29 =	sadd.s32 $0x1, s29;
	v2 =	vnsel vm14, $0x0, v4;
	v3 =	vnsel vm15, $0x0, v5  }
0x1bd: {  	p0 =	sne.s32 s29, $0x8;
	v2 =	vsub.f32 v2, v3  }
.Ltmp5:
0x1be: {  	_ = 	snop;
	(pc) =	sbr.rel @p0 .LBB2_10-.Ltmp5, $3  }
0x1bf: {  	v2 =	vadd.f32 $1.000000000e+00, v2;
	_ =	sdelay $0x1  }
0x1c0: {  	v2 =	vmax.f32 v2, $0.0e+00  }
0x1c1: {  	v1 =	vadd.f32 v2, v1  }
0x1c2: {  	s28 =	simm.s32 $0x0  }
0x1c3: {  	[tilespmem:s28], [sflag:$0x2] =	stream.strided.gather [hbm4b:s8+s11], $0x300, s12, s11, $0x38;
	[tilespmem:$0xC310] =	vst v63  }
0x1c4: {  	_ =	swait.ge [sflag:s13], $0x300  }
0x1c5: {  	[sflag:s13] =	ssyncset.done $0x0  }
0x1c6: {  	[sflag:s13] =	ssyncadd.s32 $0xFFFFFD00  }
0x1c7: {  	[tilespmem:s14], [sflag:$0x1] =	stream.indirect.gather [hbm4b:s3+s11], $0x40, s28, s11, $0xb8;
	[tilespmem:$0xC310] =	vst v63  }
0x1c8: {  	_ = 	snop  }
0x1c9: {  	[tilespmem:s15], [sflag:$0x1] =	stream.indirect.gather [hbm4b:s4+s11], $0x40, s11, s11, $0xb8;
	[tilespmem:$0xC310] =	vst v63  }
0x1ca: {  	_ = 	snop  }
0x1cb: {  	[tilespmem:s17], [sflag:$0x1] =	stream.indirect.gather [hbm4b:s3+s11], $0x40, s16, s11, $0xb8;
	[tilespmem:$0xC310] =	vst v63  }
0x1cc: {  	_ = 	snop  }
0x1cd: {  	[tilespmem:s19], [sflag:$0x1] =	stream.indirect.gather [hbm4b:s3+s11], $0x40, s18, s11, $0xb8;
	[tilespmem:$0xC310] =	vst v63  }
0x1ce: {  	_ = 	snop  }
0x1cf: {  	[tilespmem:s21], [sflag:$0x1] =	stream.indirect.gather [hbm4b:s4+s11], $0x40, s20, s11, $0xb8;
	[tilespmem:$0xC310] =	vst v63  }
0x1d0: {  	_ = 	snop  }
0x1d1: {  	[tilespmem:s23], [sflag:$0x1] =	stream.indirect.gather [hbm4b:s3+s11], $0x40, s22, s11, $0xb8;
	[tilespmem:$0xC310] =	vst v63  }
0x1d2: {  	_ =	swait.ge [sflag:s24], $0x2000  }
0x1d3: {  	[sflag:s24] =	ssyncset.done $0x0  }
0x1d4: {  	[sflag:s24] =	ssyncadd.s32 $0xFFFFE000  }
0x1d5: {  	_ =	swait.ge [sflag:s24], $0x2000  }
0x1d6: {  	[sflag:s24] =	ssyncset.done $0x0  }
0x1d7: {  	[sflag:s24] =	ssyncadd.s32 $0xFFFFE000  }
0x1d8: {  	_ =	swait.ge [sflag:s24], $0x2000  }
0x1d9: {  	[sflag:s24] =	ssyncset.done $0x0  }
0x1da: {  	[sflag:s24] =	ssyncadd.s32 $0xFFFFE000  }
0x1db: {  	_ =	swait.ge [sflag:s24], $0x2000  }
0x1dc: {  	[sflag:s24] =	ssyncset.done $0x0  }
0x1dd: {  	[sflag:s24] =	ssyncadd.s32 $0xFFFFE000  }
0x1de: {  	_ =	swait.ge [sflag:s24], $0x2000  }
0x1df: {  	[sflag:s24] =	ssyncset.done $0x0  }
0x1e0: {  	[sflag:s24] =	ssyncadd.s32 $0xFFFFE000  }
0x1e1: {  	_ =	swait.ge [sflag:s24], $0x2000  }
0x1e2: {  	[sflag:s24] =	ssyncset.done $0x0  }
0x1e3: {  	s29 =	simm.s32 $0x0;
	[sflag:s24] =	ssyncadd.s32 $0xFFFFE000  }
.LBB2_14:
0x1e4: {  	s30 =	sshll.u32 s29, $0x4;
	v2 =	vmov s28  }
0x1e5: {  	v3 =	vmov s30;
	v2 =	vand.u32 $0x3F, v2  }
0x1e6: {  	v3 =	vshll.u32 v3, $0x6;
	v2 =	vbroadcast v2, $0x0  }
0x1e7: {  	v15 =	vor.u32 v0, v3  }
0x1e8: {  	v2 =	vor.u32 v15, v2;
	_ =	sdelay $0x4  }
0x1e9: {  	v6 =	vld.idx.msk [tilespmem:v2+s21+$0x0], $0xffff  }
0x1ea: {  	v8 =	vld.idx.msk [tilespmem:v2+s23+$0x0], $0xffff  }
0x1eb: {  	s30 =	simm.s32 $0x1;
	v7 =	vld.idx.msk [tilespmem:v2+s14+$0x0], $0xffff  }
0x1ec: {  	v3 =	vmov s30;
	v9 =	vld.idx.msk [tilespmem:v2+s15+$0x0], $0xffff  }
0x1ed: {  	v3 =	vand.u32 $0x3F, v3;
	v10 =	vld.idx.msk [tilespmem:v2+s17+$0x0], $0xffff  }
0x1ee: {  	v3 =	vbroadcast v3, $0x0  }
0x1ef: {  	v17 =	vimm.f32 $0.0e+00;
	v21 =	vimm.f32 $0.0e+00;
	v11 =	vld.idx.msk [tilespmem:v2+s19+$0x0], $0xffff;
	v2 =	vmul.f32 v6, v6  }
0x1f0: {  	v5 =	vor.u32 v15, v3;
	v4 =	vmul.f32 v8, v8;
	v3 =	vmul.f32 v8, v6  }
0x1f1: {  	v22 =	vimm.f32 $0.0e+00;
	v12 =	vmul.f32 v7, v7;
	v25 =	vmul.f32 v9, v9  }
0x1f2: {  	v23 =	vimm.f32 $0.0e+00;
	v24 =	vmul.f32 v9, v7;
	v27 =	vmul.f32 v10, v10  }
0x1f3: {  	v20 =	vimm.f32 $0.0e+00;
	s30 =	simm.s32 $0x2;
	v18 =	vmul.f32 v10, v7;
	v16 =	vmul.f32 v10, v9  }
0x1f4: {  	v7 =	vmov s30;
	v26 =	vmul.f32 v11, v11;
	v14 =	vmul.f32 v6, v11  }
0x1f5: {  	v13 =	vmul.f32 v8, v11;
	v6 =	vld.idx.msk [tilespmem:v5+s23+$0x0], $0xffff;
	v11 =	vimm.f32 $0.0e+00;
	v10 =	vimm.f32 $0.0e+00  }
0x1f6: {  	v9 =	vimm.f32 $0.0e+00;
	v28 =	vand.u32 $0x3F, v7;
	v7 =	vld.idx.msk [tilespmem:v5+s21+$0x0], $0xffff;
	v2 =	vadd.f32 v2, v17  }
0x1f7: {  	s30 =	simm.s32 $0x3;
	v8 =	vimm.f32 $0.0e+00;
	v3 =	vadd.f32 v3, v17;
	v19 =	vadd.f32 v12, v17;
	v12 =	vld.idx.msk [tilespmem:v5+s14+$0x0], $0xffff  }
.LBB2_15:
0x1f8: {  	p0 =	sne.s32 s30, $0x3F;
	v28 =	vbroadcast v28, $0x0;
	v29 =	vld.idx.msk [tilespmem:v5+s15+$0x0], $0xffff;
	v17 =	vadd.f32 v27, v17;
	v21 =	vadd.f32 v25, v21  }
0x1f9: {  	v22 =	vadd.f32 v24, v22;
	v11 =	vadd.f32 v18, v11;
	v30 =	vld.idx.msk [tilespmem:v5+s17+$0x0], $0xffff  }
0x1fa: {  	v10 =	vadd.f32 v16, v10;
	v23 =	vadd.f32 v26, v23;
	v31 =	vld.idx.msk [tilespmem:v5+s19+$0x0], $0xffff;
	v5 =	vor.u32 v15, v28  }
0x1fb: {  	v20 =	vadd.f32 v4, v20;
	v9 =	vadd.f32 v14, v9;
	v16 =	vmul.f32 v7, v7;
	v14 =	vmovc v7  }
0x1fc: {  	v8 =	vadd.f32 v13, v8;
	v4 =	vmul.f32 v6, v6;
	v7 =	vmul.f32 v6, v14;
	v13 =	vmovc v6  }
.Ltmp6:
0x1fd: {  	v6 =	vmul.f32 v12, v12;
	v2 =	vadd.f32 v16, v2;
	(pc) =	sbr.rel @p0 .LBB2_15-.Ltmp6, $4  }
0x1fe: {  	v25 =	vmul.f32 v29, v29;
	v24 =	vmul.f32 v29, v12;
	v3 =	vadd.f32 v7, v3  }
0x1ff: {  	v19 =	vadd.f32 v6, v19;
	v27 =	vmul.f32 v30, v30;
	v18 =	vmul.f32 v30, v12;
	v7 =	vld.idx.msk [tilespmem:v5+s21+$0x0], $0xffff  }
0x200: {  	v12 =	vmov s30;
	v16 =	vmul.f32 v30, v29;
	v26 =	vmul.f32 v31, v31;
	v6 =	vld.idx.msk [tilespmem:v5+s23+$0x0], $0xffff  }
0x201: {  	s30 =	sadd.s32 $0x1, s30;
	v28 =	vand.u32 $0x3F, v12;
	v14 =	vmul.f32 v14, v31;
	v13 =	vmul.f32 v13, v31;
	v12 =	vld.idx.msk [tilespmem:v5+s14+$0x0], $0xffff  }
0x202: {  	v28 =	vbroadcast v28, $0x0;
	_ =	sdelay $0x1  }
0x203: {  	v15 =	vor.u32 v15, v28;
	_ =	sdelay $0x1  }
0x204: {  	v29 =	vld.idx.msk [tilespmem:v5+s17+$0x0], $0xffff  }
0x205: {  	v32 =	vld.idx.msk [tilespmem:v5+s19+$0x0], $0xffff;
	v17 =	vadd.f32 v27, v17;
	v21 =	vadd.f32 v25, v21  }
0x206: {  	v22 =	vadd.f32 v24, v22;
	v23 =	vadd.f32 v26, v23;
	v60 =	vld.idx.msk [tilespmem:v5+s15+$0x0], $0xffff  }
0x207: {  	v20 =	vadd.f32 v4, v20;
	v11 =	vadd.f32 v18, v11;
	v28 =	vld.idx.msk [tilespmem:v15+s14+$0x0], $0xffff  }
0x208: {  	v10 =	vadd.f32 v16, v10;
	v9 =	vadd.f32 v14, v9;
	v26 =	vmul.f32 v7, v7;
	v31 =	vld.idx.msk [tilespmem:v15+s17+$0x0], $0xffff  }
0x209: {  	v8 =	vadd.f32 v13, v8;
	v56 =	vmul.f32 v6, v6;
	v39 =	vmul.f32 v6, v7;
	v25 =	vld.idx.msk [tilespmem:v15+s19+$0x0], $0xffff  }
0x20a: {  	v30 =	vmul.f32 v12, v12;
	v2 =	vadd.f32 v26, v2;
	v50 =	vmul.f32 v29, v29;
	v27 =	vld.idx.msk [tilespmem:v15+s23+$0x0], $0xffff  }
0x20b: {  	v52 =	vmul.f32 v32, v32;
	v20 =	vadd.f32 v56, v20;
	v46 =	vmul.f32 v60, v12  }
0x20c: {  	v47 =	vmul.f32 v29, v12;
	v19 =	vadd.f32 v30, v19;
	v49 =	vmul.f32 v28, v28  }
0x20d: {  	v48 =	vmul.f32 v29, v60;
	v5 =	vmul.f32 v60, v60;
	v3 =	vadd.f32 v39, v3  }
0x20e: {  	v17 =	vadd.f32 v50, v17;
	v51 =	vmul.f32 v31, v31;
	v19 =	vadd.f32 v49, v19  }
0x20f: {  	v23 =	vadd.f32 v52, v23;
	v54 =	vmul.f32 v25, v25;
	v59 =	vmul.f32 v27, v27  }
0x210: {  	v4 =	vadd.f32 v51, v17;
	v33 =	vshra.s32 v19, $0x1;
	v34 =	vmul.f32 $5.000000000e-01, v19  }
0x211: {  	v5 =	vadd.f32 v5, v21;
	v23 =	vadd.f32 v54, v23;
	v53 =	vsub.s32 $0x5F3759DF, v33  }
0x212: {  	v20 =	vadd.f32 v59, v20;
	v35 =	vshra.s32 v4, $0x1;
	v55 =	vmul.f32 v53, v34  }
0x213: {  	v36 =	vmul.f32 $5.000000000e-01, v4;
	v37 =	vshra.s32 v23, $0x1;
	v38 =	vmul.f32 $5.000000000e-01, v23  }
0x214: {  	v43 =	vshra.s32 v20, $0x1;
	v58 =	vsub.s32 $0x5F3759DF, v35;
	v57 =	vmul.f32 v53, v55  }
0x215: {  	v62 =	vsub.s32 $0x5F3759DF, v37;
	v37 =	vmul.f32 $5.000000000e-01, v20;
	v35 =	vmul.f32 v58, v36  }
0x216: {  	v33 =	vsub.s32 $0x5F3759DF, v43;
	v63 =	vmul.f32 v62, v38;
	v24 =	vsub.f32 $1.500000000e+00, v57  }
0x217: {  	v22 =	vadd.f32 v46, v22;
	v45 =	vmul.f32 v33, v37;
	v61 =	vmul.f32 v58, v35  }
0x218: {  	v11 =	vadd.f32 v47, v11;
	v18 =	vmul.f32 v62, v63;
	v17 =	vmul.f32 v53, v24  }
0x219: {  	v10 =	vadd.f32 v48, v10;
	v42 =	vsub.f32 $1.500000000e+00, v61;
	v24 =	vmul.f32 v33, v45  }
0x21a: {  	v51 =	vmul.f32 v7, v32;
	v18 =	vsub.f32 $1.500000000e+00, v18;
	v50 =	vmul.f32 v17, v34  }
0x21b: {  	v54 =	vmul.f32 v6, v32;
	v44 =	vmul.f32 v58, v42;
	v24 =	vsub.f32 $1.500000000e+00, v24  }
0x21c: {  	v7 =	vadd.f32 v51, v9;
	v55 =	vld.idx.msk [tilespmem:v15+s21+$0x0], $0xffff;
	v49 =	vmul.f32 v62, v18;
	v18 =	vmul.f32 v50, v17  }
0x21d: {  	v6 =	vadd.f32 v54, v8;
	v52 =	vmul.f32 v44, v36;
	v24 =	vmul.f32 v33, v24  }
0x21e: {  	v15 =	vld.idx.msk [tilespmem:v15+s15+$0x0], $0xffff;
	v35 =	vmul.f32 v31, v28;
	v53 =	vmul.f32 v49, v38;
	v18 =	vsub.f32 $1.500000000e+00, v18  }
0x21f: {  	vm0 =	vgt.f32 v19, $1.000000000e+00;
	v26 =	vmul.f32 v52, v44;
	v57 =	vmul.f32 v24, v37  }
0x220: {  	vm12 =	vgt.f32 v4, $1.000000000e+00;
	v56 =	vmul.f32 v53, v49;
	v17 =	vmul.f32 v18, v17  }
0x221: {  	v63 =	vmul.f32 v55, v55;
	v58 =	vsub.f32 $1.500000000e+00, v26;
	v60 =	vmul.f32 v57, v24  }
0x222: {  	v30 =	vmul.f32 v27, v55;
	v59 =	vsub.f32 $1.500000000e+00, v56;
	v62 =	vmul.f32 v17, v34  }
0x223: {  	v40 =	vmul.f32 v31, v15;
	v61 =	vmul.f32 v58, v44;
	v29 =	vsub.f32 $1.500000000e+00, v60  }
0x224: {  	vm13 =	vgt.f32 v23, $1.000000000e+00;
	v12 =	vmul.f32 v59, v49;
	v16 =	vmul.f32 v62, v17  }
0x225: {  	vm1 =	vgt.f32 v20, $1.000000000e+00;
	v39 =	vmul.f32 v61, v36;
	v33 =	vmul.f32 v29, v24  }
0x226: {  	v45 =	vmul.f32 v55, v25;
	v43 =	vmul.f32 v12, v38;
	v16 =	vsub.f32 $1.500000000e+00, v16  }
0x227: {  	v11 =	vadd.f32 v35, v11;
	v42 =	vmul.f32 v39, v61;
	v44 =	vmul.f32 v33, v37  }
0x228: {  	v25 =	vmul.f32 v27, v25;
	v2 =	vadd.f32 v63, v2;
	v41 =	vmul.f32 v16, v17  }
0x229: {  	v16 =	vsub.f32 $1.500000000e+00, v42;
	v17 =	vmul.f32 v43, v12;
	v24 =	vmul.f32 v44, v33  }
0x22a: {  	v3 =	vadd.f32 v30, v3;
	v34 =	vmul.f32 v15, v28;
	v9 =	vnsel vm0, $0x3F800000, v41  }
0x22b: {  	v14 =	vmul.f32 v16, v61;
	v47 =	vsub.f32 $1.500000000e+00, v17;
	v48 =	vsub.f32 $1.500000000e+00, v24  }
0x22c: {  	v7 =	vadd.f32 v45, v7;
	v15 =	vmul.f32 v15, v15;
	v46 =	vmul.f32 v9, v9  }
0x22d: {  	v14 =	vnsel vm12, $0x3F800000, v14;
	v12 =	vmul.f32 v47, v12;
	v8 =	vmul.f32 v48, v33  }
0x22e: {  	v18 =	vadd.f32 v34, v22;
	v19 =	vmul.f32 v46, v19;
	v49 =	vmul.f32 v14, v14  }
0x22f: {  	v50 =	vmul.f32 v14, v9;
	v12 =	vnsel vm13, $0x3F800000, v12;
	v8 =	vnsel vm1, $0x3F800000, v8  }
0x230: {  	v6 =	vadd.f32 v25, v6;
	v9 =	vmul.f32 v9, v18;
	v51 =	vmul.f32 v8, v12  }
0x231: {  	v10 =	vadd.f32 v40, v10;
	v11 =	vmul.f32 v50, v11;
	v52 =	vmul.f32 v12, v12  }
0x232: {  	v5 =	vadd.f32 v15, v5;
	v7 =	vmul.f32 v12, v7;
	v6 =	vmul.f32 v51, v6  }
0x233: {  	v10 =	vmul.f32 v14, v10;
	v54 =	vmul.f32 v8, v8;
	v9 =	vsub.f32 v9, v11  }
0x234: {  	v3 =	vmul.f32 v8, v3;
	v53 =	vmul.f32 v52, v23;
	v6 =	vsub.f32 v7, v6  }
0x235: {  	v5 =	vadd.f32 v19, v5;
	v4 =	vmul.f32 v49, v4;
	v55 =	vsub.f32 v9, v10  }
0x236: {  	v56 =	vmul.f32 v54, v20;
	v2 =	vadd.f32 v53, v2;
	v3 =	vsub.f32 v6, v3  }
0x237: {  	v4 =	vadd.f32 v4, v5;
	v57 =	vadd.f32 v55, v55  }
0x238: {  	v2 =	vadd.f32 v56, v2;
	v3 =	vadd.f32 v3, v3  }
0x239: {  	v4 =	vadd.f32 v57, v4  }
0x23a: {  	v2 =	vadd.f32 v3, v2  }
0x23b: {  	v3 =	vmax.f32 v4, $0.0e+00  }
0x23c: {  	v4 =	vshra.s32 v3, $0x1;
	v2 =	vmax.f32 v2, $0.0e+00  }
0x23d: {  	v58 =	vmul.f32 $5.000000000e-01, v3;
	v59 =	vshra.s32 v2, $0x1;
	v60 =	vmul.f32 $5.000000000e-01, v2  }
0x23e: {  	v4 =	vsub.s32 $0x5F3759DF, v4;
	v6 =	vsub.s32 $0x5F3759DF, v59  }
0x23f: {  	v61 =	vmul.f32 v4, v58;
	v62 =	vmul.f32 v6, v60;
	_ =	sdelay $0x1  }
0x240: {  	v8 =	vmul.f32 v4, v61;
	v9 =	vmul.f32 v6, v62;
	_ =	sdelay $0x1  }
0x241: {  	v8 =	vsub.f32 $1.500000000e+00, v8;
	v9 =	vsub.f32 $1.500000000e+00, v9;
	_ =	sdelay $0x1  }
0x242: {  	v4 =	vmul.f32 v4, v8;
	v6 =	vmul.f32 v6, v9;
	_ =	sdelay $0x1  }
0x243: {  	v8 =	vmul.f32 v4, v58;
	v9 =	vmul.f32 v6, v60;
	_ =	sdelay $0x1  }
0x244: {  	v8 =	vmul.f32 v8, v4;
	v9 =	vmul.f32 v9, v6;
	_ =	sdelay $0x1  }
0x245: {  	v8 =	vsub.f32 $1.500000000e+00, v8;
	v9 =	vsub.f32 $1.500000000e+00, v9;
	_ =	sdelay $0x1  }
0x246: {  	v4 =	vmul.f32 v8, v4;
	v6 =	vmul.f32 v9, v6;
	_ =	sdelay $0x1  }
0x247: {  	v5 =	vmul.f32 v4, v58;
	v7 =	vmul.f32 v6, v60;
	_ =	sdelay $0x1  }
0x248: {  	v5 =	vmul.f32 v5, v4;
	v7 =	vmul.f32 v7, v6;
	_ =	sdelay $0x1  }
0x249: {  	v5 =	vsub.f32 $1.500000000e+00, v5;
	v7 =	vsub.f32 $1.500000000e+00, v7;
	_ =	sdelay $0x1  }
0x24a: {  	v4 =	vmul.f32 v5, v4;
	v63 =	vmul.f32 v7, v6;
	_ =	sdelay $0x1  }
0x24b: {  	v4 =	vmul.f32 v4, v3;
	v5 =	vmul.f32 v63, v2  }
0x24c: {  	vm14 =	vgt.f32 v3, $0.0e+00;
	vm15 =	vgt.f32 v2, $0.0e+00  }
0x24d: {  	s29 =	sadd.s32 $0x1, s29;
	v2 =	vnsel vm14, $0x0, v4;
	v3 =	vnsel vm15, $0x0, v5  }
0x24e: {  	p0 =	sne.s32 s29, $0x8;
	v2 =	vsub.f32 v2, v3  }
.Ltmp7:
0x24f: {  	_ = 	snop;
	(pc) =	sbr.rel @p0 .LBB2_14-.Ltmp7, $3  }
0x250: {  	v2 =	vadd.f32 $1.000000000e+00, v2;
	_ =	sdelay $0x1  }
0x251: {  	v2 =	vmax.f32 v2, $0.0e+00  }
0x252: {  	v1 =	vadd.f32 v2, v1  }
0x253: {  	s26 =	sadd.s32 $0x1, s26  }
0x254: {  	p0 =	sne.s32 s26, s10  }
.Ltmp8:
0x255: {  	[tilespmem:$0xC300] =	vst v1;
	(pc) =	sbr.rel @p0 .LBB2_1-.Ltmp8, $4  }
0x256: {  	[hbm4b:s9+s2] =	stream.linear.scatter [tilespmem:s25], [sflag:$0x2], $0x10, $0x38;
	[tilespmem:$0xC310] =	vst v63  }
0x257: {  	_ =	swait.ge [sflag:s13], $0x10  }
0x258: {  	[sflag:s13] =	ssyncset.done $0x0  }
0x259: {  	[sflag:s13] =	ssyncadd.s32 $0xFFFFFFF0  }
0x25a: {  	_ =	sfence.sel $0x180000  }
0x25b: {  	[bflag:$0x0] =	sbarrier.arrive $0xFFFF  }
0x25c: {  	p0 =	sne.s32 s1, $0x0;
	_ =	strace $0x90000047  }
0x25d: {  	s0 =	sadd.s32 @!p0 $0x100000, s0;
	[bflag:$0x2] =	sbarrier.arrive $0xFFFF  }
0x25e: {  	[sflag:s0] =	ssyncadd.tile.s32 @!p0 $0x1;
	_ =	shalt  }
.Lfunc_end2:
_tile_overlayer_lowered:
.L_overlay_start_2:
0x25f: {  	(tag) =	ssettag $0x2  }
0x260: {  	s0 =	rddreg [dreg:$0x0];
	s2 =	stileid.u32  }
0x261: {  	s1 =	rddreg [dreg:$0x1];
	p0 =	sne.s32 s2, $0x0  }
0x262: {  	s3 =	rddreg [dreg:$0x2];
	[bflag:$0x3] =	sbarrier.arrive $0xFFFF;
	s2 =	simm.s32 @!p0 $0x1C02  }
0x263: {  	[timem:s3], [sflag:s2] =	dma.local @!p0 [hbm:s0], s1  }
0x264: {  	s0 =	simm.s32 @!p0 $0x2  }
0x265: {  	_ =	swait.ge @!p0 [sflag:s0], s1  }
0x266: {  	s1 =	ssub.s32 @!p0 $0x0, s1;
	[sflag:s0] =	ssyncset.done @!p0 $0x0  }
0x267: {  	[sflag:s0] =	ssyncadd.s32 @!p0 s1  }
0x268: {  	[bflag:$0x3] =	sbarrier.arrive $0xFFFF  }
0x269: {  	_ =	shalt  }

</sc_bundles>
